<compile_context>
chip_gen: v7x
topology: tpu7x:2x2x1
jax: 0.10.2.dev20260603
libtpu: 0.0.44.dev20260713+nightly
codegen_flags: <defaults>
</compile_context>

<pallas_src>
import functools

import jax
import jax.numpy as jnp
from jax import lax
from jax.experimental import pallas as pl
from jax.experimental.pallas import tpu as pltpu
from jax.experimental.pallas import tpu_sc as plsc

N = 10000
D = 128
WL = 64
WD = 16
NACC = 10016
E = 320000
NC, NS = 2, 16
KC = 80
NT = 250
EPT = NT * KC
NBUF = 6
NGRPF = NT // NBUF - 1
ZROWS = NACC // NS


def _sc_body(x2_hbm, src_hbm, dst_hbm, out_hbm, outdeg_hbm,
             src_v, dst_v, rows, ones_v, acc, accdeg, *sems):
    c = lax.axis_index("c")
    s = lax.axis_index("s")
    gsems = sems[:NBUF]
    ssems = sems[NBUF:2 * NBUF]
    dsem = sems[2 * NBUF]

    e0 = jnp.where(lax.iota(jnp.int32, 16) == 0, 1.0, 0.0).astype(jnp.float32)
    def orow(i, carry):
        ones_v[i, pl.ds(0, 16)] = e0
        return carry
    lax.fori_loop(0, KC, orow, 0)

    zb = rows.at[0]
    def zrow(i, carry):
        r = i // (WL // 16)
        col = (i % (WL // 16)) * 16
        zb[r, pl.ds(col, 16)] = jnp.zeros((16,), jnp.float32)
        return carry
    lax.fori_loop(0, KC * WL // 16, zrow, 0)
    row0 = s * ZROWS
    nfull = ZROWS // KC
    for j in range(nfull):
        pltpu.sync_copy(zb, acc.at[pl.ds(row0 + j * KC, KC)])
        pltpu.sync_copy(zb.at[pl.ds(0, KC), pl.ds(0, WD)],
                        accdeg.at[pl.ds(row0 + j * KC, KC)])
    rem = ZROWS - nfull * KC
    if rem:
        pltpu.sync_copy(zb.at[pl.ds(0, rem)], acc.at[pl.ds(row0 + nfull * KC, rem)])
        pltpu.sync_copy(zb.at[pl.ds(0, rem), pl.ds(0, WD)],
                        accdeg.at[pl.ds(row0 + nfull * KC, rem)])
    plsc.subcore_barrier()

    pltpu.sync_copy(src_hbm.at[s], src_v)
    pltpu.sync_copy(dst_hbm.at[s], dst_v)
    def remap(i, carry):
        v = src_v[pl.ds(i * 16, 16)]
        src_v[pl.ds(i * 16, 16)] = v + v + c
        return carry
    lax.fori_loop(0, EPT // 16, remap, 0)

    def fire_gather(g, b):
        pltpu.async_copy(
            x2_hbm.at[src_v.at[pl.ds(g * KC, KC)]], rows.at[b], gsems[b])

    def wait_gather(g, b):
        pltpu.make_async_copy(
            x2_hbm.at[src_v.at[pl.ds(g * KC, KC)]], rows.at[b], gsems[b]).wait()

    def fire_scatter(g, b, par):
        pltpu.async_copy(rows.at[b], acc.at[dst_v.at[pl.ds(g * KC, KC)]], ssems[b], add=True)
        @pl.when(c == par)
        def _():
            pltpu.async_copy(ones_v, accdeg.at[dst_v.at[pl.ds(g * KC, KC)]], dsem, add=True)

    def wait_scatter(g, b, par):
        pltpu.make_async_copy(rows.at[b], acc.at[dst_v.at[pl.ds(g * KC, KC)]], ssems[b]).wait()
        @pl.when(c == par)
        def _():
            pltpu.make_async_copy(ones_v, accdeg.at[dst_v.at[pl.ds(g * KC, KC)]], dsem).wait()

    for b in range(NBUF):
        fire_gather(b, b)

    def group(gi, carry):
        for b in range(NBUF):
            g = gi * NBUF + b
            wait_gather(g, b)
            fire_scatter(g, b, b % 2)
            wait_scatter(g, b, b % 2)
            fire_gather(g + NBUF, b)
        return carry
    lax.fori_loop(0, NGRPF, group, 0)

    for g in range(NGRPF * NBUF, NT):
        b = g % NBUF
        wait_gather(g, b)
        fire_scatter(g, b, g % 2)
        wait_scatter(g, b, g % 2)
        if g + NBUF < NT:
            fire_gather(g + NBUF, b)

    plsc.subcore_barrier()

    pltpu.sync_copy(acc.at[pl.ds(row0, ZROWS)],
                    out_hbm.at[pl.ds(row0, ZROWS), pl.ds(c * WL, WL)])
    pltpu.sync_copy(accdeg.at[pl.ds(row0, ZROWS)],
                    outdeg_hbm.at[c, pl.ds(row0, ZROWS)])


@functools.cache
def _sc_scatter():
    return pl.kernel(
        _sc_body,
        out_type=(jax.ShapeDtypeStruct((NACC, D), jnp.float32),
                  jax.ShapeDtypeStruct((NC, NACC, WD), jnp.float32)),
        mesh=plsc.VectorSubcoreMesh(
            core_axis_name="c", subcore_axis_name="s",
            num_cores=NC, num_subcores=NS),
        scratch_types=[
            pltpu.VMEM((EPT,), jnp.int32),
            pltpu.VMEM((EPT,), jnp.int32),
            pltpu.VMEM((NBUF, KC, WL), jnp.float32),
            pltpu.VMEM((KC, WD), jnp.float32),
            pltpu.VMEM_SHARED((NACC, WL), jnp.float32),
            pltpu.VMEM_SHARED((NACC, WD), jnp.float32),
        ] + [pltpu.SemaphoreType.DMA] * (2 * NBUF + 1),
        compiler_params=pltpu.CompilerParams(use_tc_tiling_on_sc=False),
    )


BN = 1000


def _tc_body(x_ref, p_ref, pd_ref, w1a_ref, w1b_ref,
             w2a_ref, w2b_ref, o_ref):
    xb = x_ref[...]
    dg = pd_ref[0, :, 0:1] + pd_ref[1, :, 0:1]
    agg = (jnp.dot(p_ref[...], w1a_ref[...], preferred_element_type=jnp.float32)
           + jnp.dot(xb * dg, w1b_ref[...], preferred_element_type=jnp.float32))
    agg = agg * jnp.float32(1.0 / 9.0)
    o_ref[...] = (
        jnp.dot(jnp.maximum(xb, 0.0), w2a_ref[...], preferred_element_type=jnp.float32)
        + jnp.dot(jnp.maximum(agg, 0.0), w2b_ref[...], preferred_element_type=jnp.float32))


def _tc_finish(x, p, pd, w1a, w1b, w2a, w2b):
    wspec = pl.BlockSpec((D, D), lambda i: (0, 0))
    return pl.pallas_call(
        _tc_body,
        grid=(N // BN,),
        in_specs=[
            pl.BlockSpec((BN, D), lambda i: (i, 0)),
            pl.BlockSpec((BN, D), lambda i: (i, 0)),
            pl.BlockSpec((NC, BN, WD), lambda i: (0, i, 0)),
            wspec, wspec, wspec, wspec,
        ],
        out_specs=pl.BlockSpec((BN, D), lambda i: (i, 0)),
        out_shape=jax.ShapeDtypeStruct((N, D), jnp.float32),
    )(x, p, pd, w1a, w1b, w2a, w2b)


def kernel(x, edge_index, W1, W2):
    ei = edge_index.astype(jnp.int32).T
    src_p = ei[0].reshape(NS, EPT)
    dst_p = ei[1].reshape(NS, EPT)
    x2 = x.reshape(2 * N, WL)
    p, pd = _sc_scatter()(x2, src_p, dst_p)
    return _tc_finish(x, p, pd, W1[:D], W1[D:], W2[:D], W2[D:])

# --- scband reference (transcript-rebuilt; emitter-appended) ---
"""Pipeline reference for scband-mpnn-21071109554679 (READ-ONLY COPY).

The authoritative reference and input builder live on the scoring server;
editing this copy changes nothing except your own understanding.
"""

import jax, jax.numpy as jnp
import numpy as np

N_NODES = 10000
N_EDGES = 320000
D = 128
UNITS = 128


def setup_inputs(seed: int = 0) -> dict:
    key = jax.random.key(seed)
    k1, k2, k3, k4 = jax.random.split(key, 4)
    x = jax.random.normal(k1, (N_NODES, D), dtype=jnp.float32)
    edge_index = jax.random.randint(k2, (N_EDGES, 2), 0, N_NODES)
    # linear1: Dense(units, use_bias=False) applied to concat(sender, receiver) -> in_dim = 2*D
    W1 = jax.random.normal(k3, (2 * D, UNITS), dtype=jnp.float32) * 0.05
    # linear2: Dense(units, use_bias=False) applied to concat(x_input, agg) -> in_dim = 2*UNITS
    W2 = jax.random.normal(k4, (2 * UNITS, UNITS), dtype=jnp.float32) * 0.05
    return {"x": x, "edge_index": edge_index, "W1": W1, "W2": W2}


def reference(x, edge_index, W1, W2):
    scale = 1.0 / 9.0
    sender = jnp.take(x, edge_index[:, 0], axis=0)
    receiver = jnp.take(x, edge_index[:, 1], axis=0)
    messages = jnp.concatenate([sender, receiver], axis=-1)
    messages = (messages @ W1) * scale
    # input_projection is identity since d_feat == units
    x_input = x
    agg = jax.ops.segment_sum(messages, edge_index[:, 1], num_segments=x.shape[0])
    h = jnp.concatenate([x_input, agg], axis=-1)
    h = jax.nn.relu(h)
    return h @ W2

if __name__ == "__main__":
    import jax
    _d = setup_inputs()
    print(jax.jit(kernel)(*tuple(_d.values())))

</pallas_src>

<mosaic_0001>
#map = affine_map<(d0, d1) -> (0, 0)>
#map1 = affine_map<(d0, d1) -> (0, 0, 0)>
module attributes {stable_mosaic.version = 14 : i64} {
  func.func @_sc_body(%arg0: i32, %arg1: i32, %arg2: memref<20000x64xf32, #tpu.memory_space<hbm>>, %arg3: memref<16x20000xi32, #tpu.memory_space<hbm>>, %arg4: memref<16x20000xi32, #tpu.memory_space<hbm>>, %arg5: memref<10016x128xf32, #tpu.memory_space<hbm>>, %arg6: memref<2x10016x16xf32, #tpu.memory_space<hbm>>, %arg7: memref<20000xi32, #tpu.memory_space<vmem>>, %arg8: memref<20000xi32, #tpu.memory_space<vmem>>, %arg9: memref<6x80x64xf32, #tpu.memory_space<vmem>>, %arg10: memref<80x16xf32, #tpu.memory_space<vmem>>, %arg11: memref<10016x64xf32, #tpu.memory_space<vmem_shared>>, %arg12: memref<10016x16xf32, #tpu.memory_space<vmem_shared>>, %arg13: memref<!tpu.dma_semaphore, #tpu.memory_space<semaphore_mem>>, %arg14: memref<!tpu.dma_semaphore, #tpu.memory_space<semaphore_mem>>, %arg15: memref<!tpu.dma_semaphore, #tpu.memory_space<semaphore_mem>>, %arg16: memref<!tpu.dma_semaphore, #tpu.memory_space<semaphore_mem>>, %arg17: memref<!tpu.dma_semaphore, #tpu.memory_space<semaphore_mem>>, %arg18: memref<!tpu.dma_semaphore, #tpu.memory_space<semaphore_mem>>, %arg19: memref<!tpu.dma_semaphore, #tpu.memory_space<semaphore_mem>>, %arg20: memref<!tpu.dma_semaphore, #tpu.memory_space<semaphore_mem>>, %arg21: memref<!tpu.dma_semaphore, #tpu.memory_space<semaphore_mem>>, %arg22: memref<!tpu.dma_semaphore, #tpu.memory_space<semaphore_mem>>, %arg23: memref<!tpu.dma_semaphore, #tpu.memory_space<semaphore_mem>>, %arg24: memref<!tpu.dma_semaphore, #tpu.memory_space<semaphore_mem>>, %arg25: memref<!tpu.dma_semaphore, #tpu.memory_space<semaphore_mem>>) attributes {dimension_semantics = [#tpu.dimension_semantics<core_parallel>, #tpu.dimension_semantics<subcore_parallel>], iteration_bounds = array<i64: 2, 16>, scalar_prefetch = 0 : i64, scratch_operands = 19 : i64, tpu.core_type = #tpu.core_type<sc_vector_subcore>, window_params = [{transform_indices = #map}, {transform_indices = #map}, {transform_indices = #map}, {transform_indices = #map}, {transform_indices = #map1}]} {
    %iota3A = tpu.iota {dimensions = array<i32: 0>} : vector<16xi32>
    %eq3A = arith.constant 0 : i32
    %eq3A_0 = vector.broadcast %eq3A : i32 to vector<16xi32>
    %eq3A_1 = arith.cmpi eq, %iota3A, %eq3A_0 : vector<16xi32>
    %jit3A = arith.constant 1.000000e+00 : f32
    %jit3A_2 = arith.constant 0.000000e+00 : f32
    %broadcast_in_dim3A = vector.broadcast %jit3A : f32 to vector<16xf32>
    %broadcast_in_dim3A_3 = vector.broadcast %jit3A_2 : f32 to vector<16xf32>
    %select_n3A = arith.select %eq3A_1, %broadcast_in_dim3A, %broadcast_in_dim3A_3 : vector<16xi1>, vector<16xf32>
    %scan3A = arith.constant 0 : i32
    %scan3A_4 = arith.constant 0 : i32
    %scan3A_5 = arith.constant 80 : i32
    %scan3A_6 = arith.addi %scan3A_4, %scan3A_5 : i32
    %scan3A_7 = arith.constant 1 : i32
    scf.for %scan3A_574 = %scan3A_4 to %scan3A_6 step %scan3A_7  : i32 {
      %swap3A = arith.index_cast %scan3A_574 : i32 to index
      %swap3A_575 = arith.constant 0 : index
      %swap3A_576 = tpu.vector_load %arg10[%swap3A, %swap3A_575] {strides = array<i32>} : memref<80x16xf32, #tpu.memory_space<vmem>>, vector<1x16xf32>,
      %swap3A_577 = vector.shape_cast %swap3A_576 : vector<1x16xf32> to vector<16xf32>
      %swap3A_578 = vector.shape_cast %select_n3A : vector<16xf32> to vector<1x16xf32>
      tpu.vector_store %arg10[%swap3A, %swap3A_575], %swap3A_578 {strides = array<i32>} : memref<80x16xf32, #tpu.memory_space<vmem>>, vector<1x16xf32>,
    }
    %scan3A_8 = arith.constant 80 : i32
    %scan3A_9 = arith.constant 0 : i32
    %scan3A_10 = arith.constant 0 : i32
    %scan3A_11 = arith.constant 0 : i32
    %scan3A_12 = arith.constant 320 : i32
    %scan3A_13 = arith.addi %scan3A_11, %scan3A_12 : i32
    %scan3A_14 = arith.constant 1 : i32
    scf.for %scan3A_574 = %scan3A_11 to %scan3A_13 step %scan3A_14  : i32 {
      %jit3A_575 = arith.constant 4 : i32
      %div3A = arith.divsi %scan3A_574, %jit3A_575 : i32
      %sign3A = arith.constant 0 : i32
      %sign3A_576 = arith.cmpi sgt, %scan3A_574, %sign3A : i32
      %sign3A_577 = arith.extui %sign3A_576 : i1 to i32
      %sign3A_578 = arith.constant 0 : i32
      %sign3A_579 = arith.cmpi slt, %scan3A_574, %sign3A_578 : i32
      %sign3A_580 = arith.extui %sign3A_579 : i1 to i32
      %sign3A_581 = arith.subi %sign3A_577, %sign3A_580 : i32
      %sign3A_582 = arith.constant 0 : i32
      %sign3A_583 = arith.cmpi sgt, %jit3A_575, %sign3A_582 : i32
      %sign3A_584 = arith.extui %sign3A_583 : i1 to i32
      %sign3A_585 = arith.constant 0 : i32
      %sign3A_586 = arith.cmpi slt, %jit3A_575, %sign3A_585 : i32
      %sign3A_587 = arith.extui %sign3A_586 : i1 to i32
      %sign3A_588 = arith.subi %sign3A_584, %sign3A_587 : i32
      %ne3A = arith.cmpi ne, %sign3A_581, %sign3A_588 : i32
      %rem3A = arith.remsi %scan3A_574, %jit3A_575 : i32
      %ne3A_589 = arith.constant 0 : i32
      %ne3A_590 = arith.cmpi ne, %rem3A, %ne3A_589 : i32
      %and3A = arith.andi %ne3A, %ne3A_590 : i1
      %sub3A = arith.constant 1 : i32
      %sub3A_591 = arith.subi %div3A, %sub3A : i32
      %select_n3A_592 = arith.select %and3A, %sub3A_591, %div3A : i32
      %jit3A_593 = arith.constant 4 : i32
      %eq3A_594 = arith.constant 0 : i32
      %eq3A_595 = arith.cmpi eq, %jit3A_593, %eq3A_594 : i32
      %jit3A_596 = arith.constant 1 : i32
      %select_n3A_597 = arith.select %eq3A_595, %jit3A_596, %jit3A_593 : i32
      %rem3A_598 = arith.remsi %scan3A_574, %select_n3A_597 : i32
      %ne3A_599 = arith.constant 0 : i32
      %ne3A_600 = arith.cmpi ne, %rem3A_598, %ne3A_599 : i32
      %lt3A = arith.constant 0 : i32
      %lt3A_601 = arith.cmpi slt, %rem3A_598, %lt3A : i32
      %lt3A_602 = arith.constant 0 : i32
      %lt3A_603 = arith.cmpi slt, %select_n3A_597, %lt3A_602 : i32
      %ne3A_604 = arith.xori %lt3A_601, %lt3A_603 : i1
      %and3A_605 = arith.andi %ne3A_604, %ne3A_600 : i1
      %add3A_606 = arith.addi %rem3A_598, %select_n3A_597 : i32
      %select_n3A_607 = arith.select %and3A_605, %add3A_606, %rem3A_598 : i32
      %mul3A_608 = arith.constant 16 : i32
      %mul3A_609 = arith.muli %select_n3A_607, %mul3A_608 : i32
      %broadcast_in_dim3A_610 = arith.constant 0.000000e+00 : f32
      %broadcast_in_dim3A_611 = vector.broadcast %broadcast_in_dim3A_610 : f32 to vector<16xf32>
      %swap3A = arith.constant 0 : i32
      %swap3A_612 = arith.constant 0 : i32
      %swap3A_613 = tpu.memref_slice %arg9[%scan3A_10, %swap3A, %swap3A_612] : memref<6x80x64xf32, #tpu.memory_space<vmem>> -> memref<1x80x64xf32, #tpu.memory_space<vmem>>
      %swap3A_614 = tpu.memref_squeeze %swap3A_613 : memref<1x80x64xf32, #tpu.memory_space<vmem>> -> memref<80x64xf32, #tpu.memory_space<vmem>>
      %swap3A_615 = arith.index_cast %select_n3A_592 : i32 to index
      %swap3A_616 = arith.index_cast %mul3A_609 : i32 to index
      %swap3A_617 = tpu.vector_load %swap3A_614[%swap3A_615, %swap3A_616] {strides = array<i32>} : memref<80x64xf32, #tpu.memory_space<vmem>>, vector<1x16xf32>,
      %swap3A_618 = vector.shape_cast %swap3A_617 : vector<1x16xf32> to vector<16xf32>
      %swap3A_619 = vector.shape_cast %broadcast_in_dim3A_611 : vector<16xf32> to vector<1x16xf32>
      tpu.vector_store %swap3A_614[%swap3A_615, %swap3A_616], %swap3A_619 {strides = array<i32>} : memref<80x64xf32, #tpu.memory_space<vmem>>, vector<1x16xf32>,
    }
    %scan3A_15 = arith.constant 320 : i32
    %mul3A = arith.constant 626 : i32
    %mul3A_16 = arith.muli %arg1, %mul3A : i32
    %add3A = arith.constant 0 : i32
    %add3A_17 = arith.addi %mul3A_16, %add3A : i32
    %run_scoped3A = arith.constant 0 : i32
    "tpu.region"() ({
      %run_scoped3A_574 = tpu.sem_alloc : memref<!tpu.dma_semaphore, #tpu.memory_space<semaphore_mem>>
      %dma_start3A_575 = arith.constant 0 : i32
      %dma_start3A_576 = arith.constant 0 : i32
      %dma_start3A_577 = tpu.memref_slice %arg9[%run_scoped3A, %dma_start3A_575, %dma_start3A_576] : memref<6x80x64xf32, #tpu.memory_space<vmem>> -> memref<1x80x64xf32, #tpu.memory_space<vmem>>
      %dma_start3A_578 = tpu.memref_squeeze %dma_start3A_577 : memref<1x80x64xf32, #tpu.memory_space<vmem>> -> memref<80x64xf32, #tpu.memory_space<vmem>>
      %dma_start3A_579 = arith.constant 0 : i32
      %dma_start3A_580 = tpu.memref_slice %arg11[%add3A_17, %dma_start3A_579] : memref<10016x64xf32, #tpu.memory_space<vmem_shared>> -> memref<80x64xf32, #tpu.memory_space<vmem_shared>>
      %dma_start3A_581 = arith.constant 0 : i32
      %dma_start3A_582 = tpu.memref_slice %arg11[%add3A_17, %dma_start3A_581] : memref<10016x64xf32, #tpu.memory_space<vmem_shared>> -> memref<80x64xf32, #tpu.memory_space<vmem_shared>>
      %dma_start3A_583 = arith.constant 0 : i32
      %dma_start3A_584 = arith.constant 0 : i32
      %dma_start3A_585 = tpu.memref_slice %arg9[%run_scoped3A, %dma_start3A_583, %dma_start3A_584] : memref<6x80x64xf32, #tpu.memory_space<vmem>> -> memref<1x80x64xf32, #tpu.memory_space<vmem>>
      %dma_start3A_586 = tpu.memref_squeeze %dma_start3A_585 : memref<1x80x64xf32, #tpu.memory_space<vmem>> -> memref<80x64xf32, #tpu.memory_space<vmem>>
      tpu.enqueue_dma source(%dma_start3A_586 : memref<80x64xf32, #tpu.memory_space<vmem>>) target(%dma_start3A_582 : memref<80x64xf32, #tpu.memory_space<vmem_shared>>) target_semaphore(%run_scoped3A_574 : memref<!tpu.dma_semaphore, #tpu.memory_space<semaphore_mem>>)
      %dma_wait3A_587 = arith.constant 0 : i32
      %dma_wait3A_588 = arith.constant 0 : i32
      %dma_wait3A_589 = tpu.memref_slice %arg9[%run_scoped3A, %dma_wait3A_587, %dma_wait3A_588] : memref<6x80x64xf32, #tpu.memory_space<vmem>> -> memref<1x80x64xf32, #tpu.memory_space<vmem>>
      %dma_wait3A_590 = tpu.memref_squeeze %dma_wait3A_589 : memref<1x80x64xf32, #tpu.memory_space<vmem>> -> memref<80x64xf32, #tpu.memory_space<vmem>>
      %dma_wait3A_591 = arith.constant 0 : i32
      %dma_wait3A_592 = tpu.memref_slice %arg11[%add3A_17, %dma_wait3A_591] : memref<10016x64xf32, #tpu.memory_space<vmem_shared>> -> memref<80x64xf32, #tpu.memory_space<vmem_shared>>
      %dma_wait3A_593 = arith.constant 0 : i32
      %dma_wait3A_594 = tpu.memref_slice %arg11[%add3A_17, %dma_wait3A_593] : memref<10016x64xf32, #tpu.memory_space<vmem_shared>> -> memref<80x64xf32, #tpu.memory_space<vmem_shared>>
      %dma_wait3A_595 = arith.constant 0 : i32
      %dma_wait3A_596 = arith.constant 0 : i32
      %dma_wait3A_597 = tpu.memref_slice %arg9[%run_scoped3A, %dma_wait3A_595, %dma_wait3A_596] : memref<6x80x64xf32, #tpu.memory_space<vmem>> -> memref<1x80x64xf32, #tpu.memory_space<vmem>>
      %dma_wait3A_598 = tpu.memref_squeeze %dma_wait3A_597 : memref<1x80x64xf32, #tpu.memory_space<vmem>> -> memref<80x64xf32, #tpu.memory_space<vmem>>
      tpu.wait_dma2 semaphore(%run_scoped3A_574 : memref<!tpu.dma_semaphore, #tpu.memory_space<semaphore_mem>>) src(%dma_wait3A_598 : memref<80x64xf32, #tpu.memory_space<vmem>>) dst(%dma_wait3A_594 : memref<80x64xf32, #tpu.memory_space<vmem_shared>>)
      tpu.yield
    }) : () -> ()
    %add3A_18 = arith.constant 0 : i32
    %add3A_19 = arith.addi %mul3A_16, %add3A_18 : i32
    %run_scoped3A_20 = arith.constant 0 : i32
    "tpu.region"() ({
      %run_scoped3A_574 = tpu.sem_alloc : memref<!tpu.dma_semaphore, #tpu.memory_space<semaphore_mem>>
      %dma_start3A_575 = arith.constant 0 : i32
      %dma_start3A_576 = arith.constant 0 : i32
      %dma_start3A_577 = tpu.memref_slice %arg9[%run_scoped3A_20, %dma_start3A_575, %dma_start3A_576] : memref<6x80x64xf32, #tpu.memory_space<vmem>> -> memref<1x80x64xf32, #tpu.memory_space<vmem>>
      %dma_start3A_578 = tpu.memref_squeeze %dma_start3A_577 : memref<1x80x64xf32, #tpu.memory_space<vmem>> -> memref<80x64xf32, #tpu.memory_space<vmem>>
      %dma_start3A_579 = arith.constant 0 : i32
      %dma_start3A_580 = arith.constant 0 : i32
      %dma_start3A_581 = tpu.memref_slice %dma_start3A_578[%dma_start3A_579, %dma_start3A_580] : memref<80x64xf32, #tpu.memory_space<vmem>> -> memref<80x16xf32, #tpu.memory_space<vmem>>
      %dma_start3A_582 = arith.constant 0 : i32
      %dma_start3A_583 = tpu.memref_slice %arg12[%add3A_19, %dma_start3A_582] : memref<10016x16xf32, #tpu.memory_space<vmem_shared>> -> memref<80x16xf32, #tpu.memory_space<vmem_shared>>
      %dma_start3A_584 = arith.constant 0 : i32
      %dma_start3A_585 = tpu.memref_slice %arg12[%add3A_19, %dma_start3A_584] : memref<10016x16xf32, #tpu.memory_space<vmem_shared>> -> memref<80x16xf32, #tpu.memory_space<vmem_shared>>
      %dma_start3A_586 = arith.constant 0 : i32
      %dma_start3A_587 = arith.constant 0 : i32
      %dma_start3A_588 = tpu.memref_slice %arg9[%run_scoped3A_20, %dma_start3A_586, %dma_start3A_587] : memref<6x80x64xf32, #tpu.memory_space<vmem>> -> memref<1x80x64xf32, #tpu.memory_space<vmem>>
      %dma_start3A_589 = tpu.memref_squeeze %dma_start3A_588 : memref<1x80x64xf32, #tpu.memory_space<vmem>> -> memref<80x64xf32, #tpu.memory_space<vmem>>
      %dma_start3A_590 = arith.constant 0 : i32
      %dma_start3A_591 = arith.constant 0 : i32
      %dma_start3A_592 = tpu.memref_slice %dma_start3A_589[%dma_start3A_590, %dma_start3A_591] : memref<80x64xf32, #tpu.memory_space<vmem>> -> memref<80x16xf32, #tpu.memory_space<vmem>>
      tpu.enqueue_dma source(%dma_start3A_592 : memref<80x16xf32, #tpu.memory_space<vmem>>) target(%dma_start3A_585 : memref<80x16xf32, #tpu.memory_space<vmem_shared>>) target_semaphore(%run_scoped3A_574 : memref<!tpu.dma_semaphore, #tpu.memory_space<semaphore_mem>>)
      %dma_wait3A_593 = arith.constant 0 : i32
      %dma_wait3A_594 = arith.constant 0 : i32
      %dma_wait3A_595 = tpu.memref_slice %arg9[%run_scoped3A_20, %dma_wait3A_593, %dma_wait3A_594] : memref<6x80x64xf32, #tpu.memory_space<vmem>> -> memref<1x80x64xf32, #tpu.memory_space<vmem>>
      %dma_wait3A_596 = tpu.memref_squeeze %dma_wait3A_595 : memref<1x80x64xf32, #tpu.memory_space<vmem>> -> memref<80x64xf32, #tpu.memory_space<vmem>>
      %dma_wait3A_597 = arith.constant 0 : i32
      %dma_wait3A_598 = arith.constant 0 : i32
      %dma_wait3A_599 = tpu.memref_slice %dma_wait3A_596[%dma_wait3A_597, %dma_wait3A_598] : memref<80x64xf32, #tpu.memory_space<vmem>> -> memref<80x16xf32, #tpu.memory_space<vmem>>
      %dma_wait3A_600 = arith.constant 0 : i32
      %dma_wait3A_601 = tpu.memref_slice %arg12[%add3A_19, %dma_wait3A_600] : memref<10016x16xf32, #tpu.memory_space<vmem_shared>> -> memref<80x16xf32, #tpu.memory_space<vmem_shared>>
      %dma_wait3A_602 = arith.constant 0 : i32
      %dma_wait3A_603 = tpu.memref_slice %arg12[%add3A_19, %dma_wait3A_602] : memref<10016x16xf32, #tpu.memory_space<vmem_shared>> -> memref<80x16xf32, #tpu.memory_space<vmem_shared>>
      %dma_wait3A_604 = arith.constant 0 : i32
      %dma_wait3A_605 = arith.constant 0 : i32
      %dma_wait3A_606 = tpu.memref_slice %arg9[%run_scoped3A_20, %dma_wait3A_604, %dma_wait3A_605] : memref<6x80x64xf32, #tpu.memory_space<vmem>> -> memref<1x80x64xf32, #tpu.memory_space<vmem>>
      %dma_wait3A_607 = tpu.memref_squeeze %dma_wait3A_606 : memref<1x80x64xf32, #tpu.memory_space<vmem>> -> memref<80x64xf32, #tpu.memory_space<vmem>>
      %dma_wait3A_608 = arith.constant 0 : i32
      %dma_wait3A_609 = arith.constant 0 : i32
      %dma_wait3A_610 = tpu.memref_slice %dma_wait3A_607[%dma_wait3A_608, %dma_wait3A_609] : memref<80x64xf32, #tpu.memory_space<vmem>> -> memref<80x16xf32, #tpu.memory_space<vmem>>
      tpu.wait_dma2 semaphore(%run_scoped3A_574 : memref<!tpu.dma_semaphore, #tpu.memory_space<semaphore_mem>>) src(%dma_wait3A_610 : memref<80x16xf32, #tpu.memory_space<vmem>>) dst(%dma_wait3A_603 : memref<80x16xf32, #tpu.memory_space<vmem_shared>>)
      tpu.yield
    }) : () -> ()
    %add3A_21 = arith.constant 80 : i32
    %add3A_22 = arith.addi %mul3A_16, %add3A_21 : i32
    %run_scoped3A_23 = arith.constant 0 : i32
    "tpu.region"() ({
      %run_scoped3A_574 = tpu.sem_alloc : memref<!tpu.dma_semaphore, #tpu.memory_space<semaphore_mem>>
      %dma_start3A_575 = arith.constant 0 : i32
      %dma_start3A_576 = arith.constant 0 : i32
      %dma_start3A_577 = tpu.memref_slice %arg9[%run_scoped3A_23, %dma_start3A_575, %dma_start3A_576] : memref<6x80x64xf32, #tpu.memory_space<vmem>> -> memref<1x80x64xf32, #tpu.memory_space<vmem>>
      %dma_start3A_578 = tpu.memref_squeeze %dma_start3A_577 : memref<1x80x64xf32, #tpu.memory_space<vmem>> -> memref<80x64xf32, #tpu.memory_space<vmem>>
      %dma_start3A_579 = arith.constant 0 : i32
      %dma_start3A_580 = tpu.memref_slice %arg11[%add3A_22, %dma_start3A_579] : memref<10016x64xf32, #tpu.memory_space<vmem_shared>> -> memref<80x64xf32, #tpu.memory_space<vmem_shared>>
      %dma_start3A_581 = arith.constant 0 : i32
      %dma_start3A_582 = tpu.memref_slice %arg11[%add3A_22, %dma_start3A_581] : memref<10016x64xf32, #tpu.memory_space<vmem_shared>> -> memref<80x64xf32, #tpu.memory_space<vmem_shared>>
      %dma_start3A_583 = arith.constant 0 : i32
      %dma_start3A_584 = arith.constant 0 : i32
      %dma_start3A_585 = tpu.memref_slice %arg9[%run_scoped3A_23, %dma_start3A_583, %dma_start3A_584] : memref<6x80x64xf32, #tpu.memory_space<vmem>> -> memref<1x80x64xf32, #tpu.memory_space<vmem>>
      %dma_start3A_586 = tpu.memref_squeeze %dma_start3A_585 : memref<1x80x64xf32, #tpu.memory_space<vmem>> -> memref<80x64xf32, #tpu.memory_space<vmem>>
      tpu.enqueue_dma source(%dma_start3A_586 : memref<80x64xf32, #tpu.memory_space<vmem>>) target(%dma_start3A_582 : memref<80x64xf32, #tpu.memory_space<vmem_shared>>) target_semaphore(%run_scoped3A_574 : memref<!tpu.dma_semaphore, #tpu.memory_space<semaphore_mem>>)
      %dma_wait3A_587 = arith.constant 0 : i32
      %dma_wait3A_588 = arith.constant 0 : i32
      %dma_wait3A_589 = tpu.memref_slice %arg9[%run_scoped3A_23, %dma_wait3A_587, %dma_wait3A_588] : memref<6x80x64xf32, #tpu.memory_space<vmem>> -> memref<1x80x64xf32, #tpu.memory_space<vmem>>
      %dma_wait3A_590 = tpu.memref_squeeze %dma_wait3A_589 : memref<1x80x64xf32, #tpu.memory_space<vmem>> -> memref<80x64xf32, #tpu.memory_space<vmem>>
      %dma_wait3A_591 = arith.constant 0 : i32
      %dma_wait3A_592 = tpu.memref_slice %arg11[%add3A_22, %dma_wait3A_591] : memref<10016x64xf32, #tpu.memory_space<vmem_shared>> -> memref<80x64xf32, #tpu.memory_space<vmem_shared>>
      %dma_wait3A_593 = arith.constant 0 : i32
      %dma_wait3A_594 = tpu.memref_slice %arg11[%add3A_22, %dma_wait3A_593] : memref<10016x64xf32, #tpu.memory_space<vmem_shared>> -> memref<80x64xf32, #tpu.memory_space<vmem_shared>>
      %dma_wait3A_595 = arith.constant 0 : i32
      %dma_wait3A_596 = arith.constant 0 : i32
      %dma_wait3A_597 = tpu.memref_slice %arg9[%run_scoped3A_23, %dma_wait3A_595, %dma_wait3A_596] : memref<6x80x64xf32, #tpu.memory_space<vmem>> -> memref<1x80x64xf32, #tpu.memory_space<vmem>>
      %dma_wait3A_598 = tpu.memref_squeeze %dma_wait3A_597 : memref<1x80x64xf32, #tpu.memory_space<vmem>> -> memref<80x64xf32, #tpu.memory_space<vmem>>
      tpu.wait_dma2 semaphore(%run_scoped3A_574 : memref<!tpu.dma_semaphore, #tpu.memory_space<semaphore_mem>>) src(%dma_wait3A_598 : memref<80x64xf32, #tpu.memory_space<vmem>>) dst(%dma_wait3A_594 : memref<80x64xf32, #tpu.memory_space<vmem_shared>>)
      tpu.yield
    }) : () -> ()
    %add3A_24 = arith.constant 80 : i32
    %add3A_25 = arith.addi %mul3A_16, %add3A_24 : i32
    %run_scoped3A_26 = arith.constant 0 : i32
    "tpu.region"() ({
      %run_scoped3A_574 = tpu.sem_alloc : memref<!tpu.dma_semaphore, #tpu.memory_space<semaphore_mem>>
      %dma_start3A_575 = arith.constant 0 : i32
      %dma_start3A_576 = arith.constant 0 : i32
      %dma_start3A_577 = tpu.memref_slice %arg9[%run_scoped3A_26, %dma_start3A_575, %dma_start3A_576] : memref<6x80x64xf32, #tpu.memory_space<vmem>> -> memref<1x80x64xf32, #tpu.memory_space<vmem>>
      %dma_start3A_578 = tpu.memref_squeeze %dma_start3A_577 : memref<1x80x64xf32, #tpu.memory_space<vmem>> -> memref<80x64xf32, #tpu.memory_space<vmem>>
      %dma_start3A_579 = arith.constant 0 : i32
      %dma_start3A_580 = arith.constant 0 : i32
      %dma_start3A_581 = tpu.memref_slice %dma_start3A_578[%dma_start3A_579, %dma_start3A_580] : memref<80x64xf32, #tpu.memory_space<vmem>> -> memref<80x16xf32, #tpu.memory_space<vmem>>
      %dma_start3A_582 = arith.constant 0 : i32
      %dma_start3A_583 = tpu.memref_slice %arg12[%add3A_25, %dma_start3A_582] : memref<10016x16xf32, #tpu.memory_space<vmem_shared>> -> memref<80x16xf32, #tpu.memory_space<vmem_shared>>
      %dma_start3A_584 = arith.constant 0 : i32
      %dma_start3A_585 = tpu.memref_slice %arg12[%add3A_25, %dma_start3A_584] : memref<10016x16xf32, #tpu.memory_space<vmem_shared>> -> memref<80x16xf32, #tpu.memory_space<vmem_shared>>
      %dma_start3A_586 = arith.constant 0 : i32
      %dma_start3A_587 = arith.constant 0 : i32
      %dma_start3A_588 = tpu.memref_slice %arg9[%run_scoped3A_26, %dma_start3A_586, %dma_start3A_587] : memref<6x80x64xf32, #tpu.memory_space<vmem>> -> memref<1x80x64xf32, #tpu.memory_space<vmem>>
      %dma_start3A_589 = tpu.memref_squeeze %dma_start3A_588 : memref<1x80x64xf32, #tpu.memory_space<vmem>> -> memref<80x64xf32, #tpu.memory_space<vmem>>
      %dma_start3A_590 = arith.constant 0 : i32
      %dma_start3A_591 = arith.constant 0 : i32
      %dma_start3A_592 = tpu.memref_slice %dma_start3A_589[%dma_start3A_590, %dma_start3A_591] : memref<80x64xf32, #tpu.memory_space<vmem>> -> memref<80x16xf32, #tpu.memory_space<vmem>>
      tpu.enqueue_dma source(%dma_start3A_592 : memref<80x16xf32, #tpu.memory_space<vmem>>) target(%dma_start3A_585 : memref<80x16xf32, #tpu.memory_space<vmem_shared>>) target_semaphore(%run_scoped3A_574 : memref<!tpu.dma_semaphore, #tpu.memory_space<semaphore_mem>>)
      %dma_wait3A_593 = arith.constant 0 : i32
      %dma_wait3A_594 = arith.constant 0 : i32
      %dma_wait3A_595 = tpu.memref_slice %arg9[%run_scoped3A_26, %dma_wait3A_593, %dma_wait3A_594] : memref<6x80x64xf32, #tpu.memory_space<vmem>> -> memref<1x80x64xf32, #tpu.memory_space<vmem>>
      %dma_wait3A_596 = tpu.memref_squeeze %dma_wait3A_595 : memref<1x80x64xf32, #tpu.memory_space<vmem>> -> memref<80x64xf32, #tpu.memory_space<vmem>>
      %dma_wait3A_597 = arith.constant 0 : i32
      %dma_wait3A_598 = arith.constant 0 : i32
      %dma_wait3A_599 = tpu.memref_slice %dma_wait3A_596[%dma_wait3A_597, %dma_wait3A_598] : memref<80x64xf32, #tpu.memory_space<vmem>> -> memref<80x16xf32, #tpu.memory_space<vmem>>
      %dma_wait3A_600 = arith.constant 0 : i32
      %dma_wait3A_601 = tpu.memref_slice %arg12[%add3A_25, %dma_wait3A_600] : memref<10016x16xf32, #tpu.memory_space<vmem_shared>> -> memref<80x16xf32, #tpu.memory_space<vmem_shared>>
      %dma_wait3A_602 = arith.constant 0 : i32
      %dma_wait3A_603 = tpu.memref_slice %arg12[%add3A_25, %dma_wait3A_602] : memref<10016x16xf32, #tpu.memory_space<vmem_shared>> -> memref<80x16xf32, #tpu.memory_space<vmem_shared>>
      %dma_wait3A_604 = arith.constant 0 : i32
      %dma_wait3A_605 = arith.constant 0 : i32
      %dma_wait3A_606 = tpu.memref_slice %arg9[%run_scoped3A_26, %dma_wait3A_604, %dma_wait3A_605] : memref<6x80x64xf32, #tpu.memory_space<vmem>> -> memref<1x80x64xf32, #tpu.memory_space<vmem>>
      %dma_wait3A_607 = tpu.memref_squeeze %dma_wait3A_606 : memref<1x80x64xf32, #tpu.memory_space<vmem>> -> memref<80x64xf32, #tpu.memory_space<vmem>>
      %dma_wait3A_608 = arith.constant 0 : i32
      %dma_wait3A_609 = arith.constant 0 : i32
      %dma_wait3A_610 = tpu.memref_slice %dma_wait3A_607[%dma_wait3A_608, %dma_wait3A_609] : memref<80x64xf32, #tpu.memory_space<vmem>> -> memref<80x16xf32, #tpu.memory_space<vmem>>
      tpu.wait_dma2 semaphore(%run_scoped3A_574 : memref<!tpu.dma_semaphore, #tpu.memory_space<semaphore_mem>>) src(%dma_wait3A_610 : memref<80x16xf32, #tpu.memory_space<vmem>>) dst(%dma_wait3A_603 : memref<80x16xf32, #tpu.memory_space<vmem_shared>>)
      tpu.yield
    }) : () -> ()
    %add3A_27 = arith.constant 160 : i32
    %add3A_28 = arith.addi %mul3A_16, %add3A_27 : i32
    %run_scoped3A_29 = arith.constant 0 : i32
    "tpu.region"() ({
      %run_scoped3A_574 = tpu.sem_alloc : memref<!tpu.dma_semaphore, #tpu.memory_space<semaphore_mem>>
      %dma_start3A_575 = arith.constant 0 : i32
      %dma_start3A_576 = arith.constant 0 : i32
      %dma_start3A_577 = tpu.memref_slice %arg9[%run_scoped3A_29, %dma_start3A_575, %dma_start3A_576] : memref<6x80x64xf32, #tpu.memory_space<vmem>> -> memref<1x80x64xf32, #tpu.memory_space<vmem>>
      %dma_start3A_578 = tpu.memref_squeeze %dma_start3A_577 : memref<1x80x64xf32, #tpu.memory_space<vmem>> -> memref<80x64xf32, #tpu.memory_space<vmem>>
      %dma_start3A_579 = arith.constant 0 : i32
      %dma_start3A_580 = tpu.memref_slice %arg11[%add3A_28, %dma_start3A_579] : memref<10016x64xf32, #tpu.memory_space<vmem_shared>> -> memref<80x64xf32, #tpu.memory_space<vmem_shared>>
      %dma_start3A_581 = arith.constant 0 : i32
      %dma_start3A_582 = tpu.memref_slice %arg11[%add3A_28, %dma_start3A_581] : memref<10016x64xf32, #tpu.memory_space<vmem_shared>> -> memref<80x64xf32, #tpu.memory_space<vmem_shared>>
      %dma_start3A_583 = arith.constant 0 : i32
      %dma_start3A_584 = arith.constant 0 : i32
      %dma_start3A_585 = tpu.memref_slice %arg9[%run_scoped3A_29, %dma_start3A_583, %dma_start3A_584] : memref<6x80x64xf32, #tpu.memory_space<vmem>> -> memref<1x80x64xf32, #tpu.memory_space<vmem>>
      %dma_start3A_586 = tpu.memref_squeeze %dma_start3A_585 : memref<1x80x64xf32, #tpu.memory_space<vmem>> -> memref<80x64xf32, #tpu.memory_space<vmem>>
      tpu.enqueue_dma source(%dma_start3A_586 : memref<80x64xf32, #tpu.memory_space<vmem>>) target(%dma_start3A_582 : memref<80x64xf32, #tpu.memory_space<vmem_shared>>) target_semaphore(%run_scoped3A_574 : memref<!tpu.dma_semaphore, #tpu.memory_space<semaphore_mem>>)
      %dma_wait3A_587 = arith.constant 0 : i32
      %dma_wait3A_588 = arith.constant 0 : i32
      %dma_wait3A_589 = tpu.memref_slice %arg9[%run_scoped3A_29, %dma_wait3A_587, %dma_wait3A_588] : memref<6x80x64xf32, #tpu.memory_space<vmem>> -> memref<1x80x64xf32, #tpu.memory_space<vmem>>
      %dma_wait3A_590 = tpu.memref_squeeze %dma_wait3A_589 : memref<1x80x64xf32, #tpu.memory_space<vmem>> -> memref<80x64xf32, #tpu.memory_space<vmem>>
      %dma_wait3A_591 = arith.constant 0 : i32
      %dma_wait3A_592 = tpu.memref_slice %arg11[%add3A_28, %dma_wait3A_591] : memref<10016x64xf32, #tpu.memory_space<vmem_shared>> -> memref<80x64xf32, #tpu.memory_space<vmem_shared>>
      %dma_wait3A_593 = arith.constant 0 : i32
      %dma_wait3A_594 = tpu.memref_slice %arg11[%add3A_28, %dma_wait3A_593] : memref<10016x64xf32, #tpu.memory_space<vmem_shared>> -> memref<80x64xf32, #tpu.memory_space<vmem_shared>>
      %dma_wait3A_595 = arith.constant 0 : i32
      %dma_wait3A_596 = arith.constant 0 : i32
      %dma_wait3A_597 = tpu.memref_slice %arg9[%run_scoped3A_29, %dma_wait3A_595, %dma_wait3A_596] : memref<6x80x64xf32, #tpu.memory_space<vmem>> -> memref<1x80x64xf32, #tpu.memory_space<vmem>>
      %dma_wait3A_598 = tpu.memref_squeeze %dma_wait3A_597 : memref<1x80x64xf32, #tpu.memory_space<vmem>> -> memref<80x64xf32, #tpu.memory_space<vmem>>
      tpu.wait_dma2 semaphore(%run_scoped3A_574 : memref<!tpu.dma_semaphore, #tpu.memory_space<semaphore_mem>>) src(%dma_wait3A_598 : memref<80x64xf32, #tpu.memory_space<vmem>>) dst(%dma_wait3A_594 : memref<80x64xf32, #tpu.memory_space<vmem_shared>>)
      tpu.yield
    }) : () -> ()
    %add3A_30 = arith.constant 160 : i32
    %add3A_31 = arith.addi %mul3A_16, %add3A_30 : i32
    %run_scoped3A_32 = arith.constant 0 : i32
    "tpu.region"() ({
      %run_scoped3A_574 = tpu.sem_alloc : memref<!tpu.dma_semaphore, #tpu.memory_space<semaphore_mem>>
      %dma_start3A_575 = arith.constant 0 : i32
      %dma_start3A_576 = arith.constant 0 : i32
      %dma_start3A_577 = tpu.memref_slice %arg9[%run_scoped3A_32, %dma_start3A_575, %dma_start3A_576] : memref<6x80x64xf32, #tpu.memory_space<vmem>> -> memref<1x80x64xf32, #tpu.memory_space<vmem>>
      %dma_start3A_578 = tpu.memref_squeeze %dma_start3A_577 : memref<1x80x64xf32, #tpu.memory_space<vmem>> -> memref<80x64xf32, #tpu.memory_space<vmem>>
      %dma_start3A_579 = arith.constant 0 : i32
      %dma_start3A_580 = arith.constant 0 : i32
      %dma_start3A_581 = tpu.memref_slice %dma_start3A_578[%dma_start3A_579, %dma_start3A_580] : memref<80x64xf32, #tpu.memory_space<vmem>> -> memref<80x16xf32, #tpu.memory_space<vmem>>
      %dma_start3A_582 = arith.constant 0 : i32
      %dma_start3A_583 = tpu.memref_slice %arg12[%add3A_31, %dma_start3A_582] : memref<10016x16xf32, #tpu.memory_space<vmem_shared>> -> memref<80x16xf32, #tpu.memory_space<vmem_shared>>
      %dma_start3A_584 = arith.constant 0 : i32
      %dma_start3A_585 = tpu.memref_slice %arg12[%add3A_31, %dma_start3A_584] : memref<10016x16xf32, #tpu.memory_space<vmem_shared>> -> memref<80x16xf32, #tpu.memory_space<vmem_shared>>
      %dma_start3A_586 = arith.constant 0 : i32
      %dma_start3A_587 = arith.constant 0 : i32
      %dma_start3A_588 = tpu.memref_slice %arg9[%run_scoped3A_32, %dma_start3A_586, %dma_start3A_587] : memref<6x80x64xf32, #tpu.memory_space<vmem>> -> memref<1x80x64xf32, #tpu.memory_space<vmem>>
      %dma_start3A_589 = tpu.memref_squeeze %dma_start3A_588 : memref<1x80x64xf32, #tpu.memory_space<vmem>> -> memref<80x64xf32, #tpu.memory_space<vmem>>
      %dma_start3A_590 = arith.constant 0 : i32
      %dma_start3A_591 = arith.constant 0 : i32
      %dma_start3A_592 = tpu.memref_slice %dma_start3A_589[%dma_start3A_590, %dma_start3A_591] : memref<80x64xf32, #tpu.memory_space<vmem>> -> memref<80x16xf32, #tpu.memory_space<vmem>>
      tpu.enqueue_dma source(%dma_start3A_592 : memref<80x16xf32, #tpu.memory_space<vmem>>) target(%dma_start3A_585 : memref<80x16xf32, #tpu.memory_space<vmem_shared>>) target_semaphore(%run_scoped3A_574 : memref<!tpu.dma_semaphore, #tpu.memory_space<semaphore_mem>>)
      %dma_wait3A_593 = arith.constant 0 : i32
      %dma_wait3A_594 = arith.constant 0 : i32
      %dma_wait3A_595 = tpu.memref_slice %arg9[%run_scoped3A_32, %dma_wait3A_593, %dma_wait3A_594] : memref<6x80x64xf32, #tpu.memory_space<vmem>> -> memref<1x80x64xf32, #tpu.memory_space<vmem>>
      %dma_wait3A_596 = tpu.memref_squeeze %dma_wait3A_595 : memref<1x80x64xf32, #tpu.memory_space<vmem>> -> memref<80x64xf32, #tpu.memory_space<vmem>>
      %dma_wait3A_597 = arith.constant 0 : i32
      %dma_wait3A_598 = arith.constant 0 : i32
      %dma_wait3A_599 = tpu.memref_slice %dma_wait3A_596[%dma_wait3A_597, %dma_wait3A_598] : memref<80x64xf32, #tpu.memory_space<vmem>> -> memref<80x16xf32, #tpu.memory_space<vmem>>
      %dma_wait3A_600 = arith.constant 0 : i32
      %dma_wait3A_601 = tpu.memref_slice %arg12[%add3A_31, %dma_wait3A_600] : memref<10016x16xf32, #tpu.memory_space<vmem_shared>> -> memref<80x16xf32, #tpu.memory_space<vmem_shared>>
      %dma_wait3A_602 = arith.constant 0 : i32
      %dma_wait3A_603 = tpu.memref_slice %arg12[%add3A_31, %dma_wait3A_602] : memref<10016x16xf32, #tpu.memory_space<vmem_shared>> -> memref<80x16xf32, #tpu.memory_space<vmem_shared>>
      %dma_wait3A_604 = arith.constant 0 : i32
      %dma_wait3A_605 = arith.constant 0 : i32
      %dma_wait3A_606 = tpu.memref_slice %arg9[%run_scoped3A_32, %dma_wait3A_604, %dma_wait3A_605] : memref<6x80x64xf32, #tpu.memory_space<vmem>> -> memref<1x80x64xf32, #tpu.memory_space<vmem>>
      %dma_wait3A_607 = tpu.memref_squeeze %dma_wait3A_606 : memref<1x80x64xf32, #tpu.memory_space<vmem>> -> memref<80x64xf32, #tpu.memory_space<vmem>>
      %dma_wait3A_608 = arith.constant 0 : i32
      %dma_wait3A_609 = arith.constant 0 : i32
      %dma_wait3A_610 = tpu.memref_slice %dma_wait3A_607[%dma_wait3A_608, %dma_wait3A_609] : memref<80x64xf32, #tpu.memory_space<vmem>> -> memref<80x16xf32, #tpu.memory_space<vmem>>
      tpu.wait_dma2 semaphore(%run_scoped3A_574 : memref<!tpu.dma_semaphore, #tpu.memory_space<semaphore_mem>>) src(%dma_wait3A_610 : memref<80x16xf32, #tpu.memory_space<vmem>>) dst(%dma_wait3A_603 : memref<80x16xf32, #tpu.memory_space<vmem_shared>>)
      tpu.yield
    }) : () -> ()
    %add3A_33 = arith.constant 240 : i32
    %add3A_34 = arith.addi %mul3A_16, %add3A_33 : i32
    %run_scoped3A_35 = arith.constant 0 : i32
    "tpu.region"() ({
      %run_scoped3A_574 = tpu.sem_alloc : memref<!tpu.dma_semaphore, #tpu.memory_space<semaphore_mem>>
      %dma_start3A_575 = arith.constant 0 : i32
      %dma_start3A_576 = arith.constant 0 : i32
      %dma_start3A_577 = tpu.memref_slice %arg9[%run_scoped3A_35, %dma_start3A_575, %dma_start3A_576] : memref<6x80x64xf32, #tpu.memory_space<vmem>> -> memref<1x80x64xf32, #tpu.memory_space<vmem>>
      %dma_start3A_578 = tpu.memref_squeeze %dma_start3A_577 : memref<1x80x64xf32, #tpu.memory_space<vmem>> -> memref<80x64xf32, #tpu.memory_space<vmem>>
      %dma_start3A_579 = arith.constant 0 : i32
      %dma_start3A_580 = tpu.memref_slice %arg11[%add3A_34, %dma_start3A_579] : memref<10016x64xf32, #tpu.memory_space<vmem_shared>> -> memref<80x64xf32, #tpu.memory_space<vmem_shared>>
      %dma_start3A_581 = arith.constant 0 : i32
      %dma_start3A_582 = tpu.memref_slice %arg11[%add3A_34, %dma_start3A_581] : memref<10016x64xf32, #tpu.memory_space<vmem_shared>> -> memref<80x64xf32, #tpu.memory_space<vmem_shared>>
      %dma_start3A_583 = arith.constant 0 : i32
      %dma_start3A_584 = arith.constant 0 : i32
      %dma_start3A_585 = tpu.memref_slice %arg9[%run_scoped3A_35, %dma_start3A_583, %dma_start3A_584] : memref<6x80x64xf32, #tpu.memory_space<vmem>> -> memref<1x80x64xf32, #tpu.memory_space<vmem>>
      %dma_start3A_586 = tpu.memref_squeeze %dma_start3A_585 : memref<1x80x64xf32, #tpu.memory_space<vmem>> -> memref<80x64xf32, #tpu.memory_space<vmem>>
      tpu.enqueue_dma source(%dma_start3A_586 : memref<80x64xf32, #tpu.memory_space<vmem>>) target(%dma_start3A_582 : memref<80x64xf32, #tpu.memory_space<vmem_shared>>) target_semaphore(%run_scoped3A_574 : memref<!tpu.dma_semaphore, #tpu.memory_space<semaphore_mem>>)
      %dma_wait3A_587 = arith.constant 0 : i32
      %dma_wait3A_588 = arith.constant 0 : i32
      %dma_wait3A_589 = tpu.memref_slice %arg9[%run_scoped3A_35, %dma_wait3A_587, %dma_wait3A_588] : memref<6x80x64xf32, #tpu.memory_space<vmem>> -> memref<1x80x64xf32, #tpu.memory_space<vmem>>
      %dma_wait3A_590 = tpu.memref_squeeze %dma_wait3A_589 : memref<1x80x64xf32, #tpu.memory_space<vmem>> -> memref<80x64xf32, #tpu.memory_space<vmem>>
      %dma_wait3A_591 = arith.constant 0 : i32
      %dma_wait3A_592 = tpu.memref_slice %arg11[%add3A_34, %dma_wait3A_591] : memref<10016x64xf32, #tpu.memory_space<vmem_shared>> -> memref<80x64xf32, #tpu.memory_space<vmem_shared>>
      %dma_wait3A_593 = arith.constant 0 : i32
      %dma_wait3A_594 = tpu.memref_slice %arg11[%add3A_34, %dma_wait3A_593] : memref<10016x64xf32, #tpu.memory_space<vmem_shared>> -> memref<80x64xf32, #tpu.memory_space<vmem_shared>>
      %dma_wait3A_595 = arith.constant 0 : i32
      %dma_wait3A_596 = arith.constant 0 : i32
      %dma_wait3A_597 = tpu.memref_slice %arg9[%run_scoped3A_35, %dma_wait3A_595, %dma_wait3A_596] : memref<6x80x64xf32, #tpu.memory_space<vmem>> -> memref<1x80x64xf32, #tpu.memory_space<vmem>>
      %dma_wait3A_598 = tpu.memref_squeeze %dma_wait3A_597 : memref<1x80x64xf32, #tpu.memory_space<vmem>> -> memref<80x64xf32, #tpu.memory_space<vmem>>
      tpu.wait_dma2 semaphore(%run_scoped3A_574 : memref<!tpu.dma_semaphore, #tpu.memory_space<semaphore_mem>>) src(%dma_wait3A_598 : memref<80x64xf32, #tpu.memory_space<vmem>>) dst(%dma_wait3A_594 : memref<80x64xf32, #tpu.memory_space<vmem_shared>>)
      tpu.yield
    }) : () -> ()
    %add3A_36 = arith.constant 240 : i32
    %add3A_37 = arith.addi %mul3A_16, %add3A_36 : i32
    %run_scoped3A_38 = arith.constant 0 : i32
    "tpu.region"() ({
      %run_scoped3A_574 = tpu.sem_alloc : memref<!tpu.dma_semaphore, #tpu.memory_space<semaphore_mem>>
      %dma_start3A_575 = arith.constant 0 : i32
      %dma_start3A_576 = arith.constant 0 : i32
      %dma_start3A_577 = tpu.memref_slice %arg9[%run_scoped3A_38, %dma_start3A_575, %dma_start3A_576] : memref<6x80x64xf32, #tpu.memory_space<vmem>> -> memref<1x80x64xf32, #tpu.memory_space<vmem>>
      %dma_start3A_578 = tpu.memref_squeeze %dma_start3A_577 : memref<1x80x64xf32, #tpu.memory_space<vmem>> -> memref<80x64xf32, #tpu.memory_space<vmem>>
      %dma_start3A_579 = arith.constant 0 : i32
      %dma_start3A_580 = arith.constant 0 : i32
      %dma_start3A_581 = tpu.memref_slice %dma_start3A_578[%dma_start3A_579, %dma_start3A_580] : memref<80x64xf32, #tpu.memory_space<vmem>> -> memref<80x16xf32, #tpu.memory_space<vmem>>
      %dma_start3A_582 = arith.constant 0 : i32
      %dma_start3A_583 = tpu.memref_slice %arg12[%add3A_37, %dma_start3A_582] : memref<10016x16xf32, #tpu.memory_space<vmem_shared>> -> memref<80x16xf32, #tpu.memory_space<vmem_shared>>
      %dma_start3A_584 = arith.constant 0 : i32
      %dma_start3A_585 = tpu.memref_slice %arg12[%add3A_37, %dma_start3A_584] : memref<10016x16xf32, #tpu.memory_space<vmem_shared>> -> memref<80x16xf32, #tpu.memory_space<vmem_shared>>
      %dma_start3A_586 = arith.constant 0 : i32
      %dma_start3A_587 = arith.constant 0 : i32
      %dma_start3A_588 = tpu.memref_slice %arg9[%run_scoped3A_38, %dma_start3A_586, %dma_start3A_587] : memref<6x80x64xf32, #tpu.memory_space<vmem>> -> memref<1x80x64xf32, #tpu.memory_space<vmem>>
      %dma_start3A_589 = tpu.memref_squeeze %dma_start3A_588 : memref<1x80x64xf32, #tpu.memory_space<vmem>> -> memref<80x64xf32, #tpu.memory_space<vmem>>
      %dma_start3A_590 = arith.constant 0 : i32
      %dma_start3A_591 = arith.constant 0 : i32
      %dma_start3A_592 = tpu.memref_slice %dma_start3A_589[%dma_start3A_590, %dma_start3A_591] : memref<80x64xf32, #tpu.memory_space<vmem>> -> memref<80x16xf32, #tpu.memory_space<vmem>>
      tpu.enqueue_dma source(%dma_start3A_592 : memref<80x16xf32, #tpu.memory_space<vmem>>) target(%dma_start3A_585 : memref<80x16xf32, #tpu.memory_space<vmem_shared>>) target_semaphore(%run_scoped3A_574 : memref<!tpu.dma_semaphore, #tpu.memory_space<semaphore_mem>>)
      %dma_wait3A_593 = arith.constant 0 : i32
      %dma_wait3A_594 = arith.constant 0 : i32
      %dma_wait3A_595 = tpu.memref_slice %arg9[%run_scoped3A_38, %dma_wait3A_593, %dma_wait3A_594] : memref<6x80x64xf32, #tpu.memory_space<vmem>> -> memref<1x80x64xf32, #tpu.memory_space<vmem>>
      %dma_wait3A_596 = tpu.memref_squeeze %dma_wait3A_595 : memref<1x80x64xf32, #tpu.memory_space<vmem>> -> memref<80x64xf32, #tpu.memory_space<vmem>>
      %dma_wait3A_597 = arith.constant 0 : i32
      %dma_wait3A_598 = arith.constant 0 : i32
      %dma_wait3A_599 = tpu.memref_slice %dma_wait3A_596[%dma_wait3A_597, %dma_wait3A_598] : memref<80x64xf32, #tpu.memory_space<vmem>> -> memref<80x16xf32, #tpu.memory_space<vmem>>
      %dma_wait3A_600 = arith.constant 0 : i32
      %dma_wait3A_601 = tpu.memref_slice %arg12[%add3A_37, %dma_wait3A_600] : memref<10016x16xf32, #tpu.memory_space<vmem_shared>> -> memref<80x16xf32, #tpu.memory_space<vmem_shared>>
      %dma_wait3A_602 = arith.constant 0 : i32
      %dma_wait3A_603 = tpu.memref_slice %arg12[%add3A_37, %dma_wait3A_602] : memref<10016x16xf32, #tpu.memory_space<vmem_shared>> -> memref<80x16xf32, #tpu.memory_space<vmem_shared>>
      %dma_wait3A_604 = arith.constant 0 : i32
      %dma_wait3A_605 = arith.constant 0 : i32
      %dma_wait3A_606 = tpu.memref_slice %arg9[%run_scoped3A_38, %dma_wait3A_604, %dma_wait3A_605] : memref<6x80x64xf32, #tpu.memory_space<vmem>> -> memref<1x80x64xf32, #tpu.memory_space<vmem>>
      %dma_wait3A_607 = tpu.memref_squeeze %dma_wait3A_606 : memref<1x80x64xf32, #tpu.memory_space<vmem>> -> memref<80x64xf32, #tpu.memory_space<vmem>>
      %dma_wait3A_608 = arith.constant 0 : i32
      %dma_wait3A_609 = arith.constant 0 : i32
      %dma_wait3A_610 = tpu.memref_slice %dma_wait3A_607[%dma_wait3A_608, %dma_wait3A_609] : memref<80x64xf32, #tpu.memory_space<vmem>> -> memref<80x16xf32, #tpu.memory_space<vmem>>
      tpu.wait_dma2 semaphore(%run_scoped3A_574 : memref<!tpu.dma_semaphore, #tpu.memory_space<semaphore_mem>>) src(%dma_wait3A_610 : memref<80x16xf32, #tpu.memory_space<vmem>>) dst(%dma_wait3A_603 : memref<80x16xf32, #tpu.memory_space<vmem_shared>>)
      tpu.yield
    }) : () -> ()
    %add3A_39 = arith.constant 320 : i32
    %add3A_40 = arith.addi %mul3A_16, %add3A_39 : i32
    %run_scoped3A_41 = arith.constant 0 : i32
    "tpu.region"() ({
      %run_scoped3A_574 = tpu.sem_alloc : memref<!tpu.dma_semaphore, #tpu.memory_space<semaphore_mem>>
      %dma_start3A_575 = arith.constant 0 : i32
      %dma_start3A_576 = arith.constant 0 : i32
      %dma_start3A_577 = tpu.memref_slice %arg9[%run_scoped3A_41, %dma_start3A_575, %dma_start3A_576] : memref<6x80x64xf32, #tpu.memory_space<vmem>> -> memref<1x80x64xf32, #tpu.memory_space<vmem>>
      %dma_start3A_578 = tpu.memref_squeeze %dma_start3A_577 : memref<1x80x64xf32, #tpu.memory_space<vmem>> -> memref<80x64xf32, #tpu.memory_space<vmem>>
      %dma_start3A_579 = arith.constant 0 : i32
      %dma_start3A_580 = tpu.memref_slice %arg11[%add3A_40, %dma_start3A_579] : memref<10016x64xf32, #tpu.memory_space<vmem_shared>> -> memref<80x64xf32, #tpu.memory_space<vmem_shared>>
      %dma_start3A_581 = arith.constant 0 : i32
      %dma_start3A_582 = tpu.memref_slice %arg11[%add3A_40, %dma_start3A_581] : memref<10016x64xf32, #tpu.memory_space<vmem_shared>> -> memref<80x64xf32, #tpu.memory_space<vmem_shared>>
      %dma_start3A_583 = arith.constant 0 : i32
      %dma_start3A_584 = arith.constant 0 : i32
      %dma_start3A_585 = tpu.memref_slice %arg9[%run_scoped3A_41, %dma_start3A_583, %dma_start3A_584] : memref<6x80x64xf32, #tpu.memory_space<vmem>> -> memref<1x80x64xf32, #tpu.memory_space<vmem>>
      %dma_start3A_586 = tpu.memref_squeeze %dma_start3A_585 : memref<1x80x64xf32, #tpu.memory_space<vmem>> -> memref<80x64xf32, #tpu.memory_space<vmem>>
      tpu.enqueue_dma source(%dma_start3A_586 : memref<80x64xf32, #tpu.memory_space<vmem>>) target(%dma_start3A_582 : memref<80x64xf32, #tpu.memory_space<vmem_shared>>) target_semaphore(%run_scoped3A_574 : memref<!tpu.dma_semaphore, #tpu.memory_space<semaphore_mem>>)
      %dma_wait3A_587 = arith.constant 0 : i32
      %dma_wait3A_588 = arith.constant 0 : i32
      %dma_wait3A_589 = tpu.memref_slice %arg9[%run_scoped3A_41, %dma_wait3A_587, %dma_wait3A_588] : memref<6x80x64xf32, #tpu.memory_space<vmem>> -> memref<1x80x64xf32, #tpu.memory_space<vmem>>
      %dma_wait3A_590 = tpu.memref_squeeze %dma_wait3A_589 : memref<1x80x64xf32, #tpu.memory_space<vmem>> -> memref<80x64xf32, #tpu.memory_space<vmem>>
      %dma_wait3A_591 = arith.constant 0 : i32
      %dma_wait3A_592 = tpu.memref_slice %arg11[%add3A_40, %dma_wait3A_591] : memref<10016x64xf32, #tpu.memory_space<vmem_shared>> -> memref<80x64xf32, #tpu.memory_space<vmem_shared>>
      %dma_wait3A_593 = arith.constant 0 : i32
      %dma_wait3A_594 = tpu.memref_slice %arg11[%add3A_40, %dma_wait3A_593] : memref<10016x64xf32, #tpu.memory_space<vmem_shared>> -> memref<80x64xf32, #tpu.memory_space<vmem_shared>>
      %dma_wait3A_595 = arith.constant 0 : i32
      %dma_wait3A_596 = arith.constant 0 : i32
      %dma_wait3A_597 = tpu.memref_slice %arg9[%run_scoped3A_41, %dma_wait3A_595, %dma_wait3A_596] : memref<6x80x64xf32, #tpu.memory_space<vmem>> -> memref<1x80x64xf32, #tpu.memory_space<vmem>>
      %dma_wait3A_598 = tpu.memref_squeeze %dma_wait3A_597 : memref<1x80x64xf32, #tpu.memory_space<vmem>> -> memref<80x64xf32, #tpu.memory_space<vmem>>
      tpu.wait_dma2 semaphore(%run_scoped3A_574 : memref<!tpu.dma_semaphore, #tpu.memory_space<semaphore_mem>>) src(%dma_wait3A_598 : memref<80x64xf32, #tpu.memory_space<vmem>>) dst(%dma_wait3A_594 : memref<80x64xf32, #tpu.memory_space<vmem_shared>>)
      tpu.yield
    }) : () -> ()
    %add3A_42 = arith.constant 320 : i32
    %add3A_43 = arith.addi %mul3A_16, %add3A_42 : i32
    %run_scoped3A_44 = arith.constant 0 : i32
    "tpu.region"() ({
      %run_scoped3A_574 = tpu.sem_alloc : memref<!tpu.dma_semaphore, #tpu.memory_space<semaphore_mem>>
      %dma_start3A_575 = arith.constant 0 : i32
      %dma_start3A_576 = arith.constant 0 : i32
      %dma_start3A_577 = tpu.memref_slice %arg9[%run_scoped3A_44, %dma_start3A_575, %dma_start3A_576] : memref<6x80x64xf32, #tpu.memory_space<vmem>> -> memref<1x80x64xf32, #tpu.memory_space<vmem>>
      %dma_start3A_578 = tpu.memref_squeeze %dma_start3A_577 : memref<1x80x64xf32, #tpu.memory_space<vmem>> -> memref<80x64xf32, #tpu.memory_space<vmem>>
      %dma_start3A_579 = arith.constant 0 : i32
      %dma_start3A_580 = arith.constant 0 : i32
      %dma_start3A_581 = tpu.memref_slice %dma_start3A_578[%dma_start3A_579, %dma_start3A_580] : memref<80x64xf32, #tpu.memory_space<vmem>> -> memref<80x16xf32, #tpu.memory_space<vmem>>
      %dma_start3A_582 = arith.constant 0 : i32
      %dma_start3A_583 = tpu.memref_slice %arg12[%add3A_43, %dma_start3A_582] : memref<10016x16xf32, #tpu.memory_space<vmem_shared>> -> memref<80x16xf32, #tpu.memory_space<vmem_shared>>
      %dma_start3A_584 = arith.constant 0 : i32
      %dma_start3A_585 = tpu.memref_slice %arg12[%add3A_43, %dma_start3A_584] : memref<10016x16xf32, #tpu.memory_space<vmem_shared>> -> memref<80x16xf32, #tpu.memory_space<vmem_shared>>
      %dma_start3A_586 = arith.constant 0 : i32
      %dma_start3A_587 = arith.constant 0 : i32
      %dma_start3A_588 = tpu.memref_slice %arg9[%run_scoped3A_44, %dma_start3A_586, %dma_start3A_587] : memref<6x80x64xf32, #tpu.memory_space<vmem>> -> memref<1x80x64xf32, #tpu.memory_space<vmem>>
      %dma_start3A_589 = tpu.memref_squeeze %dma_start3A_588 : memref<1x80x64xf32, #tpu.memory_space<vmem>> -> memref<80x64xf32, #tpu.memory_space<vmem>>
      %dma_start3A_590 = arith.constant 0 : i32
      %dma_start3A_591 = arith.constant 0 : i32
      %dma_start3A_592 = tpu.memref_slice %dma_start3A_589[%dma_start3A_590, %dma_start3A_591] : memref<80x64xf32, #tpu.memory_space<vmem>> -> memref<80x16xf32, #tpu.memory_space<vmem>>
      tpu.enqueue_dma source(%dma_start3A_592 : memref<80x16xf32, #tpu.memory_space<vmem>>) target(%dma_start3A_585 : memref<80x16xf32, #tpu.memory_space<vmem_shared>>) target_semaphore(%run_scoped3A_574 : memref<!tpu.dma_semaphore, #tpu.memory_space<semaphore_mem>>)
      %dma_wait3A_593 = arith.constant 0 : i32
      %dma_wait3A_594 = arith.constant 0 : i32
      %dma_wait3A_595 = tpu.memref_slice %arg9[%run_scoped3A_44, %dma_wait3A_593, %dma_wait3A_594] : memref<6x80x64xf32, #tpu.memory_space<vmem>> -> memref<1x80x64xf32, #tpu.memory_space<vmem>>
      %dma_wait3A_596 = tpu.memref_squeeze %dma_wait3A_595 : memref<1x80x64xf32, #tpu.memory_space<vmem>> -> memref<80x64xf32, #tpu.memory_space<vmem>>
      %dma_wait3A_597 = arith.constant 0 : i32
      %dma_wait3A_598 = arith.constant 0 : i32
      %dma_wait3A_599 = tpu.memref_slice %dma_wait3A_596[%dma_wait3A_597, %dma_wait3A_598] : memref<80x64xf32, #tpu.memory_space<vmem>> -> memref<80x16xf32, #tpu.memory_space<vmem>>
      %dma_wait3A_600 = arith.constant 0 : i32
      %dma_wait3A_601 = tpu.memref_slice %arg12[%add3A_43, %dma_wait3A_600] : memref<10016x16xf32, #tpu.memory_space<vmem_shared>> -> memref<80x16xf32, #tpu.memory_space<vmem_shared>>
      %dma_wait3A_602 = arith.constant 0 : i32
      %dma_wait3A_603 = tpu.memref_slice %arg12[%add3A_43, %dma_wait3A_602] : memref<10016x16xf32, #tpu.memory_space<vmem_shared>> -> memref<80x16xf32, #tpu.memory_space<vmem_shared>>
      %dma_wait3A_604 = arith.constant 0 : i32
      %dma_wait3A_605 = arith.constant 0 : i32
      %dma_wait3A_606 = tpu.memref_slice %arg9[%run_scoped3A_44, %dma_wait3A_604, %dma_wait3A_605] : memref<6x80x64xf32, #tpu.memory_space<vmem>> -> memref<1x80x64xf32, #tpu.memory_space<vmem>>
      %dma_wait3A_607 = tpu.memref_squeeze %dma_wait3A_606 : memref<1x80x64xf32, #tpu.memory_space<vmem>> -> memref<80x64xf32, #tpu.memory_space<vmem>>
      %dma_wait3A_608 = arith.constant 0 : i32
      %dma_wait3A_609 = arith.constant 0 : i32
      %dma_wait3A_610 = tpu.memref_slice %dma_wait3A_607[%dma_wait3A_608, %dma_wait3A_609] : memref<80x64xf32, #tpu.memory_space<vmem>> -> memref<80x16xf32, #tpu.memory_space<vmem>>
      tpu.wait_dma2 semaphore(%run_scoped3A_574 : memref<!tpu.dma_semaphore, #tpu.memory_space<semaphore_mem>>) src(%dma_wait3A_610 : memref<80x16xf32, #tpu.memory_space<vmem>>) dst(%dma_wait3A_603 : memref<80x16xf32, #tpu.memory_space<vmem_shared>>)
      tpu.yield
    }) : () -> ()
    %add3A_45 = arith.constant 400 : i32
    %add3A_46 = arith.addi %mul3A_16, %add3A_45 : i32
    %run_scoped3A_47 = arith.constant 0 : i32
    "tpu.region"() ({
      %run_scoped3A_574 = tpu.sem_alloc : memref<!tpu.dma_semaphore, #tpu.memory_space<semaphore_mem>>
      %dma_start3A_575 = arith.constant 0 : i32
      %dma_start3A_576 = arith.constant 0 : i32
      %dma_start3A_577 = tpu.memref_slice %arg9[%run_scoped3A_47, %dma_start3A_575, %dma_start3A_576] : memref<6x80x64xf32, #tpu.memory_space<vmem>> -> memref<1x80x64xf32, #tpu.memory_space<vmem>>
      %dma_start3A_578 = tpu.memref_squeeze %dma_start3A_577 : memref<1x80x64xf32, #tpu.memory_space<vmem>> -> memref<80x64xf32, #tpu.memory_space<vmem>>
      %dma_start3A_579 = arith.constant 0 : i32
      %dma_start3A_580 = tpu.memref_slice %arg11[%add3A_46, %dma_start3A_579] : memref<10016x64xf32, #tpu.memory_space<vmem_shared>> -> memref<80x64xf32, #tpu.memory_space<vmem_shared>>
      %dma_start3A_581 = arith.constant 0 : i32
      %dma_start3A_582 = tpu.memref_slice %arg11[%add3A_46, %dma_start3A_581] : memref<10016x64xf32, #tpu.memory_space<vmem_shared>> -> memref<80x64xf32, #tpu.memory_space<vmem_shared>>
      %dma_start3A_583 = arith.constant 0 : i32
      %dma_start3A_584 = arith.constant 0 : i32
      %dma_start3A_585 = tpu.memref_slice %arg9[%run_scoped3A_47, %dma_start3A_583, %dma_start3A_584] : memref<6x80x64xf32, #tpu.memory_space<vmem>> -> memref<1x80x64xf32, #tpu.memory_space<vmem>>
      %dma_start3A_586 = tpu.memref_squeeze %dma_start3A_585 : memref<1x80x64xf32, #tpu.memory_space<vmem>> -> memref<80x64xf32, #tpu.memory_space<vmem>>
      tpu.enqueue_dma source(%dma_start3A_586 : memref<80x64xf32, #tpu.memory_space<vmem>>) target(%dma_start3A_582 : memref<80x64xf32, #tpu.memory_space<vmem_shared>>) target_semaphore(%run_scoped3A_574 : memref<!tpu.dma_semaphore, #tpu.memory_space<semaphore_mem>>)
      %dma_wait3A_587 = arith.constant 0 : i32
      %dma_wait3A_588 = arith.constant 0 : i32
      %dma_wait3A_589 = tpu.memref_slice %arg9[%run_scoped3A_47, %dma_wait3A_587, %dma_wait3A_588] : memref<6x80x64xf32, #tpu.memory_space<vmem>> -> memref<1x80x64xf32, #tpu.memory_space<vmem>>
      %dma_wait3A_590 = tpu.memref_squeeze %dma_wait3A_589 : memref<1x80x64xf32, #tpu.memory_space<vmem>> -> memref<80x64xf32, #tpu.memory_space<vmem>>
      %dma_wait3A_591 = arith.constant 0 : i32
      %dma_wait3A_592 = tpu.memref_slice %arg11[%add3A_46, %dma_wait3A_591] : memref<10016x64xf32, #tpu.memory_space<vmem_shared>> -> memref<80x64xf32, #tpu.memory_space<vmem_shared>>
      %dma_wait3A_593 = arith.constant 0 : i32
      %dma_wait3A_594 = tpu.memref_slice %arg11[%add3A_46, %dma_wait3A_593] : memref<10016x64xf32, #tpu.memory_space<vmem_shared>> -> memref<80x64xf32, #tpu.memory_space<vmem_shared>>
      %dma_wait3A_595 = arith.constant 0 : i32
      %dma_wait3A_596 = arith.constant 0 : i32
      %dma_wait3A_597 = tpu.memref_slice %arg9[%run_scoped3A_47, %dma_wait3A_595, %dma_wait3A_596] : memref<6x80x64xf32, #tpu.memory_space<vmem>> -> memref<1x80x64xf32, #tpu.memory_space<vmem>>
      %dma_wait3A_598 = tpu.memref_squeeze %dma_wait3A_597 : memref<1x80x64xf32, #tpu.memory_space<vmem>> -> memref<80x64xf32, #tpu.memory_space<vmem>>
      tpu.wait_dma2 semaphore(%run_scoped3A_574 : memref<!tpu.dma_semaphore, #tpu.memory_space<semaphore_mem>>) src(%dma_wait3A_598 : memref<80x64xf32, #tpu.memory_space<vmem>>) dst(%dma_wait3A_594 : memref<80x64xf32, #tpu.memory_space<vmem_shared>>)
      tpu.yield
    }) : () -> ()
    %add3A_48 = arith.constant 400 : i32
    %add3A_49 = arith.addi %mul3A_16, %add3A_48 : i32
    %run_scoped3A_50 = arith.constant 0 : i32
    "tpu.region"() ({
      %run_scoped3A_574 = tpu.sem_alloc : memref<!tpu.dma_semaphore, #tpu.memory_space<semaphore_mem>>
      %dma_start3A_575 = arith.constant 0 : i32
      %dma_start3A_576 = arith.constant 0 : i32
      %dma_start3A_577 = tpu.memref_slice %arg9[%run_scoped3A_50, %dma_start3A_575, %dma_start3A_576] : memref<6x80x64xf32, #tpu.memory_space<vmem>> -> memref<1x80x64xf32, #tpu.memory_space<vmem>>
      %dma_start3A_578 = tpu.memref_squeeze %dma_start3A_577 : memref<1x80x64xf32, #tpu.memory_space<vmem>> -> memref<80x64xf32, #tpu.memory_space<vmem>>
      %dma_start3A_579 = arith.constant 0 : i32
      %dma_start3A_580 = arith.constant 0 : i32
      %dma_start3A_581 = tpu.memref_slice %dma_start3A_578[%dma_start3A_579, %dma_start3A_580] : memref<80x64xf32, #tpu.memory_space<vmem>> -> memref<80x16xf32, #tpu.memory_space<vmem>>
      %dma_start3A_582 = arith.constant 0 : i32
      %dma_start3A_583 = tpu.memref_slice %arg12[%add3A_49, %dma_start3A_582] : memref<10016x16xf32, #tpu.memory_space<vmem_shared>> -> memref<80x16xf32, #tpu.memory_space<vmem_shared>>
      %dma_start3A_584 = arith.constant 0 : i32
      %dma_start3A_585 = tpu.memref_slice %arg12[%add3A_49, %dma_start3A_584] : memref<10016x16xf32, #tpu.memory_space<vmem_shared>> -> memref<80x16xf32, #tpu.memory_space<vmem_shared>>
      %dma_start3A_586 = arith.constant 0 : i32
      %dma_start3A_587 = arith.constant 0 : i32
      %dma_start3A_588 = tpu.memref_slice %arg9[%run_scoped3A_50, %dma_start3A_586, %dma_start3A_587] : memref<6x80x64xf32, #tpu.memory_space<vmem>> -> memref<1x80x64xf32, #tpu.memory_space<vmem>>
      %dma_start3A_589 = tpu.memref_squeeze %dma_start3A_588 : memref<1x80x64xf32, #tpu.memory_space<vmem>> -> memref<80x64xf32, #tpu.memory_space<vmem>>
      %dma_start3A_590 = arith.constant 0 : i32
      %dma_start3A_591 = arith.constant 0 : i32
      %dma_start3A_592 = tpu.memref_slice %dma_start3A_589[%dma_start3A_590, %dma_start3A_591] : memref<80x64xf32, #tpu.memory_space<vmem>> -> memref<80x16xf32, #tpu.memory_space<vmem>>
      tpu.enqueue_dma source(%dma_start3A_592 : memref<80x16xf32, #tpu.memory_space<vmem>>) target(%dma_start3A_585 : memref<80x16xf32, #tpu.memory_space<vmem_shared>>) target_semaphore(%run_scoped3A_574 : memref<!tpu.dma_semaphore, #tpu.memory_space<semaphore_mem>>)
      %dma_wait3A_593 = arith.constant 0 : i32
      %dma_wait3A_594 = arith.constant 0 : i32
      %dma_wait3A_595 = tpu.memref_slice %arg9[%run_scoped3A_50, %dma_wait3A_593, %dma_wait3A_594] : memref<6x80x64xf32, #tpu.memory_space<vmem>> -> memref<1x80x64xf32, #tpu.memory_space<vmem>>
      %dma_wait3A_596 = tpu.memref_squeeze %dma_wait3A_595 : memref<1x80x64xf32, #tpu.memory_space<vmem>> -> memref<80x64xf32, #tpu.memory_space<vmem>>
      %dma_wait3A_597 = arith.constant 0 : i32
      %dma_wait3A_598 = arith.constant 0 : i32
      %dma_wait3A_599 = tpu.memref_slice %dma_wait3A_596[%dma_wait3A_597, %dma_wait3A_598] : memref<80x64xf32, #tpu.memory_space<vmem>> -> memref<80x16xf32, #tpu.memory_space<vmem>>
      %dma_wait3A_600 = arith.constant 0 : i32
      %dma_wait3A_601 = tpu.memref_slice %arg12[%add3A_49, %dma_wait3A_600] : memref<10016x16xf32, #tpu.memory_space<vmem_shared>> -> memref<80x16xf32, #tpu.memory_space<vmem_shared>>
      %dma_wait3A_602 = arith.constant 0 : i32
      %dma_wait3A_603 = tpu.memref_slice %arg12[%add3A_49, %dma_wait3A_602] : memref<10016x16xf32, #tpu.memory_space<vmem_shared>> -> memref<80x16xf32, #tpu.memory_space<vmem_shared>>
      %dma_wait3A_604 = arith.constant 0 : i32
      %dma_wait3A_605 = arith.constant 0 : i32
      %dma_wait3A_606 = tpu.memref_slice %arg9[%run_scoped3A_50, %dma_wait3A_604, %dma_wait3A_605] : memref<6x80x64xf32, #tpu.memory_space<vmem>> -> memref<1x80x64xf32, #tpu.memory_space<vmem>>
      %dma_wait3A_607 = tpu.memref_squeeze %dma_wait3A_606 : memref<1x80x64xf32, #tpu.memory_space<vmem>> -> memref<80x64xf32, #tpu.memory_space<vmem>>
      %dma_wait3A_608 = arith.constant 0 : i32
      %dma_wait3A_609 = arith.constant 0 : i32
      %dma_wait3A_610 = tpu.memref_slice %dma_wait3A_607[%dma_wait3A_608, %dma_wait3A_609] : memref<80x64xf32, #tpu.memory_space<vmem>> -> memref<80x16xf32, #tpu.memory_space<vmem>>
      tpu.wait_dma2 semaphore(%run_scoped3A_574 : memref<!tpu.dma_semaphore, #tpu.memory_space<semaphore_mem>>) src(%dma_wait3A_610 : memref<80x16xf32, #tpu.memory_space<vmem>>) dst(%dma_wait3A_603 : memref<80x16xf32, #tpu.memory_space<vmem_shared>>)
      tpu.yield
    }) : () -> ()
    %add3A_51 = arith.constant 480 : i32
    %add3A_52 = arith.addi %mul3A_16, %add3A_51 : i32
    %run_scoped3A_53 = arith.constant 0 : i32
    "tpu.region"() ({
      %run_scoped3A_574 = tpu.sem_alloc : memref<!tpu.dma_semaphore, #tpu.memory_space<semaphore_mem>>
      %dma_start3A_575 = arith.constant 0 : i32
      %dma_start3A_576 = arith.constant 0 : i32
      %dma_start3A_577 = tpu.memref_slice %arg9[%run_scoped3A_53, %dma_start3A_575, %dma_start3A_576] : memref<6x80x64xf32, #tpu.memory_space<vmem>> -> memref<1x80x64xf32, #tpu.memory_space<vmem>>
      %dma_start3A_578 = tpu.memref_squeeze %dma_start3A_577 : memref<1x80x64xf32, #tpu.memory_space<vmem>> -> memref<80x64xf32, #tpu.memory_space<vmem>>
      %dma_start3A_579 = arith.constant 0 : i32
      %dma_start3A_580 = tpu.memref_slice %arg11[%add3A_52, %dma_start3A_579] : memref<10016x64xf32, #tpu.memory_space<vmem_shared>> -> memref<80x64xf32, #tpu.memory_space<vmem_shared>>
      %dma_start3A_581 = arith.constant 0 : i32
      %dma_start3A_582 = tpu.memref_slice %arg11[%add3A_52, %dma_start3A_581] : memref<10016x64xf32, #tpu.memory_space<vmem_shared>> -> memref<80x64xf32, #tpu.memory_space<vmem_shared>>
      %dma_start3A_583 = arith.constant 0 : i32
      %dma_start3A_584 = arith.constant 0 : i32
      %dma_start3A_585 = tpu.memref_slice %arg9[%run_scoped3A_53, %dma_start3A_583, %dma_start3A_584] : memref<6x80x64xf32, #tpu.memory_space<vmem>> -> memref<1x80x64xf32, #tpu.memory_space<vmem>>
      %dma_start3A_586 = tpu.memref_squeeze %dma_start3A_585 : memref<1x80x64xf32, #tpu.memory_space<vmem>> -> memref<80x64xf32, #tpu.memory_space<vmem>>
      tpu.enqueue_dma source(%dma_start3A_586 : memref<80x64xf32, #tpu.memory_space<vmem>>) target(%dma_start3A_582 : memref<80x64xf32, #tpu.memory_space<vmem_shared>>) target_semaphore(%run_scoped3A_574 : memref<!tpu.dma_semaphore, #tpu.memory_space<semaphore_mem>>)
      %dma_wait3A_587 = arith.constant 0 : i32
      %dma_wait3A_588 = arith.constant 0 : i32
      %dma_wait3A_589 = tpu.memref_slice %arg9[%run_scoped3A_53, %dma_wait3A_587, %dma_wait3A_588] : memref<6x80x64xf32, #tpu.memory_space<vmem>> -> memref<1x80x64xf32, #tpu.memory_space<vmem>>
      %dma_wait3A_590 = tpu.memref_squeeze %dma_wait3A_589 : memref<1x80x64xf32, #tpu.memory_space<vmem>> -> memref<80x64xf32, #tpu.memory_space<vmem>>
      %dma_wait3A_591 = arith.constant 0 : i32
      %dma_wait3A_592 = tpu.memref_slice %arg11[%add3A_52, %dma_wait3A_591] : memref<10016x64xf32, #tpu.memory_space<vmem_shared>> -> memref<80x64xf32, #tpu.memory_space<vmem_shared>>
      %dma_wait3A_593 = arith.constant 0 : i32
      %dma_wait3A_594 = tpu.memref_slice %arg11[%add3A_52, %dma_wait3A_593] : memref<10016x64xf32, #tpu.memory_space<vmem_shared>> -> memref<80x64xf32, #tpu.memory_space<vmem_shared>>
      %dma_wait3A_595 = arith.constant 0 : i32
      %dma_wait3A_596 = arith.constant 0 : i32
      %dma_wait3A_597 = tpu.memref_slice %arg9[%run_scoped3A_53, %dma_wait3A_595, %dma_wait3A_596] : memref<6x80x64xf32, #tpu.memory_space<vmem>> -> memref<1x80x64xf32, #tpu.memory_space<vmem>>
      %dma_wait3A_598 = tpu.memref_squeeze %dma_wait3A_597 : memref<1x80x64xf32, #tpu.memory_space<vmem>> -> memref<80x64xf32, #tpu.memory_space<vmem>>
      tpu.wait_dma2 semaphore(%run_scoped3A_574 : memref<!tpu.dma_semaphore, #tpu.memory_space<semaphore_mem>>) src(%dma_wait3A_598 : memref<80x64xf32, #tpu.memory_space<vmem>>) dst(%dma_wait3A_594 : memref<80x64xf32, #tpu.memory_space<vmem_shared>>)
      tpu.yield
    }) : () -> ()
    %add3A_54 = arith.constant 480 : i32
    %add3A_55 = arith.addi %mul3A_16, %add3A_54 : i32
    %run_scoped3A_56 = arith.constant 0 : i32
    "tpu.region"() ({
      %run_scoped3A_574 = tpu.sem_alloc : memref<!tpu.dma_semaphore, #tpu.memory_space<semaphore_mem>>
      %dma_start3A_575 = arith.constant 0 : i32
      %dma_start3A_576 = arith.constant 0 : i32
      %dma_start3A_577 = tpu.memref_slice %arg9[%run_scoped3A_56, %dma_start3A_575, %dma_start3A_576] : memref<6x80x64xf32, #tpu.memory_space<vmem>> -> memref<1x80x64xf32, #tpu.memory_space<vmem>>
      %dma_start3A_578 = tpu.memref_squeeze %dma_start3A_577 : memref<1x80x64xf32, #tpu.memory_space<vmem>> -> memref<80x64xf32, #tpu.memory_space<vmem>>
      %dma_start3A_579 = arith.constant 0 : i32
      %dma_start3A_580 = arith.constant 0 : i32
      %dma_start3A_581 = tpu.memref_slice %dma_start3A_578[%dma_start3A_579, %dma_start3A_580] : memref<80x64xf32, #tpu.memory_space<vmem>> -> memref<80x16xf32, #tpu.memory_space<vmem>>
      %dma_start3A_582 = arith.constant 0 : i32
      %dma_start3A_583 = tpu.memref_slice %arg12[%add3A_55, %dma_start3A_582] : memref<10016x16xf32, #tpu.memory_space<vmem_shared>> -> memref<80x16xf32, #tpu.memory_space<vmem_shared>>
      %dma_start3A_584 = arith.constant 0 : i32
      %dma_start3A_585 = tpu.memref_slice %arg12[%add3A_55, %dma_start3A_584] : memref<10016x16xf32, #tpu.memory_space<vmem_shared>> -> memref<80x16xf32, #tpu.memory_space<vmem_shared>>
      %dma_start3A_586 = arith.constant 0 : i32
      %dma_start3A_587 = arith.constant 0 : i32
      %dma_start3A_588 = tpu.memref_slice %arg9[%run_scoped3A_56, %dma_start3A_586, %dma_start3A_587] : memref<6x80x64xf32, #tpu.memory_space<vmem>> -> memref<1x80x64xf32, #tpu.memory_space<vmem>>
      %dma_start3A_589 = tpu.memref_squeeze %dma_start3A_588 : memref<1x80x64xf32, #tpu.memory_space<vmem>> -> memref<80x64xf32, #tpu.memory_space<vmem>>
      %dma_start3A_590 = arith.constant 0 : i32
      %dma_start3A_591 = arith.constant 0 : i32
      %dma_start3A_592 = tpu.memref_slice %dma_start3A_589[%dma_start3A_590, %dma_start3A_591] : memref<80x64xf32, #tpu.memory_space<vmem>> -> memref<80x16xf32, #tpu.memory_space<vmem>>
      tpu.enqueue_dma source(%dma_start3A_592 : memref<80x16xf32, #tpu.memory_space<vmem>>) target(%dma_start3A_585 : memref<80x16xf32, #tpu.memory_space<vmem_shared>>) target_semaphore(%run_scoped3A_574 : memref<!tpu.dma_semaphore, #tpu.memory_space<semaphore_mem>>)
      %dma_wait3A_593 = arith.constant 0 : i32
      %dma_wait3A_594 = arith.constant 0 : i32
      %dma_wait3A_595 = tpu.memref_slice %arg9[%run_scoped3A_56, %dma_wait3A_593, %dma_wait3A_594] : memref<6x80x64xf32, #tpu.memory_space<vmem>> -> memref<1x80x64xf32, #tpu.memory_space<vmem>>
      %dma_wait3A_596 = tpu.memref_squeeze %dma_wait3A_595 : memref<1x80x64xf32, #tpu.memory_space<vmem>> -> memref<80x64xf32, #tpu.memory_space<vmem>>
      %dma_wait3A_597 = arith.constant 0 : i32
      %dma_wait3A_598 = arith.constant 0 : i32
      %dma_wait3A_599 = tpu.memref_slice %dma_wait3A_596[%dma_wait3A_597, %dma_wait3A_598] : memref<80x64xf32, #tpu.memory_space<vmem>> -> memref<80x16xf32, #tpu.memory_space<vmem>>
      %dma_wait3A_600 = arith.constant 0 : i32
      %dma_wait3A_601 = tpu.memref_slice %arg12[%add3A_55, %dma_wait3A_600] : memref<10016x16xf32, #tpu.memory_space<vmem_shared>> -> memref<80x16xf32, #tpu.memory_space<vmem_shared>>
      %dma_wait3A_602 = arith.constant 0 : i32
      %dma_wait3A_603 = tpu.memref_slice %arg12[%add3A_55, %dma_wait3A_602] : memref<10016x16xf32, #tpu.memory_space<vmem_shared>> -> memref<80x16xf32, #tpu.memory_space<vmem_shared>>
      %dma_wait3A_604 = arith.constant 0 : i32
      %dma_wait3A_605 = arith.constant 0 : i32
      %dma_wait3A_606 = tpu.memref_slice %arg9[%run_scoped3A_56, %dma_wait3A_604, %dma_wait3A_605] : memref<6x80x64xf32, #tpu.memory_space<vmem>> -> memref<1x80x64xf32, #tpu.memory_space<vmem>>
      %dma_wait3A_607 = tpu.memref_squeeze %dma_wait3A_606 : memref<1x80x64xf32, #tpu.memory_space<vmem>> -> memref<80x64xf32, #tpu.memory_space<vmem>>
      %dma_wait3A_608 = arith.constant 0 : i32
      %dma_wait3A_609 = arith.constant 0 : i32
      %dma_wait3A_610 = tpu.memref_slice %dma_wait3A_607[%dma_wait3A_608, %dma_wait3A_609] : memref<80x64xf32, #tpu.memory_space<vmem>> -> memref<80x16xf32, #tpu.memory_space<vmem>>
      tpu.wait_dma2 semaphore(%run_scoped3A_574 : memref<!tpu.dma_semaphore, #tpu.memory_space<semaphore_mem>>) src(%dma_wait3A_610 : memref<80x16xf32, #tpu.memory_space<vmem>>) dst(%dma_wait3A_603 : memref<80x16xf32, #tpu.memory_space<vmem_shared>>)
      tpu.yield
    }) : () -> ()
    %add3A_57 = arith.constant 560 : i32
    %add3A_58 = arith.addi %mul3A_16, %add3A_57 : i32
    %run_scoped3A_59 = arith.constant 0 : i32
    "tpu.region"() ({
      %run_scoped3A_574 = tpu.sem_alloc : memref<!tpu.dma_semaphore, #tpu.memory_space<semaphore_mem>>
      %dma_start3A_575 = arith.constant 0 : i32
      %dma_start3A_576 = arith.constant 0 : i32
      %dma_start3A_577 = tpu.memref_slice %arg9[%run_scoped3A_59, %dma_start3A_575, %dma_start3A_576] : memref<6x80x64xf32, #tpu.memory_space<vmem>> -> memref<1x80x64xf32, #tpu.memory_space<vmem>>
      %dma_start3A_578 = tpu.memref_squeeze %dma_start3A_577 : memref<1x80x64xf32, #tpu.memory_space<vmem>> -> memref<80x64xf32, #tpu.memory_space<vmem>>
      %dma_start3A_579 = arith.constant 0 : i32
      %dma_start3A_580 = arith.constant 0 : i32
      %dma_start3A_581 = tpu.memref_slice %dma_start3A_578[%dma_start3A_579, %dma_start3A_580] : memref<80x64xf32, #tpu.memory_space<vmem>> -> memref<66x64xf32, #tpu.memory_space<vmem>>
      %dma_start3A_582 = arith.constant 0 : i32
      %dma_start3A_583 = tpu.memref_slice %arg11[%add3A_58, %dma_start3A_582] : memref<10016x64xf32, #tpu.memory_space<vmem_shared>> -> memref<66x64xf32, #tpu.memory_space<vmem_shared>>
      %dma_start3A_584 = arith.constant 0 : i32
      %dma_start3A_585 = tpu.memref_slice %arg11[%add3A_58, %dma_start3A_584] : memref<10016x64xf32, #tpu.memory_space<vmem_shared>> -> memref<66x64xf32, #tpu.memory_space<vmem_shared>>
      %dma_start3A_586 = arith.constant 0 : i32
      %dma_start3A_587 = arith.constant 0 : i32
      %dma_start3A_588 = tpu.memref_slice %arg9[%run_scoped3A_59, %dma_start3A_586, %dma_start3A_587] : memref<6x80x64xf32, #tpu.memory_space<vmem>> -> memref<1x80x64xf32, #tpu.memory_space<vmem>>
      %dma_start3A_589 = tpu.memref_squeeze %dma_start3A_588 : memref<1x80x64xf32, #tpu.memory_space<vmem>> -> memref<80x64xf32, #tpu.memory_space<vmem>>
      %dma_start3A_590 = arith.constant 0 : i32
      %dma_start3A_591 = arith.constant 0 : i32
      %dma_start3A_592 = tpu.memref_slice %dma_start3A_589[%dma_start3A_590, %dma_start3A_591] : memref<80x64xf32, #tpu.memory_space<vmem>> -> memref<66x64xf32, #tpu.memory_space<vmem>>
      tpu.enqueue_dma source(%dma_start3A_592 : memref<66x64xf32, #tpu.memory_space<vmem>>) target(%dma_start3A_585 : memref<66x64xf32, #tpu.memory_space<vmem_shared>>) target_semaphore(%run_scoped3A_574 : memref<!tpu.dma_semaphore, #tpu.memory_space<semaphore_mem>>)
      %dma_wait3A_593 = arith.constant 0 : i32
      %dma_wait3A_594 = arith.constant 0 : i32
      %dma_wait3A_595 = tpu.memref_slice %arg9[%run_scoped3A_59, %dma_wait3A_593, %dma_wait3A_594] : memref<6x80x64xf32, #tpu.memory_space<vmem>> -> memref<1x80x64xf32, #tpu.memory_space<vmem>>
      %dma_wait3A_596 = tpu.memref_squeeze %dma_wait3A_595 : memref<1x80x64xf32, #tpu.memory_space<vmem>> -> memref<80x64xf32, #tpu.memory_space<vmem>>
      %dma_wait3A_597 = arith.constant 0 : i32
      %dma_wait3A_598 = arith.constant 0 : i32
      %dma_wait3A_599 = tpu.memref_slice %dma_wait3A_596[%dma_wait3A_597, %dma_wait3A_598] : memref<80x64xf32, #tpu.memory_space<vmem>> -> memref<66x64xf32, #tpu.memory_space<vmem>>
      %dma_wait3A_600 = arith.constant 0 : i32
      %dma_wait3A_601 = tpu.memref_slice %arg11[%add3A_58, %dma_wait3A_600] : memref<10016x64xf32, #tpu.memory_space<vmem_shared>> -> memref<66x64xf32, #tpu.memory_space<vmem_shared>>
      %dma_wait3A_602 = arith.constant 0 : i32
      %dma_wait3A_603 = tpu.memref_slice %arg11[%add3A_58, %dma_wait3A_602] : memref<10016x64xf32, #tpu.memory_space<vmem_shared>> -> memref<66x64xf32, #tpu.memory_space<vmem_shared>>
      %dma_wait3A_604 = arith.constant 0 : i32
      %dma_wait3A_605 = arith.constant 0 : i32
      %dma_wait3A_606 = tpu.memref_slice %arg9[%run_scoped3A_59, %dma_wait3A_604, %dma_wait3A_605] : memref<6x80x64xf32, #tpu.memory_space<vmem>> -> memref<1x80x64xf32, #tpu.memory_space<vmem>>
      %dma_wait3A_607 = tpu.memref_squeeze %dma_wait3A_606 : memref<1x80x64xf32, #tpu.memory_space<vmem>> -> memref<80x64xf32, #tpu.memory_space<vmem>>
      %dma_wait3A_608 = arith.constant 0 : i32
      %dma_wait3A_609 = arith.constant 0 : i32
      %dma_wait3A_610 = tpu.memref_slice %dma_wait3A_607[%dma_wait3A_608, %dma_wait3A_609] : memref<80x64xf32, #tpu.memory_space<vmem>> -> memref<66x64xf32, #tpu.memory_space<vmem>>
      tpu.wait_dma2 semaphore(%run_scoped3A_574 : memref<!tpu.dma_semaphore, #tpu.memory_space<semaphore_mem>>) src(%dma_wait3A_610 : memref<66x64xf32, #tpu.memory_space<vmem>>) dst(%dma_wait3A_603 : memref<66x64xf32, #tpu.memory_space<vmem_shared>>)
      tpu.yield
    }) : () -> ()
    %add3A_60 = arith.constant 560 : i32
    %add3A_61 = arith.addi %mul3A_16, %add3A_60 : i32
    %run_scoped3A_62 = arith.constant 0 : i32
    "tpu.region"() ({
      %run_scoped3A_574 = tpu.sem_alloc : memref<!tpu.dma_semaphore, #tpu.memory_space<semaphore_mem>>
      %dma_start3A_575 = arith.constant 0 : i32
      %dma_start3A_576 = arith.constant 0 : i32
      %dma_start3A_577 = tpu.memref_slice %arg9[%run_scoped3A_62, %dma_start3A_575, %dma_start3A_576] : memref<6x80x64xf32, #tpu.memory_space<vmem>> -> memref<1x80x64xf32, #tpu.memory_space<vmem>>
      %dma_start3A_578 = tpu.memref_squeeze %dma_start3A_577 : memref<1x80x64xf32, #tpu.memory_space<vmem>> -> memref<80x64xf32, #tpu.memory_space<vmem>>
      %dma_start3A_579 = arith.constant 0 : i32
      %dma_start3A_580 = arith.constant 0 : i32
      %dma_start3A_581 = tpu.memref_slice %dma_start3A_578[%dma_start3A_579, %dma_start3A_580] : memref<80x64xf32, #tpu.memory_space<vmem>> -> memref<66x16xf32, #tpu.memory_space<vmem>>
      %dma_start3A_582 = arith.constant 0 : i32
      %dma_start3A_583 = tpu.memref_slice %arg12[%add3A_61, %dma_start3A_582] : memref<10016x16xf32, #tpu.memory_space<vmem_shared>> -> memref<66x16xf32, #tpu.memory_space<vmem_shared>>
      %dma_start3A_584 = arith.constant 0 : i32
      %dma_start3A_585 = tpu.memref_slice %arg12[%add3A_61, %dma_start3A_584] : memref<10016x16xf32, #tpu.memory_space<vmem_shared>> -> memref<66x16xf32, #tpu.memory_space<vmem_shared>>
      %dma_start3A_586 = arith.constant 0 : i32
      %dma_start3A_587 = arith.constant 0 : i32
      %dma_start3A_588 = tpu.memref_slice %arg9[%run_scoped3A_62, %dma_start3A_586, %dma_start3A_587] : memref<6x80x64xf32, #tpu.memory_space<vmem>> -> memref<1x80x64xf32, #tpu.memory_space<vmem>>
      %dma_start3A_589 = tpu.memref_squeeze %dma_start3A_588 : memref<1x80x64xf32, #tpu.memory_space<vmem>> -> memref<80x64xf32, #tpu.memory_space<vmem>>
      %dma_start3A_590 = arith.constant 0 : i32
      %dma_start3A_591 = arith.constant 0 : i32
      %dma_start3A_592 = tpu.memref_slice %dma_start3A_589[%dma_start3A_590, %dma_start3A_591] : memref<80x64xf32, #tpu.memory_space<vmem>> -> memref<66x16xf32, #tpu.memory_space<vmem>>
      tpu.enqueue_dma source(%dma_start3A_592 : memref<66x16xf32, #tpu.memory_space<vmem>>) target(%dma_start3A_585 : memref<66x16xf32, #tpu.memory_space<vmem_shared>>) target_semaphore(%run_scoped3A_574 : memref<!tpu.dma_semaphore, #tpu.memory_space<semaphore_mem>>)
      %dma_wait3A_593 = arith.constant 0 : i32
      %dma_wait3A_594 = arith.constant 0 : i32
      %dma_wait3A_595 = tpu.memref_slice %arg9[%run_scoped3A_62, %dma_wait3A_593, %dma_wait3A_594] : memref<6x80x64xf32, #tpu.memory_space<vmem>> -> memref<1x80x64xf32, #tpu.memory_space<vmem>>
      %dma_wait3A_596 = tpu.memref_squeeze %dma_wait3A_595 : memref<1x80x64xf32, #tpu.memory_space<vmem>> -> memref<80x64xf32, #tpu.memory_space<vmem>>
      %dma_wait3A_597 = arith.constant 0 : i32
      %dma_wait3A_598 = arith.constant 0 : i32
      %dma_wait3A_599 = tpu.memref_slice %dma_wait3A_596[%dma_wait3A_597, %dma_wait3A_598] : memref<80x64xf32, #tpu.memory_space<vmem>> -> memref<66x16xf32, #tpu.memory_space<vmem>>
      %dma_wait3A_600 = arith.constant 0 : i32
      %dma_wait3A_601 = tpu.memref_slice %arg12[%add3A_61, %dma_wait3A_600] : memref<10016x16xf32, #tpu.memory_space<vmem_shared>> -> memref<66x16xf32, #tpu.memory_space<vmem_shared>>
      %dma_wait3A_602 = arith.constant 0 : i32
      %dma_wait3A_603 = tpu.memref_slice %arg12[%add3A_61, %dma_wait3A_602] : memref<10016x16xf32, #tpu.memory_space<vmem_shared>> -> memref<66x16xf32, #tpu.memory_space<vmem_shared>>
      %dma_wait3A_604 = arith.constant 0 : i32
      %dma_wait3A_605 = arith.constant 0 : i32
      %dma_wait3A_606 = tpu.memref_slice %arg9[%run_scoped3A_62, %dma_wait3A_604, %dma_wait3A_605] : memref<6x80x64xf32, #tpu.memory_space<vmem>> -> memref<1x80x64xf32, #tpu.memory_space<vmem>>
      %dma_wait3A_607 = tpu.memref_squeeze %dma_wait3A_606 : memref<1x80x64xf32, #tpu.memory_space<vmem>> -> memref<80x64xf32, #tpu.memory_space<vmem>>
      %dma_wait3A_608 = arith.constant 0 : i32
      %dma_wait3A_609 = arith.constant 0 : i32
      %dma_wait3A_610 = tpu.memref_slice %dma_wait3A_607[%dma_wait3A_608, %dma_wait3A_609] : memref<80x64xf32, #tpu.memory_space<vmem>> -> memref<66x16xf32, #tpu.memory_space<vmem>>
      tpu.wait_dma2 semaphore(%run_scoped3A_574 : memref<!tpu.dma_semaphore, #tpu.memory_space<semaphore_mem>>) src(%dma_wait3A_610 : memref<66x16xf32, #tpu.memory_space<vmem>>) dst(%dma_wait3A_603 : memref<66x16xf32, #tpu.memory_space<vmem_shared>>)
      tpu.yield
    }) : () -> ()
    %barrier3A = arith.constant 0 : index
    tpu.barrier barrier_id(%barrier3A)
    "tpu.region"() ({
      %run_scoped3A_574 = tpu.sem_alloc : memref<!tpu.dma_semaphore, #tpu.memory_space<semaphore_mem>>
      %dma_start3A_575 = arith.constant 0 : i32
      %dma_start3A_576 = tpu.memref_slice %arg3[%arg1, %dma_start3A_575] : memref<16x20000xi32, #tpu.memory_space<hbm>> -> memref<1x20000xi32, #tpu.memory_space<hbm>>
      %dma_start3A_577 = tpu.memref_squeeze %dma_start3A_576 : memref<1x20000xi32, #tpu.memory_space<hbm>> -> memref<20000xi32, #tpu.memory_space<hbm>>
      %dma_start3A_578 = arith.constant 0 : i32
      %dma_start3A_579 = tpu.memref_slice %arg3[%arg1, %dma_start3A_578] : memref<16x20000xi32, #tpu.memory_space<hbm>> -> memref<1x20000xi32, #tpu.memory_space<hbm>>
      %dma_start3A_580 = tpu.memref_squeeze %dma_start3A_579 : memref<1x20000xi32, #tpu.memory_space<hbm>> -> memref<20000xi32, #tpu.memory_space<hbm>>
      tpu.enqueue_dma source(%dma_start3A_580 : memref<20000xi32, #tpu.memory_space<hbm>>) target(%arg7 : memref<20000xi32, #tpu.memory_space<vmem>>) target_semaphore(%run_scoped3A_574 : memref<!tpu.dma_semaphore, #tpu.memory_space<semaphore_mem>>)
      %dma_wait3A_581 = arith.constant 0 : i32
      %dma_wait3A_582 = tpu.memref_slice %arg3[%arg1, %dma_wait3A_581] : memref<16x20000xi32, #tpu.memory_space<hbm>> -> memref<1x20000xi32, #tpu.memory_space<hbm>>
      %dma_wait3A_583 = tpu.memref_squeeze %dma_wait3A_582 : memref<1x20000xi32, #tpu.memory_space<hbm>> -> memref<20000xi32, #tpu.memory_space<hbm>>
      %dma_wait3A_584 = arith.constant 0 : i32
      %dma_wait3A_585 = tpu.memref_slice %arg3[%arg1, %dma_wait3A_584] : memref<16x20000xi32, #tpu.memory_space<hbm>> -> memref<1x20000xi32, #tpu.memory_space<hbm>>
      %dma_wait3A_586 = tpu.memref_squeeze %dma_wait3A_585 : memref<1x20000xi32, #tpu.memory_space<hbm>> -> memref<20000xi32, #tpu.memory_space<hbm>>
      tpu.wait_dma2 semaphore(%run_scoped3A_574 : memref<!tpu.dma_semaphore, #tpu.memory_space<semaphore_mem>>) src(%dma_wait3A_586 : memref<20000xi32, #tpu.memory_space<hbm>>) dst(%arg7 : memref<20000xi32, #tpu.memory_space<vmem>>)
      tpu.yield
    }) : () -> ()
    "tpu.region"() ({
      %run_scoped3A_574 = tpu.sem_alloc : memref<!tpu.dma_semaphore, #tpu.memory_space<semaphore_mem>>
      %dma_start3A_575 = arith.constant 0 : i32
      %dma_start3A_576 = tpu.memref_slice %arg4[%arg1, %dma_start3A_575] : memref<16x20000xi32, #tpu.memory_space<hbm>> -> memref<1x20000xi32, #tpu.memory_space<hbm>>
      %dma_start3A_577 = tpu.memref_squeeze %dma_start3A_576 : memref<1x20000xi32, #tpu.memory_space<hbm>> -> memref<20000xi32, #tpu.memory_space<hbm>>
      %dma_start3A_578 = arith.constant 0 : i32
      %dma_start3A_579 = tpu.memref_slice %arg4[%arg1, %dma_start3A_578] : memref<16x20000xi32, #tpu.memory_space<hbm>> -> memref<1x20000xi32, #tpu.memory_space<hbm>>
      %dma_start3A_580 = tpu.memref_squeeze %dma_start3A_579 : memref<1x20000xi32, #tpu.memory_space<hbm>> -> memref<20000xi32, #tpu.memory_space<hbm>>
      tpu.enqueue_dma source(%dma_start3A_580 : memref<20000xi32, #tpu.memory_space<hbm>>) target(%arg8 : memref<20000xi32, #tpu.memory_space<vmem>>) target_semaphore(%run_scoped3A_574 : memref<!tpu.dma_semaphore, #tpu.memory_space<semaphore_mem>>)
      %dma_wait3A_581 = arith.constant 0 : i32
      %dma_wait3A_582 = tpu.memref_slice %arg4[%arg1, %dma_wait3A_581] : memref<16x20000xi32, #tpu.memory_space<hbm>> -> memref<1x20000xi32, #tpu.memory_space<hbm>>
      %dma_wait3A_583 = tpu.memref_squeeze %dma_wait3A_582 : memref<1x20000xi32, #tpu.memory_space<hbm>> -> memref<20000xi32, #tpu.memory_space<hbm>>
      %dma_wait3A_584 = arith.constant 0 : i32
      %dma_wait3A_585 = tpu.memref_slice %arg4[%arg1, %dma_wait3A_584] : memref<16x20000xi32, #tpu.memory_space<hbm>> -> memref<1x20000xi32, #tpu.memory_space<hbm>>
      %dma_wait3A_586 = tpu.memref_squeeze %dma_wait3A_585 : memref<1x20000xi32, #tpu.memory_space<hbm>> -> memref<20000xi32, #tpu.memory_space<hbm>>
      tpu.wait_dma2 semaphore(%run_scoped3A_574 : memref<!tpu.dma_semaphore, #tpu.memory_space<semaphore_mem>>) src(%dma_wait3A_586 : memref<20000xi32, #tpu.memory_space<hbm>>) dst(%arg8 : memref<20000xi32, #tpu.memory_space<vmem>>)
      tpu.yield
    }) : () -> ()
    %scan3A_63 = arith.constant 0 : i32
    %scan3A_64 = arith.constant 0 : i32
    %scan3A_65 = arith.constant 1250 : i32
    %scan3A_66 = arith.addi %scan3A_64, %scan3A_65 : i32
    %scan3A_67 = arith.constant 1 : i32
    scf.for %scan3A_574 = %scan3A_64 to %scan3A_66 step %scan3A_67  : i32 {
      %mul3A_575 = arith.constant 16 : i32
      %mul3A_576 = arith.muli %scan3A_574, %mul3A_575 : i32
      %get3A = arith.index_cast %mul3A_576 : i32 to index
      %get3A_577 = tpu.vector_load %arg7[%get3A] {strides = array<i32>} : memref<20000xi32, #tpu.memory_space<vmem>>, vector<16xi32>,
      %get3A_578 = vector.shape_cast %get3A_577 : vector<16xi32> to vector<16xi32>
      %add3A_579 = arith.addi %get3A_578, %get3A_578 : vector<16xi32>
      %add3A_580 = vector.broadcast %arg0 : i32 to vector<16xi32>
      %add3A_581 = arith.addi %add3A_579, %add3A_580 : vector<16xi32>
      %mul3A_582 = arith.constant 16 : i32
      %mul3A_583 = arith.muli %scan3A_574, %mul3A_582 : i32
      %swap3A = arith.index_cast %mul3A_583 : i32 to index
      %swap3A_584 = tpu.vector_load %arg7[%swap3A] {strides = array<i32>} : memref<20000xi32, #tpu.memory_space<vmem>>, vector<16xi32>,
      %swap3A_585 = vector.shape_cast %swap3A_584 : vector<16xi32> to vector<16xi32>
      %swap3A_586 = vector.shape_cast %add3A_581 : vector<16xi32> to vector<16xi32>
      tpu.vector_store %arg7[%swap3A], %swap3A_586 {strides = array<i32>} : memref<20000xi32, #tpu.memory_space<vmem>>, vector<16xi32>,
    }
    %scan3A_68 = arith.constant 1250 : i32
    %dma_start3A = arith.constant 0 : i32
    %dma_start3A_69 = arith.constant 0 : i32
    %dma_start3A_70 = arith.constant 0 : i32
    %dma_start3A_71 = tpu.memref_slice %arg9[%dma_start3A, %dma_start3A_69, %dma_start3A_70] : memref<6x80x64xf32, #tpu.memory_space<vmem>> -> memref<1x80x64xf32, #tpu.memory_space<vmem>>
    %dma_start3A_72 = tpu.memref_squeeze %dma_start3A_71 : memref<1x80x64xf32, #tpu.memory_space<vmem>> -> memref<80x64xf32, #tpu.memory_space<vmem>>
    %dma_start3A_73 = arith.constant 0 : i32
    %dma_start3A_74 = tpu.memref_slice %arg7[%dma_start3A_73] : memref<20000xi32, #tpu.memory_space<vmem>> -> memref<80xi32, #tpu.memory_space<vmem>>
    %dma_start3A_75 = arith.constant 0 : i32
    %dma_start3A_76 = arith.constant 0 : i32
    %dma_start3A_77 = tpu.memref_slice %arg2[%dma_start3A_75, %dma_start3A_76] : memref<20000x64xf32, #tpu.memory_space<hbm>> -> memref<20000x64xf32, #tpu.memory_space<hbm>>
    tpu.enqueue_indirect_dma source(%dma_start3A_77 : memref<20000x64xf32, #tpu.memory_space<hbm>>) target(%dma_start3A_72 : memref<80x64xf32, #tpu.memory_space<vmem>>) offsets(%dma_start3A_74 : memref<80xi32, #tpu.memory_space<vmem>>) semaphore(%arg13 : memref<!tpu.dma_semaphore, #tpu.memory_space<semaphore_mem>>)
    %dma_start3A_78 = arith.constant 1 : i32
    %dma_start3A_79 = arith.constant 0 : i32
    %dma_start3A_80 = arith.constant 0 : i32
    %dma_start3A_81 = tpu.memref_slice %arg9[%dma_start3A_78, %dma_start3A_79, %dma_start3A_80] : memref<6x80x64xf32, #tpu.memory_space<vmem>> -> memref<1x80x64xf32, #tpu.memory_space<vmem>>
    %dma_start3A_82 = tpu.memref_squeeze %dma_start3A_81 : memref<1x80x64xf32, #tpu.memory_space<vmem>> -> memref<80x64xf32, #tpu.memory_space<vmem>>
    %dma_start3A_83 = arith.constant 80 : i32
    %dma_start3A_84 = tpu.memref_slice %arg7[%dma_start3A_83] : memref<20000xi32, #tpu.memory_space<vmem>> -> memref<80xi32, #tpu.memory_space<vmem>>
    %dma_start3A_85 = arith.constant 0 : i32
    %dma_start3A_86 = arith.constant 0 : i32
    %dma_start3A_87 = tpu.memref_slice %arg2[%dma_start3A_85, %dma_start3A_86] : memref<20000x64xf32, #tpu.memory_space<hbm>> -> memref<20000x64xf32, #tpu.memory_space<hbm>>
    tpu.enqueue_indirect_dma source(%dma_start3A_87 : memref<20000x64xf32, #tpu.memory_space<hbm>>) target(%dma_start3A_82 : memref<80x64xf32, #tpu.memory_space<vmem>>) offsets(%dma_start3A_84 : memref<80xi32, #tpu.memory_space<vmem>>) semaphore(%arg14 : memref<!tpu.dma_semaphore, #tpu.memory_space<semaphore_mem>>)
    %dma_start3A_88 = arith.constant 2 : i32
    %dma_start3A_89 = arith.constant 0 : i32
    %dma_start3A_90 = arith.constant 0 : i32
    %dma_start3A_91 = tpu.memref_slice %arg9[%dma_start3A_88, %dma_start3A_89, %dma_start3A_90] : memref<6x80x64xf32, #tpu.memory_space<vmem>> -> memref<1x80x64xf32, #tpu.memory_space<vmem>>
    %dma_start3A_92 = tpu.memref_squeeze %dma_start3A_91 : memref<1x80x64xf32, #tpu.memory_space<vmem>> -> memref<80x64xf32, #tpu.memory_space<vmem>>
    %dma_start3A_93 = arith.constant 160 : i32
    %dma_start3A_94 = tpu.memref_slice %arg7[%dma_start3A_93] : memref<20000xi32, #tpu.memory_space<vmem>> -> memref<80xi32, #tpu.memory_space<vmem>>
    %dma_start3A_95 = arith.constant 0 : i32
    %dma_start3A_96 = arith.constant 0 : i32
    %dma_start3A_97 = tpu.memref_slice %arg2[%dma_start3A_95, %dma_start3A_96] : memref<20000x64xf32, #tpu.memory_space<hbm>> -> memref<20000x64xf32, #tpu.memory_space<hbm>>
    tpu.enqueue_indirect_dma source(%dma_start3A_97 : memref<20000x64xf32, #tpu.memory_space<hbm>>) target(%dma_start3A_92 : memref<80x64xf32, #tpu.memory_space<vmem>>) offsets(%dma_start3A_94 : memref<80xi32, #tpu.memory_space<vmem>>) semaphore(%arg15 : memref<!tpu.dma_semaphore, #tpu.memory_space<semaphore_mem>>)
    %dma_start3A_98 = arith.constant 3 : i32
    %dma_start3A_99 = arith.constant 0 : i32
    %dma_start3A_100 = arith.constant 0 : i32
    %dma_start3A_101 = tpu.memref_slice %arg9[%dma_start3A_98, %dma_start3A_99, %dma_start3A_100] : memref<6x80x64xf32, #tpu.memory_space<vmem>> -> memref<1x80x64xf32, #tpu.memory_space<vmem>>
    %dma_start3A_102 = tpu.memref_squeeze %dma_start3A_101 : memref<1x80x64xf32, #tpu.memory_space<vmem>> -> memref<80x64xf32, #tpu.memory_space<vmem>>
    %dma_start3A_103 = arith.constant 240 : i32
    %dma_start3A_104 = tpu.memref_slice %arg7[%dma_start3A_103] : memref<20000xi32, #tpu.memory_space<vmem>> -> memref<80xi32, #tpu.memory_space<vmem>>
    %dma_start3A_105 = arith.constant 0 : i32
    %dma_start3A_106 = arith.constant 0 : i32
    %dma_start3A_107 = tpu.memref_slice %arg2[%dma_start3A_105, %dma_start3A_106] : memref<20000x64xf32, #tpu.memory_space<hbm>> -> memref<20000x64xf32, #tpu.memory_space<hbm>>
    tpu.enqueue_indirect_dma source(%dma_start3A_107 : memref<20000x64xf32, #tpu.memory_space<hbm>>) target(%dma_start3A_102 : memref<80x64xf32, #tpu.memory_space<vmem>>) offsets(%dma_start3A_104 : memref<80xi32, #tpu.memory_space<vmem>>) semaphore(%arg16 : memref<!tpu.dma_semaphore, #tpu.memory_space<semaphore_mem>>)
    %dma_start3A_108 = arith.constant 4 : i32
    %dma_start3A_109 = arith.constant 0 : i32
    %dma_start3A_110 = arith.constant 0 : i32
    %dma_start3A_111 = tpu.memref_slice %arg9[%dma_start3A_108, %dma_start3A_109, %dma_start3A_110] : memref<6x80x64xf32, #tpu.memory_space<vmem>> -> memref<1x80x64xf32, #tpu.memory_space<vmem>>
    %dma_start3A_112 = tpu.memref_squeeze %dma_start3A_111 : memref<1x80x64xf32, #tpu.memory_space<vmem>> -> memref<80x64xf32, #tpu.memory_space<vmem>>
    %dma_start3A_113 = arith.constant 320 : i32
    %dma_start3A_114 = tpu.memref_slice %arg7[%dma_start3A_113] : memref<20000xi32, #tpu.memory_space<vmem>> -> memref<80xi32, #tpu.memory_space<vmem>>
    %dma_start3A_115 = arith.constant 0 : i32
    %dma_start3A_116 = arith.constant 0 : i32
    %dma_start3A_117 = tpu.memref_slice %arg2[%dma_start3A_115, %dma_start3A_116] : memref<20000x64xf32, #tpu.memory_space<hbm>> -> memref<20000x64xf32, #tpu.memory_space<hbm>>
    tpu.enqueue_indirect_dma source(%dma_start3A_117 : memref<20000x64xf32, #tpu.memory_space<hbm>>) target(%dma_start3A_112 : memref<80x64xf32, #tpu.memory_space<vmem>>) offsets(%dma_start3A_114 : memref<80xi32, #tpu.memory_space<vmem>>) semaphore(%arg17 : memref<!tpu.dma_semaphore, #tpu.memory_space<semaphore_mem>>)
    %dma_start3A_118 = arith.constant 5 : i32
    %dma_start3A_119 = arith.constant 0 : i32
    %dma_start3A_120 = arith.constant 0 : i32
    %dma_start3A_121 = tpu.memref_slice %arg9[%dma_start3A_118, %dma_start3A_119, %dma_start3A_120] : memref<6x80x64xf32, #tpu.memory_space<vmem>> -> memref<1x80x64xf32, #tpu.memory_space<vmem>>
    %dma_start3A_122 = tpu.memref_squeeze %dma_start3A_121 : memref<1x80x64xf32, #tpu.memory_space<vmem>> -> memref<80x64xf32, #tpu.memory_space<vmem>>
    %dma_start3A_123 = arith.constant 400 : i32
    %dma_start3A_124 = tpu.memref_slice %arg7[%dma_start3A_123] : memref<20000xi32, #tpu.memory_space<vmem>> -> memref<80xi32, #tpu.memory_space<vmem>>
    %dma_start3A_125 = arith.constant 0 : i32
    %dma_start3A_126 = arith.constant 0 : i32
    %dma_start3A_127 = tpu.memref_slice %arg2[%dma_start3A_125, %dma_start3A_126] : memref<20000x64xf32, #tpu.memory_space<hbm>> -> memref<20000x64xf32, #tpu.memory_space<hbm>>
    tpu.enqueue_indirect_dma source(%dma_start3A_127 : memref<20000x64xf32, #tpu.memory_space<hbm>>) target(%dma_start3A_122 : memref<80x64xf32, #tpu.memory_space<vmem>>) offsets(%dma_start3A_124 : memref<80xi32, #tpu.memory_space<vmem>>) semaphore(%arg18 : memref<!tpu.dma_semaphore, #tpu.memory_space<semaphore_mem>>)
    %scan3A_128 = arith.constant 0 : i32
    %scan3A_129 = arith.constant 0 : i32
    %scan3A_130 = arith.constant 40 : i32
    %scan3A_131 = arith.addi %scan3A_129, %scan3A_130 : i32
    %scan3A_132 = arith.constant 1 : i32
    scf.for %scan3A_574 = %scan3A_129 to %scan3A_131 step %scan3A_132  : i32 {
      %mul3A_575 = arith.constant 6 : i32
      %mul3A_576 = arith.muli %scan3A_574, %mul3A_575 : i32
      %add3A_577 = arith.constant 0 : i32
      %add3A_578 = arith.addi %mul3A_576, %add3A_577 : i32
      %mul3A_579 = arith.constant 80 : i32
      %mul3A_580 = arith.muli %add3A_578, %mul3A_579 : i32
      %dma_wait3A_581 = arith.constant 0 : i32
      %dma_wait3A_582 = arith.constant 0 : i32
      %dma_wait3A_583 = arith.constant 0 : i32
      %dma_wait3A_584 = tpu.memref_slice %arg9[%dma_wait3A_581, %dma_wait3A_582, %dma_wait3A_583] : memref<6x80x64xf32, #tpu.memory_space<vmem>> -> memref<1x80x64xf32, #tpu.memory_space<vmem>>
      %dma_wait3A_585 = tpu.memref_squeeze %dma_wait3A_584 : memref<1x80x64xf32, #tpu.memory_space<vmem>> -> memref<80x64xf32, #tpu.memory_space<vmem>>
      %dma_wait3A_586 = tpu.memref_slice %arg7[%mul3A_580] : memref<20000xi32, #tpu.memory_space<vmem>> -> memref<80xi32, #tpu.memory_space<vmem>>
      %dma_wait3A_587 = arith.constant 0 : i32
      %dma_wait3A_588 = arith.constant 0 : i32
      %dma_wait3A_589 = tpu.memref_slice %arg2[%dma_wait3A_587, %dma_wait3A_588] : memref<20000x64xf32, #tpu.memory_space<hbm>> -> memref<20000x64xf32, #tpu.memory_space<hbm>>
      tpu.wait_indirect_dma semaphore(%arg13 : memref<!tpu.dma_semaphore, #tpu.memory_space<semaphore_mem>>) src(%dma_wait3A_589 : memref<20000x64xf32, #tpu.memory_space<hbm>>) dst(%dma_wait3A_585 : memref<80x64xf32, #tpu.memory_space<vmem>>)
      %mul3A_590 = arith.constant 80 : i32
      %mul3A_591 = arith.muli %add3A_578, %mul3A_590 : i32
      %dma_start3A_592 = arith.constant 0 : i32
      %dma_start3A_593 = arith.constant 0 : i32
      %dma_start3A_594 = arith.constant 0 : i32
      %dma_start3A_595 = tpu.memref_slice %arg9[%dma_start3A_592, %dma_start3A_593, %dma_start3A_594] : memref<6x80x64xf32, #tpu.memory_space<vmem>> -> memref<1x80x64xf32, #tpu.memory_space<vmem>>
      %dma_start3A_596 = tpu.memref_squeeze %dma_start3A_595 : memref<1x80x64xf32, #tpu.memory_space<vmem>> -> memref<80x64xf32, #tpu.memory_space<vmem>>
      %dma_start3A_597 = tpu.memref_slice %arg8[%mul3A_591] : memref<20000xi32, #tpu.memory_space<vmem>> -> memref<80xi32, #tpu.memory_space<vmem>>
      %dma_start3A_598 = arith.constant 0 : i32
      %dma_start3A_599 = arith.constant 0 : i32
      %dma_start3A_600 = tpu.memref_slice %arg11[%dma_start3A_598, %dma_start3A_599] : memref<10016x64xf32, #tpu.memory_space<vmem_shared>> -> memref<10016x64xf32, #tpu.memory_space<vmem_shared>>
      tpu.enqueue_indirect_dma source(%dma_start3A_596 : memref<80x64xf32, #tpu.memory_space<vmem>>) target(%dma_start3A_600 : memref<10016x64xf32, #tpu.memory_space<vmem_shared>>) offsets(%dma_start3A_597 : memref<80xi32, #tpu.memory_space<vmem>>) semaphore(%arg19 : memref<!tpu.dma_semaphore, #tpu.memory_space<semaphore_mem>>) {add = true}
      %eq3A_601 = arith.constant 0 : i32
      %eq3A_602 = arith.cmpi eq, %arg0, %eq3A_601 : i32
      %convert_element_type3A_603 = arith.extui %eq3A_602 : i1 to i32
      %cond3A_604 = arith.constant 0 : i32
      %cond3A_605 = arith.cmpi ne, %convert_element_type3A_603, %cond3A_604 : i32
      scf.if %cond3A_605 {
        %mul3A_935 = arith.constant 80 : i32
        %mul3A_936 = arith.muli %add3A_578, %mul3A_935 : i32
        %dma_start3A_937 = tpu.memref_slice %arg8[%mul3A_936] : memref<20000xi32, #tpu.memory_space<vmem>> -> memref<80xi32, #tpu.memory_space<vmem>>
        %dma_start3A_938 = arith.constant 0 : i32
        %dma_start3A_939 = arith.constant 0 : i32
        %dma_start3A_940 = tpu.memref_slice %arg12[%dma_start3A_938, %dma_start3A_939] : memref<10016x16xf32, #tpu.memory_space<vmem_shared>> -> memref<10016x16xf32, #tpu.memory_space<vmem_shared>>
        tpu.enqueue_indirect_dma source(%arg10 : memref<80x16xf32, #tpu.memory_space<vmem>>) target(%dma_start3A_940 : memref<10016x16xf32, #tpu.memory_space<vmem_shared>>) offsets(%dma_start3A_937 : memref<80xi32, #tpu.memory_space<vmem>>) semaphore(%arg25 : memref<!tpu.dma_semaphore, #tpu.memory_space<semaphore_mem>>) {add = true}
      } else {
      }
      %mul3A_606 = arith.constant 80 : i32
      %mul3A_607 = arith.muli %add3A_578, %mul3A_606 : i32
      %dma_wait3A_608 = arith.constant 0 : i32
      %dma_wait3A_609 = arith.constant 0 : i32
      %dma_wait3A_610 = arith.constant 0 : i32
      %dma_wait3A_611 = tpu.memref_slice %arg9[%dma_wait3A_608, %dma_wait3A_609, %dma_wait3A_610] : memref<6x80x64xf32, #tpu.memory_space<vmem>> -> memref<1x80x64xf32, #tpu.memory_space<vmem>>
      %dma_wait3A_612 = tpu.memref_squeeze %dma_wait3A_611 : memref<1x80x64xf32, #tpu.memory_space<vmem>> -> memref<80x64xf32, #tpu.memory_space<vmem>>
      %dma_wait3A_613 = tpu.memref_slice %arg8[%mul3A_607] : memref<20000xi32, #tpu.memory_space<vmem>> -> memref<80xi32, #tpu.memory_space<vmem>>
      %dma_wait3A_614 = arith.constant 0 : i32
      %dma_wait3A_615 = arith.constant 0 : i32
      %dma_wait3A_616 = tpu.memref_slice %arg11[%dma_wait3A_614, %dma_wait3A_615] : memref<10016x64xf32, #tpu.memory_space<vmem_shared>> -> memref<10016x64xf32, #tpu.memory_space<vmem_shared>>
      tpu.wait_indirect_dma semaphore(%arg19 : memref<!tpu.dma_semaphore, #tpu.memory_space<semaphore_mem>>) src(%dma_wait3A_612 : memref<80x64xf32, #tpu.memory_space<vmem>>) dst(%dma_wait3A_616 : memref<10016x64xf32, #tpu.memory_space<vmem_shared>>)
      %eq3A_617 = arith.constant 0 : i32
      %eq3A_618 = arith.cmpi eq, %arg0, %eq3A_617 : i32
      %convert_element_type3A_619 = arith.extui %eq3A_618 : i1 to i32
      %cond3A_620 = arith.constant 0 : i32
      %cond3A_621 = arith.cmpi ne, %convert_element_type3A_619, %cond3A_620 : i32
      scf.if %cond3A_621 {
        %mul3A_935 = arith.constant 80 : i32
        %mul3A_936 = arith.muli %add3A_578, %mul3A_935 : i32
        %dma_wait3A_937 = tpu.memref_slice %arg8[%mul3A_936] : memref<20000xi32, #tpu.memory_space<vmem>> -> memref<80xi32, #tpu.memory_space<vmem>>
        %dma_wait3A_938 = arith.constant 0 : i32
        %dma_wait3A_939 = arith.constant 0 : i32
        %dma_wait3A_940 = tpu.memref_slice %arg12[%dma_wait3A_938, %dma_wait3A_939] : memref<10016x16xf32, #tpu.memory_space<vmem_shared>> -> memref<10016x16xf32, #tpu.memory_space<vmem_shared>>
        tpu.wait_indirect_dma semaphore(%arg25 : memref<!tpu.dma_semaphore, #tpu.memory_space<semaphore_mem>>) src(%arg10 : memref<80x16xf32, #tpu.memory_space<vmem>>) dst(%dma_wait3A_940 : memref<10016x16xf32, #tpu.memory_space<vmem_shared>>)
      } else {
      }
      %add3A_622 = arith.constant 6 : i32
      %add3A_623 = arith.addi %add3A_578, %add3A_622 : i32
      %mul3A_624 = arith.constant 80 : i32
      %mul3A_625 = arith.muli %add3A_623, %mul3A_624 : i32
      %dma_start3A_626 = arith.constant 0 : i32
      %dma_start3A_627 = arith.constant 0 : i32
      %dma_start3A_628 = arith.constant 0 : i32
      %dma_start3A_629 = tpu.memref_slice %arg9[%dma_start3A_626, %dma_start3A_627, %dma_start3A_628] : memref<6x80x64xf32, #tpu.memory_space<vmem>> -> memref<1x80x64xf32, #tpu.memory_space<vmem>>
      %dma_start3A_630 = tpu.memref_squeeze %dma_start3A_629 : memref<1x80x64xf32, #tpu.memory_space<vmem>> -> memref<80x64xf32, #tpu.memory_space<vmem>>
      %dma_start3A_631 = tpu.memref_slice %arg7[%mul3A_625] : memref<20000xi32, #tpu.memory_space<vmem>> -> memref<80xi32, #tpu.memory_space<vmem>>
      %dma_start3A_632 = arith.constant 0 : i32
      %dma_start3A_633 = arith.constant 0 : i32
      %dma_start3A_634 = tpu.memref_slice %arg2[%dma_start3A_632, %dma_start3A_633] : memref<20000x64xf32, #tpu.memory_space<hbm>> -> memref<20000x64xf32, #tpu.memory_space<hbm>>
      tpu.enqueue_indirect_dma source(%dma_start3A_634 : memref<20000x64xf32, #tpu.memory_space<hbm>>) target(%dma_start3A_630 : memref<80x64xf32, #tpu.memory_space<vmem>>) offsets(%dma_start3A_631 : memref<80xi32, #tpu.memory_space<vmem>>) semaphore(%arg13 : memref<!tpu.dma_semaphore, #tpu.memory_space<semaphore_mem>>)
      %mul3A_635 = arith.constant 6 : i32
      %mul3A_636 = arith.muli %scan3A_574, %mul3A_635 : i32
      %add3A_637 = arith.constant 1 : i32
      %add3A_638 = arith.addi %mul3A_636, %add3A_637 : i32
      %mul3A_639 = arith.constant 80 : i32
      %mul3A_640 = arith.muli %add3A_638, %mul3A_639 : i32
      %dma_wait3A_641 = arith.constant 1 : i32
      %dma_wait3A_642 = arith.constant 0 : i32
      %dma_wait3A_643 = arith.constant 0 : i32
      %dma_wait3A_644 = tpu.memref_slice %arg9[%dma_wait3A_641, %dma_wait3A_642, %dma_wait3A_643] : memref<6x80x64xf32, #tpu.memory_space<vmem>> -> memref<1x80x64xf32, #tpu.memory_space<vmem>>
      %dma_wait3A_645 = tpu.memref_squeeze %dma_wait3A_644 : memref<1x80x64xf32, #tpu.memory_space<vmem>> -> memref<80x64xf32, #tpu.memory_space<vmem>>
      %dma_wait3A_646 = tpu.memref_slice %arg7[%mul3A_640] : memref<20000xi32, #tpu.memory_space<vmem>> -> memref<80xi32, #tpu.memory_space<vmem>>
      %dma_wait3A_647 = arith.constant 0 : i32
      %dma_wait3A_648 = arith.constant 0 : i32
      %dma_wait3A_649 = tpu.memref_slice %arg2[%dma_wait3A_647, %dma_wait3A_648] : memref<20000x64xf32, #tpu.memory_space<hbm>> -> memref<20000x64xf32, #tpu.memory_space<hbm>>
      tpu.wait_indirect_dma semaphore(%arg14 : memref<!tpu.dma_semaphore, #tpu.memory_space<semaphore_mem>>) src(%dma_wait3A_649 : memref<20000x64xf32, #tpu.memory_space<hbm>>) dst(%dma_wait3A_645 : memref<80x64xf32, #tpu.memory_space<vmem>>)
      %mul3A_650 = arith.constant 80 : i32
      %mul3A_651 = arith.muli %add3A_638, %mul3A_650 : i32
      %dma_start3A_652 = arith.constant 1 : i32
      %dma_start3A_653 = arith.constant 0 : i32
      %dma_start3A_654 = arith.constant 0 : i32
      %dma_start3A_655 = tpu.memref_slice %arg9[%dma_start3A_652, %dma_start3A_653, %dma_start3A_654] : memref<6x80x64xf32, #tpu.memory_space<vmem>> -> memref<1x80x64xf32, #tpu.memory_space<vmem>>
      %dma_start3A_656 = tpu.memref_squeeze %dma_start3A_655 : memref<1x80x64xf32, #tpu.memory_space<vmem>> -> memref<80x64xf32, #tpu.memory_space<vmem>>
      %dma_start3A_657 = tpu.memref_slice %arg8[%mul3A_651] : memref<20000xi32, #tpu.memory_space<vmem>> -> memref<80xi32, #tpu.memory_space<vmem>>
      %dma_start3A_658 = arith.constant 0 : i32
      %dma_start3A_659 = arith.constant 0 : i32
      %dma_start3A_660 = tpu.memref_slice %arg11[%dma_start3A_658, %dma_start3A_659] : memref<10016x64xf32, #tpu.memory_space<vmem_shared>> -> memref<10016x64xf32, #tpu.memory_space<vmem_shared>>
      tpu.enqueue_indirect_dma source(%dma_start3A_656 : memref<80x64xf32, #tpu.memory_space<vmem>>) target(%dma_start3A_660 : memref<10016x64xf32, #tpu.memory_space<vmem_shared>>) offsets(%dma_start3A_657 : memref<80xi32, #tpu.memory_space<vmem>>) semaphore(%arg20 : memref<!tpu.dma_semaphore, #tpu.memory_space<semaphore_mem>>) {add = true}
      %eq3A_661 = arith.constant 1 : i32
      %eq3A_662 = arith.cmpi eq, %arg0, %eq3A_661 : i32
      %convert_element_type3A_663 = arith.extui %eq3A_662 : i1 to i32
      %cond3A_664 = arith.constant 0 : i32
      %cond3A_665 = arith.cmpi ne, %convert_element_type3A_663, %cond3A_664 : i32
      scf.if %cond3A_665 {
        %mul3A_935 = arith.constant 80 : i32
        %mul3A_936 = arith.muli %add3A_638, %mul3A_935 : i32
        %dma_start3A_937 = tpu.memref_slice %arg8[%mul3A_936] : memref<20000xi32, #tpu.memory_space<vmem>> -> memref<80xi32, #tpu.memory_space<vmem>>
        %dma_start3A_938 = arith.constant 0 : i32
        %dma_start3A_939 = arith.constant 0 : i32
        %dma_start3A_940 = tpu.memref_slice %arg12[%dma_start3A_938, %dma_start3A_939] : memref<10016x16xf32, #tpu.memory_space<vmem_shared>> -> memref<10016x16xf32, #tpu.memory_space<vmem_shared>>
        tpu.enqueue_indirect_dma source(%arg10 : memref<80x16xf32, #tpu.memory_space<vmem>>) target(%dma_start3A_940 : memref<10016x16xf32, #tpu.memory_space<vmem_shared>>) offsets(%dma_start3A_937 : memref<80xi32, #tpu.memory_space<vmem>>) semaphore(%arg25 : memref<!tpu.dma_semaphore, #tpu.memory_space<semaphore_mem>>) {add = true}
      } else {
      }
      %mul3A_666 = arith.constant 80 : i32
      %mul3A_667 = arith.muli %add3A_638, %mul3A_666 : i32
      %dma_wait3A_668 = arith.constant 1 : i32
      %dma_wait3A_669 = arith.constant 0 : i32
      %dma_wait3A_670 = arith.constant 0 : i32
      %dma_wait3A_671 = tpu.memref_slice %arg9[%dma_wait3A_668, %dma_wait3A_669, %dma_wait3A_670] : memref<6x80x64xf32, #tpu.memory_space<vmem>> -> memref<1x80x64xf32, #tpu.memory_space<vmem>>
      %dma_wait3A_672 = tpu.memref_squeeze %dma_wait3A_671 : memref<1x80x64xf32, #tpu.memory_space<vmem>> -> memref<80x64xf32, #tpu.memory_space<vmem>>
      %dma_wait3A_673 = tpu.memref_slice %arg8[%mul3A_667] : memref<20000xi32, #tpu.memory_space<vmem>> -> memref<80xi32, #tpu.memory_space<vmem>>
      %dma_wait3A_674 = arith.constant 0 : i32
      %dma_wait3A_675 = arith.constant 0 : i32
      %dma_wait3A_676 = tpu.memref_slice %arg11[%dma_wait3A_674, %dma_wait3A_675] : memref<10016x64xf32, #tpu.memory_space<vmem_shared>> -> memref<10016x64xf32, #tpu.memory_space<vmem_shared>>
      tpu.wait_indirect_dma semaphore(%arg20 : memref<!tpu.dma_semaphore, #tpu.memory_space<semaphore_mem>>) src(%dma_wait3A_672 : memref<80x64xf32, #tpu.memory_space<vmem>>) dst(%dma_wait3A_676 : memref<10016x64xf32, #tpu.memory_space<vmem_shared>>)
      %eq3A_677 = arith.constant 1 : i32
      %eq3A_678 = arith.cmpi eq, %arg0, %eq3A_677 : i32
      %convert_element_type3A_679 = arith.extui %eq3A_678 : i1 to i32
      %cond3A_680 = arith.constant 0 : i32
      %cond3A_681 = arith.cmpi ne, %convert_element_type3A_679, %cond3A_680 : i32
      scf.if %cond3A_681 {
        %mul3A_935 = arith.constant 80 : i32
        %mul3A_936 = arith.muli %add3A_638, %mul3A_935 : i32
        %dma_wait3A_937 = tpu.memref_slice %arg8[%mul3A_936] : memref<20000xi32, #tpu.memory_space<vmem>> -> memref<80xi32, #tpu.memory_space<vmem>>
        %dma_wait3A_938 = arith.constant 0 : i32
        %dma_wait3A_939 = arith.constant 0 : i32
        %dma_wait3A_940 = tpu.memref_slice %arg12[%dma_wait3A_938, %dma_wait3A_939] : memref<10016x16xf32, #tpu.memory_space<vmem_shared>> -> memref<10016x16xf32, #tpu.memory_space<vmem_shared>>
        tpu.wait_indirect_dma semaphore(%arg25 : memref<!tpu.dma_semaphore, #tpu.memory_space<semaphore_mem>>) src(%arg10 : memref<80x16xf32, #tpu.memory_space<vmem>>) dst(%dma_wait3A_940 : memref<10016x16xf32, #tpu.memory_space<vmem_shared>>)
      } else {
      }
      %add3A_682 = arith.constant 6 : i32
      %add3A_683 = arith.addi %add3A_638, %add3A_682 : i32
      %mul3A_684 = arith.constant 80 : i32
      %mul3A_685 = arith.muli %add3A_683, %mul3A_684 : i32
      %dma_start3A_686 = arith.constant 1 : i32
      %dma_start3A_687 = arith.constant 0 : i32
      %dma_start3A_688 = arith.constant 0 : i32
      %dma_start3A_689 = tpu.memref_slice %arg9[%dma_start3A_686, %dma_start3A_687, %dma_start3A_688] : memref<6x80x64xf32, #tpu.memory_space<vmem>> -> memref<1x80x64xf32, #tpu.memory_space<vmem>>
      %dma_start3A_690 = tpu.memref_squeeze %dma_start3A_689 : memref<1x80x64xf32, #tpu.memory_space<vmem>> -> memref<80x64xf32, #tpu.memory_space<vmem>>
      %dma_start3A_691 = tpu.memref_slice %arg7[%mul3A_685] : memref<20000xi32, #tpu.memory_space<vmem>> -> memref<80xi32, #tpu.memory_space<vmem>>
      %dma_start3A_692 = arith.constant 0 : i32
      %dma_start3A_693 = arith.constant 0 : i32
      %dma_start3A_694 = tpu.memref_slice %arg2[%dma_start3A_692, %dma_start3A_693] : memref<20000x64xf32, #tpu.memory_space<hbm>> -> memref<20000x64xf32, #tpu.memory_space<hbm>>
      tpu.enqueue_indirect_dma source(%dma_start3A_694 : memref<20000x64xf32, #tpu.memory_space<hbm>>) target(%dma_start3A_690 : memref<80x64xf32, #tpu.memory_space<vmem>>) offsets(%dma_start3A_691 : memref<80xi32, #tpu.memory_space<vmem>>) semaphore(%arg14 : memref<!tpu.dma_semaphore, #tpu.memory_space<semaphore_mem>>)
      %mul3A_695 = arith.constant 6 : i32
      %mul3A_696 = arith.muli %scan3A_574, %mul3A_695 : i32
      %add3A_697 = arith.constant 2 : i32
      %add3A_698 = arith.addi %mul3A_696, %add3A_697 : i32
      %mul3A_699 = arith.constant 80 : i32
      %mul3A_700 = arith.muli %add3A_698, %mul3A_699 : i32
      %dma_wait3A_701 = arith.constant 2 : i32
      %dma_wait3A_702 = arith.constant 0 : i32
      %dma_wait3A_703 = arith.constant 0 : i32
      %dma_wait3A_704 = tpu.memref_slice %arg9[%dma_wait3A_701, %dma_wait3A_702, %dma_wait3A_703] : memref<6x80x64xf32, #tpu.memory_space<vmem>> -> memref<1x80x64xf32, #tpu.memory_space<vmem>>
      %dma_wait3A_705 = tpu.memref_squeeze %dma_wait3A_704 : memref<1x80x64xf32, #tpu.memory_space<vmem>> -> memref<80x64xf32, #tpu.memory_space<vmem>>
      %dma_wait3A_706 = tpu.memref_slice %arg7[%mul3A_700] : memref<20000xi32, #tpu.memory_space<vmem>> -> memref<80xi32, #tpu.memory_space<vmem>>
      %dma_wait3A_707 = arith.constant 0 : i32
      %dma_wait3A_708 = arith.constant 0 : i32
      %dma_wait3A_709 = tpu.memref_slice %arg2[%dma_wait3A_707, %dma_wait3A_708] : memref<20000x64xf32, #tpu.memory_space<hbm>> -> memref<20000x64xf32, #tpu.memory_space<hbm>>
      tpu.wait_indirect_dma semaphore(%arg15 : memref<!tpu.dma_semaphore, #tpu.memory_space<semaphore_mem>>) src(%dma_wait3A_709 : memref<20000x64xf32, #tpu.memory_space<hbm>>) dst(%dma_wait3A_705 : memref<80x64xf32, #tpu.memory_space<vmem>>)
      %mul3A_710 = arith.constant 80 : i32
      %mul3A_711 = arith.muli %add3A_698, %mul3A_710 : i32
      %dma_start3A_712 = arith.constant 2 : i32
      %dma_start3A_713 = arith.constant 0 : i32
      %dma_start3A_714 = arith.constant 0 : i32
      %dma_start3A_715 = tpu.memref_slice %arg9[%dma_start3A_712, %dma_start3A_713, %dma_start3A_714] : memref<6x80x64xf32, #tpu.memory_space<vmem>> -> memref<1x80x64xf32, #tpu.memory_space<vmem>>
      %dma_start3A_716 = tpu.memref_squeeze %dma_start3A_715 : memref<1x80x64xf32, #tpu.memory_space<vmem>> -> memref<80x64xf32, #tpu.memory_space<vmem>>
      %dma_start3A_717 = tpu.memref_slice %arg8[%mul3A_711] : memref<20000xi32, #tpu.memory_space<vmem>> -> memref<80xi32, #tpu.memory_space<vmem>>
      %dma_start3A_718 = arith.constant 0 : i32
      %dma_start3A_719 = arith.constant 0 : i32
      %dma_start3A_720 = tpu.memref_slice %arg11[%dma_start3A_718, %dma_start3A_719] : memref<10016x64xf32, #tpu.memory_space<vmem_shared>> -> memref<10016x64xf32, #tpu.memory_space<vmem_shared>>
      tpu.enqueue_indirect_dma source(%dma_start3A_716 : memref<80x64xf32, #tpu.memory_space<vmem>>) target(%dma_start3A_720 : memref<10016x64xf32, #tpu.memory_space<vmem_shared>>) offsets(%dma_start3A_717 : memref<80xi32, #tpu.memory_space<vmem>>) semaphore(%arg21 : memref<!tpu.dma_semaphore, #tpu.memory_space<semaphore_mem>>) {add = true}
      %eq3A_721 = arith.constant 0 : i32
      %eq3A_722 = arith.cmpi eq, %arg0, %eq3A_721 : i32
      %convert_element_type3A_723 = arith.extui %eq3A_722 : i1 to i32
      %cond3A_724 = arith.constant 0 : i32
      %cond3A_725 = arith.cmpi ne, %convert_element_type3A_723, %cond3A_724 : i32
      scf.if %cond3A_725 {
        %mul3A_935 = arith.constant 80 : i32
        %mul3A_936 = arith.muli %add3A_698, %mul3A_935 : i32
        %dma_start3A_937 = tpu.memref_slice %arg8[%mul3A_936] : memref<20000xi32, #tpu.memory_space<vmem>> -> memref<80xi32, #tpu.memory_space<vmem>>
        %dma_start3A_938 = arith.constant 0 : i32
        %dma_start3A_939 = arith.constant 0 : i32
        %dma_start3A_940 = tpu.memref_slice %arg12[%dma_start3A_938, %dma_start3A_939] : memref<10016x16xf32, #tpu.memory_space<vmem_shared>> -> memref<10016x16xf32, #tpu.memory_space<vmem_shared>>
        tpu.enqueue_indirect_dma source(%arg10 : memref<80x16xf32, #tpu.memory_space<vmem>>) target(%dma_start3A_940 : memref<10016x16xf32, #tpu.memory_space<vmem_shared>>) offsets(%dma_start3A_937 : memref<80xi32, #tpu.memory_space<vmem>>) semaphore(%arg25 : memref<!tpu.dma_semaphore, #tpu.memory_space<semaphore_mem>>) {add = true}
      } else {
      }
      %mul3A_726 = arith.constant 80 : i32
      %mul3A_727 = arith.muli %add3A_698, %mul3A_726 : i32
      %dma_wait3A_728 = arith.constant 2 : i32
      %dma_wait3A_729 = arith.constant 0 : i32
      %dma_wait3A_730 = arith.constant 0 : i32
      %dma_wait3A_731 = tpu.memref_slice %arg9[%dma_wait3A_728, %dma_wait3A_729, %dma_wait3A_730] : memref<6x80x64xf32, #tpu.memory_space<vmem>> -> memref<1x80x64xf32, #tpu.memory_space<vmem>>
      %dma_wait3A_732 = tpu.memref_squeeze %dma_wait3A_731 : memref<1x80x64xf32, #tpu.memory_space<vmem>> -> memref<80x64xf32, #tpu.memory_space<vmem>>
      %dma_wait3A_733 = tpu.memref_slice %arg8[%mul3A_727] : memref<20000xi32, #tpu.memory_space<vmem>> -> memref<80xi32, #tpu.memory_space<vmem>>
      %dma_wait3A_734 = arith.constant 0 : i32
      %dma_wait3A_735 = arith.constant 0 : i32
      %dma_wait3A_736 = tpu.memref_slice %arg11[%dma_wait3A_734, %dma_wait3A_735] : memref<10016x64xf32, #tpu.memory_space<vmem_shared>> -> memref<10016x64xf32, #tpu.memory_space<vmem_shared>>
      tpu.wait_indirect_dma semaphore(%arg21 : memref<!tpu.dma_semaphore, #tpu.memory_space<semaphore_mem>>) src(%dma_wait3A_732 : memref<80x64xf32, #tpu.memory_space<vmem>>) dst(%dma_wait3A_736 : memref<10016x64xf32, #tpu.memory_space<vmem_shared>>)
      %eq3A_737 = arith.constant 0 : i32
      %eq3A_738 = arith.cmpi eq, %arg0, %eq3A_737 : i32
      %convert_element_type3A_739 = arith.extui %eq3A_738 : i1 to i32
      %cond3A_740 = arith.constant 0 : i32
      %cond3A_741 = arith.cmpi ne, %convert_element_type3A_739, %cond3A_740 : i32
      scf.if %cond3A_741 {
        %mul3A_935 = arith.constant 80 : i32
        %mul3A_936 = arith.muli %add3A_698, %mul3A_935 : i32
        %dma_wait3A_937 = tpu.memref_slice %arg8[%mul3A_936] : memref<20000xi32, #tpu.memory_space<vmem>> -> memref<80xi32, #tpu.memory_space<vmem>>
        %dma_wait3A_938 = arith.constant 0 : i32
        %dma_wait3A_939 = arith.constant 0 : i32
        %dma_wait3A_940 = tpu.memref_slice %arg12[%dma_wait3A_938, %dma_wait3A_939] : memref<10016x16xf32, #tpu.memory_space<vmem_shared>> -> memref<10016x16xf32, #tpu.memory_space<vmem_shared>>
        tpu.wait_indirect_dma semaphore(%arg25 : memref<!tpu.dma_semaphore, #tpu.memory_space<semaphore_mem>>) src(%arg10 : memref<80x16xf32, #tpu.memory_space<vmem>>) dst(%dma_wait3A_940 : memref<10016x16xf32, #tpu.memory_space<vmem_shared>>)
      } else {
      }
      %add3A_742 = arith.constant 6 : i32
      %add3A_743 = arith.addi %add3A_698, %add3A_742 : i32
      %mul3A_744 = arith.constant 80 : i32
      %mul3A_745 = arith.muli %add3A_743, %mul3A_744 : i32
      %dma_start3A_746 = arith.constant 2 : i32
      %dma_start3A_747 = arith.constant 0 : i32
      %dma_start3A_748 = arith.constant 0 : i32
      %dma_start3A_749 = tpu.memref_slice %arg9[%dma_start3A_746, %dma_start3A_747, %dma_start3A_748] : memref<6x80x64xf32, #tpu.memory_space<vmem>> -> memref<1x80x64xf32, #tpu.memory_space<vmem>>
      %dma_start3A_750 = tpu.memref_squeeze %dma_start3A_749 : memref<1x80x64xf32, #tpu.memory_space<vmem>> -> memref<80x64xf32, #tpu.memory_space<vmem>>
      %dma_start3A_751 = tpu.memref_slice %arg7[%mul3A_745] : memref<20000xi32, #tpu.memory_space<vmem>> -> memref<80xi32, #tpu.memory_space<vmem>>
      %dma_start3A_752 = arith.constant 0 : i32
      %dma_start3A_753 = arith.constant 0 : i32
      %dma_start3A_754 = tpu.memref_slice %arg2[%dma_start3A_752, %dma_start3A_753] : memref<20000x64xf32, #tpu.memory_space<hbm>> -> memref<20000x64xf32, #tpu.memory_space<hbm>>
      tpu.enqueue_indirect_dma source(%dma_start3A_754 : memref<20000x64xf32, #tpu.memory_space<hbm>>) target(%dma_start3A_750 : memref<80x64xf32, #tpu.memory_space<vmem>>) offsets(%dma_start3A_751 : memref<80xi32, #tpu.memory_space<vmem>>) semaphore(%arg15 : memref<!tpu.dma_semaphore, #tpu.memory_space<semaphore_mem>>)
      %mul3A_755 = arith.constant 6 : i32
      %mul3A_756 = arith.muli %scan3A_574, %mul3A_755 : i32
      %add3A_757 = arith.constant 3 : i32
      %add3A_758 = arith.addi %mul3A_756, %add3A_757 : i32
      %mul3A_759 = arith.constant 80 : i32
      %mul3A_760 = arith.muli %add3A_758, %mul3A_759 : i32
      %dma_wait3A_761 = arith.constant 3 : i32
      %dma_wait3A_762 = arith.constant 0 : i32
      %dma_wait3A_763 = arith.constant 0 : i32
      %dma_wait3A_764 = tpu.memref_slice %arg9[%dma_wait3A_761, %dma_wait3A_762, %dma_wait3A_763] : memref<6x80x64xf32, #tpu.memory_space<vmem>> -> memref<1x80x64xf32, #tpu.memory_space<vmem>>
      %dma_wait3A_765 = tpu.memref_squeeze %dma_wait3A_764 : memref<1x80x64xf32, #tpu.memory_space<vmem>> -> memref<80x64xf32, #tpu.memory_space<vmem>>
      %dma_wait3A_766 = tpu.memref_slice %arg7[%mul3A_760] : memref<20000xi32, #tpu.memory_space<vmem>> -> memref<80xi32, #tpu.memory_space<vmem>>
      %dma_wait3A_767 = arith.constant 0 : i32
      %dma_wait3A_768 = arith.constant 0 : i32
      %dma_wait3A_769 = tpu.memref_slice %arg2[%dma_wait3A_767, %dma_wait3A_768] : memref<20000x64xf32, #tpu.memory_space<hbm>> -> memref<20000x64xf32, #tpu.memory_space<hbm>>
      tpu.wait_indirect_dma semaphore(%arg16 : memref<!tpu.dma_semaphore, #tpu.memory_space<semaphore_mem>>) src(%dma_wait3A_769 : memref<20000x64xf32, #tpu.memory_space<hbm>>) dst(%dma_wait3A_765 : memref<80x64xf32, #tpu.memory_space<vmem>>)
      %mul3A_770 = arith.constant 80 : i32
      %mul3A_771 = arith.muli %add3A_758, %mul3A_770 : i32
      %dma_start3A_772 = arith.constant 3 : i32
      %dma_start3A_773 = arith.constant 0 : i32
      %dma_start3A_774 = arith.constant 0 : i32
      %dma_start3A_775 = tpu.memref_slice %arg9[%dma_start3A_772, %dma_start3A_773, %dma_start3A_774] : memref<6x80x64xf32, #tpu.memory_space<vmem>> -> memref<1x80x64xf32, #tpu.memory_space<vmem>>
      %dma_start3A_776 = tpu.memref_squeeze %dma_start3A_775 : memref<1x80x64xf32, #tpu.memory_space<vmem>> -> memref<80x64xf32, #tpu.memory_space<vmem>>
      %dma_start3A_777 = tpu.memref_slice %arg8[%mul3A_771] : memref<20000xi32, #tpu.memory_space<vmem>> -> memref<80xi32, #tpu.memory_space<vmem>>
      %dma_start3A_778 = arith.constant 0 : i32
      %dma_start3A_779 = arith.constant 0 : i32
      %dma_start3A_780 = tpu.memref_slice %arg11[%dma_start3A_778, %dma_start3A_779] : memref<10016x64xf32, #tpu.memory_space<vmem_shared>> -> memref<10016x64xf32, #tpu.memory_space<vmem_shared>>
      tpu.enqueue_indirect_dma source(%dma_start3A_776 : memref<80x64xf32, #tpu.memory_space<vmem>>) target(%dma_start3A_780 : memref<10016x64xf32, #tpu.memory_space<vmem_shared>>) offsets(%dma_start3A_777 : memref<80xi32, #tpu.memory_space<vmem>>) semaphore(%arg22 : memref<!tpu.dma_semaphore, #tpu.memory_space<semaphore_mem>>) {add = true}
      %eq3A_781 = arith.constant 1 : i32
      %eq3A_782 = arith.cmpi eq, %arg0, %eq3A_781 : i32
      %convert_element_type3A_783 = arith.extui %eq3A_782 : i1 to i32
      %cond3A_784 = arith.constant 0 : i32
      %cond3A_785 = arith.cmpi ne, %convert_element_type3A_783, %cond3A_784 : i32
      scf.if %cond3A_785 {
        %mul3A_935 = arith.constant 80 : i32
        %mul3A_936 = arith.muli %add3A_758, %mul3A_935 : i32
        %dma_start3A_937 = tpu.memref_slice %arg8[%mul3A_936] : memref<20000xi32, #tpu.memory_space<vmem>> -> memref<80xi32, #tpu.memory_space<vmem>>
        %dma_start3A_938 = arith.constant 0 : i32
        %dma_start3A_939 = arith.constant 0 : i32
        %dma_start3A_940 = tpu.memref_slice %arg12[%dma_start3A_938, %dma_start3A_939] : memref<10016x16xf32, #tpu.memory_space<vmem_shared>> -> memref<10016x16xf32, #tpu.memory_space<vmem_shared>>
        tpu.enqueue_indirect_dma source(%arg10 : memref<80x16xf32, #tpu.memory_space<vmem>>) target(%dma_start3A_940 : memref<10016x16xf32, #tpu.memory_space<vmem_shared>>) offsets(%dma_start3A_937 : memref<80xi32, #tpu.memory_space<vmem>>) semaphore(%arg25 : memref<!tpu.dma_semaphore, #tpu.memory_space<semaphore_mem>>) {add = true}
      } else {
      }
      %mul3A_786 = arith.constant 80 : i32
      %mul3A_787 = arith.muli %add3A_758, %mul3A_786 : i32
      %dma_wait3A_788 = arith.constant 3 : i32
      %dma_wait3A_789 = arith.constant 0 : i32
      %dma_wait3A_790 = arith.constant 0 : i32
      %dma_wait3A_791 = tpu.memref_slice %arg9[%dma_wait3A_788, %dma_wait3A_789, %dma_wait3A_790] : memref<6x80x64xf32, #tpu.memory_space<vmem>> -> memref<1x80x64xf32, #tpu.memory_space<vmem>>
      %dma_wait3A_792 = tpu.memref_squeeze %dma_wait3A_791 : memref<1x80x64xf32, #tpu.memory_space<vmem>> -> memref<80x64xf32, #tpu.memory_space<vmem>>
      %dma_wait3A_793 = tpu.memref_slice %arg8[%mul3A_787] : memref<20000xi32, #tpu.memory_space<vmem>> -> memref<80xi32, #tpu.memory_space<vmem>>
      %dma_wait3A_794 = arith.constant 0 : i32
      %dma_wait3A_795 = arith.constant 0 : i32
      %dma_wait3A_796 = tpu.memref_slice %arg11[%dma_wait3A_794, %dma_wait3A_795] : memref<10016x64xf32, #tpu.memory_space<vmem_shared>> -> memref<10016x64xf32, #tpu.memory_space<vmem_shared>>
      tpu.wait_indirect_dma semaphore(%arg22 : memref<!tpu.dma_semaphore, #tpu.memory_space<semaphore_mem>>) src(%dma_wait3A_792 : memref<80x64xf32, #tpu.memory_space<vmem>>) dst(%dma_wait3A_796 : memref<10016x64xf32, #tpu.memory_space<vmem_shared>>)
      %eq3A_797 = arith.constant 1 : i32
      %eq3A_798 = arith.cmpi eq, %arg0, %eq3A_797 : i32
      %convert_element_type3A_799 = arith.extui %eq3A_798 : i1 to i32
      %cond3A_800 = arith.constant 0 : i32
      %cond3A_801 = arith.cmpi ne, %convert_element_type3A_799, %cond3A_800 : i32
      scf.if %cond3A_801 {
        %mul3A_935 = arith.constant 80 : i32
        %mul3A_936 = arith.muli %add3A_758, %mul3A_935 : i32
        %dma_wait3A_937 = tpu.memref_slice %arg8[%mul3A_936] : memref<20000xi32, #tpu.memory_space<vmem>> -> memref<80xi32, #tpu.memory_space<vmem>>
        %dma_wait3A_938 = arith.constant 0 : i32
        %dma_wait3A_939 = arith.constant 0 : i32
        %dma_wait3A_940 = tpu.memref_slice %arg12[%dma_wait3A_938, %dma_wait3A_939] : memref<10016x16xf32, #tpu.memory_space<vmem_shared>> -> memref<10016x16xf32, #tpu.memory_space<vmem_shared>>
        tpu.wait_indirect_dma semaphore(%arg25 : memref<!tpu.dma_semaphore, #tpu.memory_space<semaphore_mem>>) src(%arg10 : memref<80x16xf32, #tpu.memory_space<vmem>>) dst(%dma_wait3A_940 : memref<10016x16xf32, #tpu.memory_space<vmem_shared>>)
      } else {
      }
      %add3A_802 = arith.constant 6 : i32
      %add3A_803 = arith.addi %add3A_758, %add3A_802 : i32
      %mul3A_804 = arith.constant 80 : i32
      %mul3A_805 = arith.muli %add3A_803, %mul3A_804 : i32
      %dma_start3A_806 = arith.constant 3 : i32
      %dma_start3A_807 = arith.constant 0 : i32
      %dma_start3A_808 = arith.constant 0 : i32
      %dma_start3A_809 = tpu.memref_slice %arg9[%dma_start3A_806, %dma_start3A_807, %dma_start3A_808] : memref<6x80x64xf32, #tpu.memory_space<vmem>> -> memref<1x80x64xf32, #tpu.memory_space<vmem>>
      %dma_start3A_810 = tpu.memref_squeeze %dma_start3A_809 : memref<1x80x64xf32, #tpu.memory_space<vmem>> -> memref<80x64xf32, #tpu.memory_space<vmem>>
      %dma_start3A_811 = tpu.memref_slice %arg7[%mul3A_805] : memref<20000xi32, #tpu.memory_space<vmem>> -> memref<80xi32, #tpu.memory_space<vmem>>
      %dma_start3A_812 = arith.constant 0 : i32
      %dma_start3A_813 = arith.constant 0 : i32
      %dma_start3A_814 = tpu.memref_slice %arg2[%dma_start3A_812, %dma_start3A_813] : memref<20000x64xf32, #tpu.memory_space<hbm>> -> memref<20000x64xf32, #tpu.memory_space<hbm>>
      tpu.enqueue_indirect_dma source(%dma_start3A_814 : memref<20000x64xf32, #tpu.memory_space<hbm>>) target(%dma_start3A_810 : memref<80x64xf32, #tpu.memory_space<vmem>>) offsets(%dma_start3A_811 : memref<80xi32, #tpu.memory_space<vmem>>) semaphore(%arg16 : memref<!tpu.dma_semaphore, #tpu.memory_space<semaphore_mem>>)
      %mul3A_815 = arith.constant 6 : i32
      %mul3A_816 = arith.muli %scan3A_574, %mul3A_815 : i32
      %add3A_817 = arith.constant 4 : i32
      %add3A_818 = arith.addi %mul3A_816, %add3A_817 : i32
      %mul3A_819 = arith.constant 80 : i32
      %mul3A_820 = arith.muli %add3A_818, %mul3A_819 : i32
      %dma_wait3A_821 = arith.constant 4 : i32
      %dma_wait3A_822 = arith.constant 0 : i32
      %dma_wait3A_823 = arith.constant 0 : i32
      %dma_wait3A_824 = tpu.memref_slice %arg9[%dma_wait3A_821, %dma_wait3A_822, %dma_wait3A_823] : memref<6x80x64xf32, #tpu.memory_space<vmem>> -> memref<1x80x64xf32, #tpu.memory_space<vmem>>
      %dma_wait3A_825 = tpu.memref_squeeze %dma_wait3A_824 : memref<1x80x64xf32, #tpu.memory_space<vmem>> -> memref<80x64xf32, #tpu.memory_space<vmem>>
      %dma_wait3A_826 = tpu.memref_slice %arg7[%mul3A_820] : memref<20000xi32, #tpu.memory_space<vmem>> -> memref<80xi32, #tpu.memory_space<vmem>>
      %dma_wait3A_827 = arith.constant 0 : i32
      %dma_wait3A_828 = arith.constant 0 : i32
      %dma_wait3A_829 = tpu.memref_slice %arg2[%dma_wait3A_827, %dma_wait3A_828] : memref<20000x64xf32, #tpu.memory_space<hbm>> -> memref<20000x64xf32, #tpu.memory_space<hbm>>
      tpu.wait_indirect_dma semaphore(%arg17 : memref<!tpu.dma_semaphore, #tpu.memory_space<semaphore_mem>>) src(%dma_wait3A_829 : memref<20000x64xf32, #tpu.memory_space<hbm>>) dst(%dma_wait3A_825 : memref<80x64xf32, #tpu.memory_space<vmem>>)
      %mul3A_830 = arith.constant 80 : i32
      %mul3A_831 = arith.muli %add3A_818, %mul3A_830 : i32
      %dma_start3A_832 = arith.constant 4 : i32
      %dma_start3A_833 = arith.constant 0 : i32
      %dma_start3A_834 = arith.constant 0 : i32
      %dma_start3A_835 = tpu.memref_slice %arg9[%dma_start3A_832, %dma_start3A_833, %dma_start3A_834] : memref<6x80x64xf32, #tpu.memory_space<vmem>> -> memref<1x80x64xf32, #tpu.memory_space<vmem>>
      %dma_start3A_836 = tpu.memref_squeeze %dma_start3A_835 : memref<1x80x64xf32, #tpu.memory_space<vmem>> -> memref<80x64xf32, #tpu.memory_space<vmem>>
      %dma_start3A_837 = tpu.memref_slice %arg8[%mul3A_831] : memref<20000xi32, #tpu.memory_space<vmem>> -> memref<80xi32, #tpu.memory_space<vmem>>
      %dma_start3A_838 = arith.constant 0 : i32
      %dma_start3A_839 = arith.constant 0 : i32
      %dma_start3A_840 = tpu.memref_slice %arg11[%dma_start3A_838, %dma_start3A_839] : memref<10016x64xf32, #tpu.memory_space<vmem_shared>> -> memref<10016x64xf32, #tpu.memory_space<vmem_shared>>
      tpu.enqueue_indirect_dma source(%dma_start3A_836 : memref<80x64xf32, #tpu.memory_space<vmem>>) target(%dma_start3A_840 : memref<10016x64xf32, #tpu.memory_space<vmem_shared>>) offsets(%dma_start3A_837 : memref<80xi32, #tpu.memory_space<vmem>>) semaphore(%arg23 : memref<!tpu.dma_semaphore, #tpu.memory_space<semaphore_mem>>) {add = true}
      %eq3A_841 = arith.constant 0 : i32
      %eq3A_842 = arith.cmpi eq, %arg0, %eq3A_841 : i32
      %convert_element_type3A_843 = arith.extui %eq3A_842 : i1 to i32
      %cond3A_844 = arith.constant 0 : i32
      %cond3A_845 = arith.cmpi ne, %convert_element_type3A_843, %cond3A_844 : i32
      scf.if %cond3A_845 {
        %mul3A_935 = arith.constant 80 : i32
        %mul3A_936 = arith.muli %add3A_818, %mul3A_935 : i32
        %dma_start3A_937 = tpu.memref_slice %arg8[%mul3A_936] : memref<20000xi32, #tpu.memory_space<vmem>> -> memref<80xi32, #tpu.memory_space<vmem>>
        %dma_start3A_938 = arith.constant 0 : i32
        %dma_start3A_939 = arith.constant 0 : i32
        %dma_start3A_940 = tpu.memref_slice %arg12[%dma_start3A_938, %dma_start3A_939] : memref<10016x16xf32, #tpu.memory_space<vmem_shared>> -> memref<10016x16xf32, #tpu.memory_space<vmem_shared>>
        tpu.enqueue_indirect_dma source(%arg10 : memref<80x16xf32, #tpu.memory_space<vmem>>) target(%dma_start3A_940 : memref<10016x16xf32, #tpu.memory_space<vmem_shared>>) offsets(%dma_start3A_937 : memref<80xi32, #tpu.memory_space<vmem>>) semaphore(%arg25 : memref<!tpu.dma_semaphore, #tpu.memory_space<semaphore_mem>>) {add = true}
      } else {
      }
      %mul3A_846 = arith.constant 80 : i32
      %mul3A_847 = arith.muli %add3A_818, %mul3A_846 : i32
      %dma_wait3A_848 = arith.constant 4 : i32
      %dma_wait3A_849 = arith.constant 0 : i32
      %dma_wait3A_850 = arith.constant 0 : i32
      %dma_wait3A_851 = tpu.memref_slice %arg9[%dma_wait3A_848, %dma_wait3A_849, %dma_wait3A_850] : memref<6x80x64xf32, #tpu.memory_space<vmem>> -> memref<1x80x64xf32, #tpu.memory_space<vmem>>
      %dma_wait3A_852 = tpu.memref_squeeze %dma_wait3A_851 : memref<1x80x64xf32, #tpu.memory_space<vmem>> -> memref<80x64xf32, #tpu.memory_space<vmem>>
      %dma_wait3A_853 = tpu.memref_slice %arg8[%mul3A_847] : memref<20000xi32, #tpu.memory_space<vmem>> -> memref<80xi32, #tpu.memory_space<vmem>>
      %dma_wait3A_854 = arith.constant 0 : i32
      %dma_wait3A_855 = arith.constant 0 : i32
      %dma_wait3A_856 = tpu.memref_slice %arg11[%dma_wait3A_854, %dma_wait3A_855] : memref<10016x64xf32, #tpu.memory_space<vmem_shared>> -> memref<10016x64xf32, #tpu.memory_space<vmem_shared>>
      tpu.wait_indirect_dma semaphore(%arg23 : memref<!tpu.dma_semaphore, #tpu.memory_space<semaphore_mem>>) src(%dma_wait3A_852 : memref<80x64xf32, #tpu.memory_space<vmem>>) dst(%dma_wait3A_856 : memref<10016x64xf32, #tpu.memory_space<vmem_shared>>)
      %eq3A_857 = arith.constant 0 : i32
      %eq3A_858 = arith.cmpi eq, %arg0, %eq3A_857 : i32
      %convert_element_type3A_859 = arith.extui %eq3A_858 : i1 to i32
      %cond3A_860 = arith.constant 0 : i32
      %cond3A_861 = arith.cmpi ne, %convert_element_type3A_859, %cond3A_860 : i32
      scf.if %cond3A_861 {
        %mul3A_935 = arith.constant 80 : i32
        %mul3A_936 = arith.muli %add3A_818, %mul3A_935 : i32
        %dma_wait3A_937 = tpu.memref_slice %arg8[%mul3A_936] : memref<20000xi32, #tpu.memory_space<vmem>> -> memref<80xi32, #tpu.memory_space<vmem>>
        %dma_wait3A_938 = arith.constant 0 : i32
        %dma_wait3A_939 = arith.constant 0 : i32
        %dma_wait3A_940 = tpu.memref_slice %arg12[%dma_wait3A_938, %dma_wait3A_939] : memref<10016x16xf32, #tpu.memory_space<vmem_shared>> -> memref<10016x16xf32, #tpu.memory_space<vmem_shared>>
        tpu.wait_indirect_dma semaphore(%arg25 : memref<!tpu.dma_semaphore, #tpu.memory_space<semaphore_mem>>) src(%arg10 : memref<80x16xf32, #tpu.memory_space<vmem>>) dst(%dma_wait3A_940 : memref<10016x16xf32, #tpu.memory_space<vmem_shared>>)
      } else {
      }
      %add3A_862 = arith.constant 6 : i32
      %add3A_863 = arith.addi %add3A_818, %add3A_862 : i32
      %mul3A_864 = arith.constant 80 : i32
      %mul3A_865 = arith.muli %add3A_863, %mul3A_864 : i32
      %dma_start3A_866 = arith.constant 4 : i32
      %dma_start3A_867 = arith.constant 0 : i32
      %dma_start3A_868 = arith.constant 0 : i32
      %dma_start3A_869 = tpu.memref_slice %arg9[%dma_start3A_866, %dma_start3A_867, %dma_start3A_868] : memref<6x80x64xf32, #tpu.memory_space<vmem>> -> memref<1x80x64xf32, #tpu.memory_space<vmem>>
      %dma_start3A_870 = tpu.memref_squeeze %dma_start3A_869 : memref<1x80x64xf32, #tpu.memory_space<vmem>> -> memref<80x64xf32, #tpu.memory_space<vmem>>
      %dma_start3A_871 = tpu.memref_slice %arg7[%mul3A_865] : memref<20000xi32, #tpu.memory_space<vmem>> -> memref<80xi32, #tpu.memory_space<vmem>>
      %dma_start3A_872 = arith.constant 0 : i32
      %dma_start3A_873 = arith.constant 0 : i32
      %dma_start3A_874 = tpu.memref_slice %arg2[%dma_start3A_872, %dma_start3A_873] : memref<20000x64xf32, #tpu.memory_space<hbm>> -> memref<20000x64xf32, #tpu.memory_space<hbm>>
      tpu.enqueue_indirect_dma source(%dma_start3A_874 : memref<20000x64xf32, #tpu.memory_space<hbm>>) target(%dma_start3A_870 : memref<80x64xf32, #tpu.memory_space<vmem>>) offsets(%dma_start3A_871 : memref<80xi32, #tpu.memory_space<vmem>>) semaphore(%arg17 : memref<!tpu.dma_semaphore, #tpu.memory_space<semaphore_mem>>)
      %mul3A_875 = arith.constant 6 : i32
      %mul3A_876 = arith.muli %scan3A_574, %mul3A_875 : i32
      %add3A_877 = arith.constant 5 : i32
      %add3A_878 = arith.addi %mul3A_876, %add3A_877 : i32
      %mul3A_879 = arith.constant 80 : i32
      %mul3A_880 = arith.muli %add3A_878, %mul3A_879 : i32
      %dma_wait3A_881 = arith.constant 5 : i32
      %dma_wait3A_882 = arith.constant 0 : i32
      %dma_wait3A_883 = arith.constant 0 : i32
      %dma_wait3A_884 = tpu.memref_slice %arg9[%dma_wait3A_881, %dma_wait3A_882, %dma_wait3A_883] : memref<6x80x64xf32, #tpu.memory_space<vmem>> -> memref<1x80x64xf32, #tpu.memory_space<vmem>>
      %dma_wait3A_885 = tpu.memref_squeeze %dma_wait3A_884 : memref<1x80x64xf32, #tpu.memory_space<vmem>> -> memref<80x64xf32, #tpu.memory_space<vmem>>
      %dma_wait3A_886 = tpu.memref_slice %arg7[%mul3A_880] : memref<20000xi32, #tpu.memory_space<vmem>> -> memref<80xi32, #tpu.memory_space<vmem>>
      %dma_wait3A_887 = arith.constant 0 : i32
      %dma_wait3A_888 = arith.constant 0 : i32
      %dma_wait3A_889 = tpu.memref_slice %arg2[%dma_wait3A_887, %dma_wait3A_888] : memref<20000x64xf32, #tpu.memory_space<hbm>> -> memref<20000x64xf32, #tpu.memory_space<hbm>>
      tpu.wait_indirect_dma semaphore(%arg18 : memref<!tpu.dma_semaphore, #tpu.memory_space<semaphore_mem>>) src(%dma_wait3A_889 : memref<20000x64xf32, #tpu.memory_space<hbm>>) dst(%dma_wait3A_885 : memref<80x64xf32, #tpu.memory_space<vmem>>)
      %mul3A_890 = arith.constant 80 : i32
      %mul3A_891 = arith.muli %add3A_878, %mul3A_890 : i32
      %dma_start3A_892 = arith.constant 5 : i32
      %dma_start3A_893 = arith.constant 0 : i32
      %dma_start3A_894 = arith.constant 0 : i32
      %dma_start3A_895 = tpu.memref_slice %arg9[%dma_start3A_892, %dma_start3A_893, %dma_start3A_894] : memref<6x80x64xf32, #tpu.memory_space<vmem>> -> memref<1x80x64xf32, #tpu.memory_space<vmem>>
      %dma_start3A_896 = tpu.memref_squeeze %dma_start3A_895 : memref<1x80x64xf32, #tpu.memory_space<vmem>> -> memref<80x64xf32, #tpu.memory_space<vmem>>
      %dma_start3A_897 = tpu.memref_slice %arg8[%mul3A_891] : memref<20000xi32, #tpu.memory_space<vmem>> -> memref<80xi32, #tpu.memory_space<vmem>>
      %dma_start3A_898 = arith.constant 0 : i32
      %dma_start3A_899 = arith.constant 0 : i32
      %dma_start3A_900 = tpu.memref_slice %arg11[%dma_start3A_898, %dma_start3A_899] : memref<10016x64xf32, #tpu.memory_space<vmem_shared>> -> memref<10016x64xf32, #tpu.memory_space<vmem_shared>>
      tpu.enqueue_indirect_dma source(%dma_start3A_896 : memref<80x64xf32, #tpu.memory_space<vmem>>) target(%dma_start3A_900 : memref<10016x64xf32, #tpu.memory_space<vmem_shared>>) offsets(%dma_start3A_897 : memref<80xi32, #tpu.memory_space<vmem>>) semaphore(%arg24 : memref<!tpu.dma_semaphore, #tpu.memory_space<semaphore_mem>>) {add = true}
      %eq3A_901 = arith.constant 1 : i32
      %eq3A_902 = arith.cmpi eq, %arg0, %eq3A_901 : i32
      %convert_element_type3A_903 = arith.extui %eq3A_902 : i1 to i32
      %cond3A_904 = arith.constant 0 : i32
      %cond3A_905 = arith.cmpi ne, %convert_element_type3A_903, %cond3A_904 : i32
      scf.if %cond3A_905 {
        %mul3A_935 = arith.constant 80 : i32
        %mul3A_936 = arith.muli %add3A_878, %mul3A_935 : i32
        %dma_start3A_937 = tpu.memref_slice %arg8[%mul3A_936] : memref<20000xi32, #tpu.memory_space<vmem>> -> memref<80xi32, #tpu.memory_space<vmem>>
        %dma_start3A_938 = arith.constant 0 : i32
        %dma_start3A_939 = arith.constant 0 : i32
        %dma_start3A_940 = tpu.memref_slice %arg12[%dma_start3A_938, %dma_start3A_939] : memref<10016x16xf32, #tpu.memory_space<vmem_shared>> -> memref<10016x16xf32, #tpu.memory_space<vmem_shared>>
        tpu.enqueue_indirect_dma source(%arg10 : memref<80x16xf32, #tpu.memory_space<vmem>>) target(%dma_start3A_940 : memref<10016x16xf32, #tpu.memory_space<vmem_shared>>) offsets(%dma_start3A_937 : memref<80xi32, #tpu.memory_space<vmem>>) semaphore(%arg25 : memref<!tpu.dma_semaphore, #tpu.memory_space<semaphore_mem>>) {add = true}
      } else {
      }
      %mul3A_906 = arith.constant 80 : i32
      %mul3A_907 = arith.muli %add3A_878, %mul3A_906 : i32
      %dma_wait3A_908 = arith.constant 5 : i32
      %dma_wait3A_909 = arith.constant 0 : i32
      %dma_wait3A_910 = arith.constant 0 : i32
      %dma_wait3A_911 = tpu.memref_slice %arg9[%dma_wait3A_908, %dma_wait3A_909, %dma_wait3A_910] : memref<6x80x64xf32, #tpu.memory_space<vmem>> -> memref<1x80x64xf32, #tpu.memory_space<vmem>>
      %dma_wait3A_912 = tpu.memref_squeeze %dma_wait3A_911 : memref<1x80x64xf32, #tpu.memory_space<vmem>> -> memref<80x64xf32, #tpu.memory_space<vmem>>
      %dma_wait3A_913 = tpu.memref_slice %arg8[%mul3A_907] : memref<20000xi32, #tpu.memory_space<vmem>> -> memref<80xi32, #tpu.memory_space<vmem>>
      %dma_wait3A_914 = arith.constant 0 : i32
      %dma_wait3A_915 = arith.constant 0 : i32
      %dma_wait3A_916 = tpu.memref_slice %arg11[%dma_wait3A_914, %dma_wait3A_915] : memref<10016x64xf32, #tpu.memory_space<vmem_shared>> -> memref<10016x64xf32, #tpu.memory_space<vmem_shared>>
      tpu.wait_indirect_dma semaphore(%arg24 : memref<!tpu.dma_semaphore, #tpu.memory_space<semaphore_mem>>) src(%dma_wait3A_912 : memref<80x64xf32, #tpu.memory_space<vmem>>) dst(%dma_wait3A_916 : memref<10016x64xf32, #tpu.memory_space<vmem_shared>>)
      %eq3A_917 = arith.constant 1 : i32
      %eq3A_918 = arith.cmpi eq, %arg0, %eq3A_917 : i32
      %convert_element_type3A_919 = arith.extui %eq3A_918 : i1 to i32
      %cond3A_920 = arith.constant 0 : i32
      %cond3A_921 = arith.cmpi ne, %convert_element_type3A_919, %cond3A_920 : i32
      scf.if %cond3A_921 {
        %mul3A_935 = arith.constant 80 : i32
        %mul3A_936 = arith.muli %add3A_878, %mul3A_935 : i32
        %dma_wait3A_937 = tpu.memref_slice %arg8[%mul3A_936] : memref<20000xi32, #tpu.memory_space<vmem>> -> memref<80xi32, #tpu.memory_space<vmem>>
        %dma_wait3A_938 = arith.constant 0 : i32
        %dma_wait3A_939 = arith.constant 0 : i32
        %dma_wait3A_940 = tpu.memref_slice %arg12[%dma_wait3A_938, %dma_wait3A_939] : memref<10016x16xf32, #tpu.memory_space<vmem_shared>> -> memref<10016x16xf32, #tpu.memory_space<vmem_shared>>
        tpu.wait_indirect_dma semaphore(%arg25 : memref<!tpu.dma_semaphore, #tpu.memory_space<semaphore_mem>>) src(%arg10 : memref<80x16xf32, #tpu.memory_space<vmem>>) dst(%dma_wait3A_940 : memref<10016x16xf32, #tpu.memory_space<vmem_shared>>)
      } else {
      }
      %add3A_922 = arith.constant 6 : i32
      %add3A_923 = arith.addi %add3A_878, %add3A_922 : i32
      %mul3A_924 = arith.constant 80 : i32
      %mul3A_925 = arith.muli %add3A_923, %mul3A_924 : i32
      %dma_start3A_926 = arith.constant 5 : i32
      %dma_start3A_927 = arith.constant 0 : i32
      %dma_start3A_928 = arith.constant 0 : i32
      %dma_start3A_929 = tpu.memref_slice %arg9[%dma_start3A_926, %dma_start3A_927, %dma_start3A_928] : memref<6x80x64xf32, #tpu.memory_space<vmem>> -> memref<1x80x64xf32, #tpu.memory_space<vmem>>
      %dma_start3A_930 = tpu.memref_squeeze %dma_start3A_929 : memref<1x80x64xf32, #tpu.memory_space<vmem>> -> memref<80x64xf32, #tpu.memory_space<vmem>>
      %dma_start3A_931 = tpu.memref_slice %arg7[%mul3A_925] : memref<20000xi32, #tpu.memory_space<vmem>> -> memref<80xi32, #tpu.memory_space<vmem>>
      %dma_start3A_932 = arith.constant 0 : i32
      %dma_start3A_933 = arith.constant 0 : i32
      %dma_start3A_934 = tpu.memref_slice %arg2[%dma_start3A_932, %dma_start3A_933] : memref<20000x64xf32, #tpu.memory_space<hbm>> -> memref<20000x64xf32, #tpu.memory_space<hbm>>
      tpu.enqueue_indirect_dma source(%dma_start3A_934 : memref<20000x64xf32, #tpu.memory_space<hbm>>) target(%dma_start3A_930 : memref<80x64xf32, #tpu.memory_space<vmem>>) offsets(%dma_start3A_931 : memref<80xi32, #tpu.memory_space<vmem>>) semaphore(%arg18 : memref<!tpu.dma_semaphore, #tpu.memory_space<semaphore_mem>>)
    }
    %scan3A_133 = arith.constant 40 : i32
    %dma_wait3A = arith.constant 0 : i32
    %dma_wait3A_134 = arith.constant 0 : i32
    %dma_wait3A_135 = arith.constant 0 : i32
    %dma_wait3A_136 = tpu.memref_slice %arg9[%dma_wait3A, %dma_wait3A_134, %dma_wait3A_135] : memref<6x80x64xf32, #tpu.memory_space<vmem>> -> memref<1x80x64xf32, #tpu.memory_space<vmem>>
    %dma_wait3A_137 = tpu.memref_squeeze %dma_wait3A_136 : memref<1x80x64xf32, #tpu.memory_space<vmem>> -> memref<80x64xf32, #tpu.memory_space<vmem>>
    %dma_wait3A_138 = arith.constant 19200 : i32
    %dma_wait3A_139 = tpu.memref_slice %arg7[%dma_wait3A_138] : memref<20000xi32, #tpu.memory_space<vmem>> -> memref<80xi32, #tpu.memory_space<vmem>>
    %dma_wait3A_140 = arith.constant 0 : i32
    %dma_wait3A_141 = arith.constant 0 : i32
    %dma_wait3A_142 = tpu.memref_slice %arg2[%dma_wait3A_140, %dma_wait3A_141] : memref<20000x64xf32, #tpu.memory_space<hbm>> -> memref<20000x64xf32, #tpu.memory_space<hbm>>
    tpu.wait_indirect_dma semaphore(%arg13 : memref<!tpu.dma_semaphore, #tpu.memory_space<semaphore_mem>>) src(%dma_wait3A_142 : memref<20000x64xf32, #tpu.memory_space<hbm>>) dst(%dma_wait3A_137 : memref<80x64xf32, #tpu.memory_space<vmem>>)
    %dma_start3A_143 = arith.constant 0 : i32
    %dma_start3A_144 = arith.constant 0 : i32
    %dma_start3A_145 = arith.constant 0 : i32
    %dma_start3A_146 = tpu.memref_slice %arg9[%dma_start3A_143, %dma_start3A_144, %dma_start3A_145] : memref<6x80x64xf32, #tpu.memory_space<vmem>> -> memref<1x80x64xf32, #tpu.memory_space<vmem>>
    %dma_start3A_147 = tpu.memref_squeeze %dma_start3A_146 : memref<1x80x64xf32, #tpu.memory_space<vmem>> -> memref<80x64xf32, #tpu.memory_space<vmem>>
    %dma_start3A_148 = arith.constant 19200 : i32
    %dma_start3A_149 = tpu.memref_slice %arg8[%dma_start3A_148] : memref<20000xi32, #tpu.memory_space<vmem>> -> memref<80xi32, #tpu.memory_space<vmem>>
    %dma_start3A_150 = arith.constant 0 : i32
    %dma_start3A_151 = arith.constant 0 : i32
    %dma_start3A_152 = tpu.memref_slice %arg11[%dma_start3A_150, %dma_start3A_151] : memref<10016x64xf32, #tpu.memory_space<vmem_shared>> -> memref<10016x64xf32, #tpu.memory_space<vmem_shared>>
    tpu.enqueue_indirect_dma source(%dma_start3A_147 : memref<80x64xf32, #tpu.memory_space<vmem>>) target(%dma_start3A_152 : memref<10016x64xf32, #tpu.memory_space<vmem_shared>>) offsets(%dma_start3A_149 : memref<80xi32, #tpu.memory_space<vmem>>) semaphore(%arg19 : memref<!tpu.dma_semaphore, #tpu.memory_space<semaphore_mem>>) {add = true}
    %eq3A_153 = arith.constant 0 : i32
    %eq3A_154 = arith.cmpi eq, %arg0, %eq3A_153 : i32
    %convert_element_type3A = arith.extui %eq3A_154 : i1 to i32
    %cond3A = arith.constant 0 : i32
    %cond3A_155 = arith.cmpi ne, %convert_element_type3A, %cond3A : i32
    scf.if %cond3A_155 {
      %dma_start3A_574 = arith.constant 19200 : i32
      %dma_start3A_575 = tpu.memref_slice %arg8[%dma_start3A_574] : memref<20000xi32, #tpu.memory_space<vmem>> -> memref<80xi32, #tpu.memory_space<vmem>>
      %dma_start3A_576 = arith.constant 0 : i32
      %dma_start3A_577 = arith.constant 0 : i32
      %dma_start3A_578 = tpu.memref_slice %arg12[%dma_start3A_576, %dma_start3A_577] : memref<10016x16xf32, #tpu.memory_space<vmem_shared>> -> memref<10016x16xf32, #tpu.memory_space<vmem_shared>>
      tpu.enqueue_indirect_dma source(%arg10 : memref<80x16xf32, #tpu.memory_space<vmem>>) target(%dma_start3A_578 : memref<10016x16xf32, #tpu.memory_space<vmem_shared>>) offsets(%dma_start3A_575 : memref<80xi32, #tpu.memory_space<vmem>>) semaphore(%arg25 : memref<!tpu.dma_semaphore, #tpu.memory_space<semaphore_mem>>) {add = true}
    } else {
    }
    %dma_wait3A_156 = arith.constant 0 : i32
    %dma_wait3A_157 = arith.constant 0 : i32
    %dma_wait3A_158 = arith.constant 0 : i32
    %dma_wait3A_159 = tpu.memref_slice %arg9[%dma_wait3A_156, %dma_wait3A_157, %dma_wait3A_158] : memref<6x80x64xf32, #tpu.memory_space<vmem>> -> memref<1x80x64xf32, #tpu.memory_space<vmem>>
    %dma_wait3A_160 = tpu.memref_squeeze %dma_wait3A_159 : memref<1x80x64xf32, #tpu.memory_space<vmem>> -> memref<80x64xf32, #tpu.memory_space<vmem>>
    %dma_wait3A_161 = arith.constant 19200 : i32
    %dma_wait3A_162 = tpu.memref_slice %arg8[%dma_wait3A_161] : memref<20000xi32, #tpu.memory_space<vmem>> -> memref<80xi32, #tpu.memory_space<vmem>>
    %dma_wait3A_163 = arith.constant 0 : i32
    %dma_wait3A_164 = arith.constant 0 : i32
    %dma_wait3A_165 = tpu.memref_slice %arg11[%dma_wait3A_163, %dma_wait3A_164] : memref<10016x64xf32, #tpu.memory_space<vmem_shared>> -> memref<10016x64xf32, #tpu.memory_space<vmem_shared>>
    tpu.wait_indirect_dma semaphore(%arg19 : memref<!tpu.dma_semaphore, #tpu.memory_space<semaphore_mem>>) src(%dma_wait3A_160 : memref<80x64xf32, #tpu.memory_space<vmem>>) dst(%dma_wait3A_165 : memref<10016x64xf32, #tpu.memory_space<vmem_shared>>)
    %eq3A_166 = arith.constant 0 : i32
    %eq3A_167 = arith.cmpi eq, %arg0, %eq3A_166 : i32
    %convert_element_type3A_168 = arith.extui %eq3A_167 : i1 to i32
    %cond3A_169 = arith.constant 0 : i32
    %cond3A_170 = arith.cmpi ne, %convert_element_type3A_168, %cond3A_169 : i32
    scf.if %cond3A_170 {
      %dma_wait3A_574 = arith.constant 19200 : i32
      %dma_wait3A_575 = tpu.memref_slice %arg8[%dma_wait3A_574] : memref<20000xi32, #tpu.memory_space<vmem>> -> memref<80xi32, #tpu.memory_space<vmem>>
      %dma_wait3A_576 = arith.constant 0 : i32
      %dma_wait3A_577 = arith.constant 0 : i32
      %dma_wait3A_578 = tpu.memref_slice %arg12[%dma_wait3A_576, %dma_wait3A_577] : memref<10016x16xf32, #tpu.memory_space<vmem_shared>> -> memref<10016x16xf32, #tpu.memory_space<vmem_shared>>
      tpu.wait_indirect_dma semaphore(%arg25 : memref<!tpu.dma_semaphore, #tpu.memory_space<semaphore_mem>>) src(%arg10 : memref<80x16xf32, #tpu.memory_space<vmem>>) dst(%dma_wait3A_578 : memref<10016x16xf32, #tpu.memory_space<vmem_shared>>)
    } else {
    }
    %dma_start3A_171 = arith.constant 0 : i32
    %dma_start3A_172 = arith.constant 0 : i32
    %dma_start3A_173 = arith.constant 0 : i32
    %dma_start3A_174 = tpu.memref_slice %arg9[%dma_start3A_171, %dma_start3A_172, %dma_start3A_173] : memref<6x80x64xf32, #tpu.memory_space<vmem>> -> memref<1x80x64xf32, #tpu.memory_space<vmem>>
    %dma_start3A_175 = tpu.memref_squeeze %dma_start3A_174 : memref<1x80x64xf32, #tpu.memory_space<vmem>> -> memref<80x64xf32, #tpu.memory_space<vmem>>
    %dma_start3A_176 = arith.constant 19680 : i32
    %dma_start3A_177 = tpu.memref_slice %arg7[%dma_start3A_176] : memref<20000xi32, #tpu.memory_space<vmem>> -> memref<80xi32, #tpu.memory_space<vmem>>
    %dma_start3A_178 = arith.constant 0 : i32
    %dma_start3A_179 = arith.constant 0 : i32
    %dma_start3A_180 = tpu.memref_slice %arg2[%dma_start3A_178, %dma_start3A_179] : memref<20000x64xf32, #tpu.memory_space<hbm>> -> memref<20000x64xf32, #tpu.memory_space<hbm>>
    tpu.enqueue_indirect_dma source(%dma_start3A_180 : memref<20000x64xf32, #tpu.memory_space<hbm>>) target(%dma_start3A_175 : memref<80x64xf32, #tpu.memory_space<vmem>>) offsets(%dma_start3A_177 : memref<80xi32, #tpu.memory_space<vmem>>) semaphore(%arg13 : memref<!tpu.dma_semaphore, #tpu.memory_space<semaphore_mem>>)
    %dma_wait3A_181 = arith.constant 1 : i32
    %dma_wait3A_182 = arith.constant 0 : i32
    %dma_wait3A_183 = arith.constant 0 : i32
    %dma_wait3A_184 = tpu.memref_slice %arg9[%dma_wait3A_181, %dma_wait3A_182, %dma_wait3A_183] : memref<6x80x64xf32, #tpu.memory_space<vmem>> -> memref<1x80x64xf32, #tpu.memory_space<vmem>>
    %dma_wait3A_185 = tpu.memref_squeeze %dma_wait3A_184 : memref<1x80x64xf32, #tpu.memory_space<vmem>> -> memref<80x64xf32, #tpu.memory_space<vmem>>
    %dma_wait3A_186 = arith.constant 19280 : i32
    %dma_wait3A_187 = tpu.memref_slice %arg7[%dma_wait3A_186] : memref<20000xi32, #tpu.memory_space<vmem>> -> memref<80xi32, #tpu.memory_space<vmem>>
    %dma_wait3A_188 = arith.constant 0 : i32
    %dma_wait3A_189 = arith.constant 0 : i32
    %dma_wait3A_190 = tpu.memref_slice %arg2[%dma_wait3A_188, %dma_wait3A_189] : memref<20000x64xf32, #tpu.memory_space<hbm>> -> memref<20000x64xf32, #tpu.memory_space<hbm>>
    tpu.wait_indirect_dma semaphore(%arg14 : memref<!tpu.dma_semaphore, #tpu.memory_space<semaphore_mem>>) src(%dma_wait3A_190 : memref<20000x64xf32, #tpu.memory_space<hbm>>) dst(%dma_wait3A_185 : memref<80x64xf32, #tpu.memory_space<vmem>>)
    %dma_start3A_191 = arith.constant 1 : i32
    %dma_start3A_192 = arith.constant 0 : i32
    %dma_start3A_193 = arith.constant 0 : i32
    %dma_start3A_194 = tpu.memref_slice %arg9[%dma_start3A_191, %dma_start3A_192, %dma_start3A_193] : memref<6x80x64xf32, #tpu.memory_space<vmem>> -> memref<1x80x64xf32, #tpu.memory_space<vmem>>
    %dma_start3A_195 = tpu.memref_squeeze %dma_start3A_194 : memref<1x80x64xf32, #tpu.memory_space<vmem>> -> memref<80x64xf32, #tpu.memory_space<vmem>>
    %dma_start3A_196 = arith.constant 19280 : i32
    %dma_start3A_197 = tpu.memref_slice %arg8[%dma_start3A_196] : memref<20000xi32, #tpu.memory_space<vmem>> -> memref<80xi32, #tpu.memory_space<vmem>>
    %dma_start3A_198 = arith.constant 0 : i32
    %dma_start3A_199 = arith.constant 0 : i32
    %dma_start3A_200 = tpu.memref_slice %arg11[%dma_start3A_198, %dma_start3A_199] : memref<10016x64xf32, #tpu.memory_space<vmem_shared>> -> memref<10016x64xf32, #tpu.memory_space<vmem_shared>>
    tpu.enqueue_indirect_dma source(%dma_start3A_195 : memref<80x64xf32, #tpu.memory_space<vmem>>) target(%dma_start3A_200 : memref<10016x64xf32, #tpu.memory_space<vmem_shared>>) offsets(%dma_start3A_197 : memref<80xi32, #tpu.memory_space<vmem>>) semaphore(%arg20 : memref<!tpu.dma_semaphore, #tpu.memory_space<semaphore_mem>>) {add = true}
    %eq3A_201 = arith.constant 1 : i32
    %eq3A_202 = arith.cmpi eq, %arg0, %eq3A_201 : i32
    %convert_element_type3A_203 = arith.extui %eq3A_202 : i1 to i32
    %cond3A_204 = arith.constant 0 : i32
    %cond3A_205 = arith.cmpi ne, %convert_element_type3A_203, %cond3A_204 : i32
    scf.if %cond3A_205 {
      %dma_start3A_574 = arith.constant 19280 : i32
      %dma_start3A_575 = tpu.memref_slice %arg8[%dma_start3A_574] : memref<20000xi32, #tpu.memory_space<vmem>> -> memref<80xi32, #tpu.memory_space<vmem>>
      %dma_start3A_576 = arith.constant 0 : i32
      %dma_start3A_577 = arith.constant 0 : i32
      %dma_start3A_578 = tpu.memref_slice %arg12[%dma_start3A_576, %dma_start3A_577] : memref<10016x16xf32, #tpu.memory_space<vmem_shared>> -> memref<10016x16xf32, #tpu.memory_space<vmem_shared>>
      tpu.enqueue_indirect_dma source(%arg10 : memref<80x16xf32, #tpu.memory_space<vmem>>) target(%dma_start3A_578 : memref<10016x16xf32, #tpu.memory_space<vmem_shared>>) offsets(%dma_start3A_575 : memref<80xi32, #tpu.memory_space<vmem>>) semaphore(%arg25 : memref<!tpu.dma_semaphore, #tpu.memory_space<semaphore_mem>>) {add = true}
    } else {
    }
    %dma_wait3A_206 = arith.constant 1 : i32
    %dma_wait3A_207 = arith.constant 0 : i32
    %dma_wait3A_208 = arith.constant 0 : i32
    %dma_wait3A_209 = tpu.memref_slice %arg9[%dma_wait3A_206, %dma_wait3A_207, %dma_wait3A_208] : memref<6x80x64xf32, #tpu.memory_space<vmem>> -> memref<1x80x64xf32, #tpu.memory_space<vmem>>
    %dma_wait3A_210 = tpu.memref_squeeze %dma_wait3A_209 : memref<1x80x64xf32, #tpu.memory_space<vmem>> -> memref<80x64xf32, #tpu.memory_space<vmem>>
    %dma_wait3A_211 = arith.constant 19280 : i32
    %dma_wait3A_212 = tpu.memref_slice %arg8[%dma_wait3A_211] : memref<20000xi32, #tpu.memory_space<vmem>> -> memref<80xi32, #tpu.memory_space<vmem>>
    %dma_wait3A_213 = arith.constant 0 : i32
    %dma_wait3A_214 = arith.constant 0 : i32
    %dma_wait3A_215 = tpu.memref_slice %arg11[%dma_wait3A_213, %dma_wait3A_214] : memref<10016x64xf32, #tpu.memory_space<vmem_shared>> -> memref<10016x64xf32, #tpu.memory_space<vmem_shared>>
    tpu.wait_indirect_dma semaphore(%arg20 : memref<!tpu.dma_semaphore, #tpu.memory_space<semaphore_mem>>) src(%dma_wait3A_210 : memref<80x64xf32, #tpu.memory_space<vmem>>) dst(%dma_wait3A_215 : memref<10016x64xf32, #tpu.memory_space<vmem_shared>>)
    %eq3A_216 = arith.constant 1 : i32
    %eq3A_217 = arith.cmpi eq, %arg0, %eq3A_216 : i32
    %convert_element_type3A_218 = arith.extui %eq3A_217 : i1 to i32
    %cond3A_219 = arith.constant 0 : i32
    %cond3A_220 = arith.cmpi ne, %convert_element_type3A_218, %cond3A_219 : i32
    scf.if %cond3A_220 {
      %dma_wait3A_574 = arith.constant 19280 : i32
      %dma_wait3A_575 = tpu.memref_slice %arg8[%dma_wait3A_574] : memref<20000xi32, #tpu.memory_space<vmem>> -> memref<80xi32, #tpu.memory_space<vmem>>
      %dma_wait3A_576 = arith.constant 0 : i32
      %dma_wait3A_577 = arith.constant 0 : i32
      %dma_wait3A_578 = tpu.memref_slice %arg12[%dma_wait3A_576, %dma_wait3A_577] : memref<10016x16xf32, #tpu.memory_space<vmem_shared>> -> memref<10016x16xf32, #tpu.memory_space<vmem_shared>>
      tpu.wait_indirect_dma semaphore(%arg25 : memref<!tpu.dma_semaphore, #tpu.memory_space<semaphore_mem>>) src(%arg10 : memref<80x16xf32, #tpu.memory_space<vmem>>) dst(%dma_wait3A_578 : memref<10016x16xf32, #tpu.memory_space<vmem_shared>>)
    } else {
    }
    %dma_start3A_221 = arith.constant 1 : i32
    %dma_start3A_222 = arith.constant 0 : i32
    %dma_start3A_223 = arith.constant 0 : i32
    %dma_start3A_224 = tpu.memref_slice %arg9[%dma_start3A_221, %dma_start3A_222, %dma_start3A_223] : memref<6x80x64xf32, #tpu.memory_space<vmem>> -> memref<1x80x64xf32, #tpu.memory_space<vmem>>
    %dma_start3A_225 = tpu.memref_squeeze %dma_start3A_224 : memref<1x80x64xf32, #tpu.memory_space<vmem>> -> memref<80x64xf32, #tpu.memory_space<vmem>>
    %dma_start3A_226 = arith.constant 19760 : i32
    %dma_start3A_227 = tpu.memref_slice %arg7[%dma_start3A_226] : memref<20000xi32, #tpu.memory_space<vmem>> -> memref<80xi32, #tpu.memory_space<vmem>>
    %dma_start3A_228 = arith.constant 0 : i32
    %dma_start3A_229 = arith.constant 0 : i32
    %dma_start3A_230 = tpu.memref_slice %arg2[%dma_start3A_228, %dma_start3A_229] : memref<20000x64xf32, #tpu.memory_space<hbm>> -> memref<20000x64xf32, #tpu.memory_space<hbm>>
    tpu.enqueue_indirect_dma source(%dma_start3A_230 : memref<20000x64xf32, #tpu.memory_space<hbm>>) target(%dma_start3A_225 : memref<80x64xf32, #tpu.memory_space<vmem>>) offsets(%dma_start3A_227 : memref<80xi32, #tpu.memory_space<vmem>>) semaphore(%arg14 : memref<!tpu.dma_semaphore, #tpu.memory_space<semaphore_mem>>)
    %dma_wait3A_231 = arith.constant 2 : i32
    %dma_wait3A_232 = arith.constant 0 : i32
    %dma_wait3A_233 = arith.constant 0 : i32
    %dma_wait3A_234 = tpu.memref_slice %arg9[%dma_wait3A_231, %dma_wait3A_232, %dma_wait3A_233] : memref<6x80x64xf32, #tpu.memory_space<vmem>> -> memref<1x80x64xf32, #tpu.memory_space<vmem>>
    %dma_wait3A_235 = tpu.memref_squeeze %dma_wait3A_234 : memref<1x80x64xf32, #tpu.memory_space<vmem>> -> memref<80x64xf32, #tpu.memory_space<vmem>>
    %dma_wait3A_236 = arith.constant 19360 : i32
    %dma_wait3A_237 = tpu.memref_slice %arg7[%dma_wait3A_236] : memref<20000xi32, #tpu.memory_space<vmem>> -> memref<80xi32, #tpu.memory_space<vmem>>
    %dma_wait3A_238 = arith.constant 0 : i32
    %dma_wait3A_239 = arith.constant 0 : i32
    %dma_wait3A_240 = tpu.memref_slice %arg2[%dma_wait3A_238, %dma_wait3A_239] : memref<20000x64xf32, #tpu.memory_space<hbm>> -> memref<20000x64xf32, #tpu.memory_space<hbm>>
    tpu.wait_indirect_dma semaphore(%arg15 : memref<!tpu.dma_semaphore, #tpu.memory_space<semaphore_mem>>) src(%dma_wait3A_240 : memref<20000x64xf32, #tpu.memory_space<hbm>>) dst(%dma_wait3A_235 : memref<80x64xf32, #tpu.memory_space<vmem>>)
    %dma_start3A_241 = arith.constant 2 : i32
    %dma_start3A_242 = arith.constant 0 : i32
    %dma_start3A_243 = arith.constant 0 : i32
    %dma_start3A_244 = tpu.memref_slice %arg9[%dma_start3A_241, %dma_start3A_242, %dma_start3A_243] : memref<6x80x64xf32, #tpu.memory_space<vmem>> -> memref<1x80x64xf32, #tpu.memory_space<vmem>>
    %dma_start3A_245 = tpu.memref_squeeze %dma_start3A_244 : memref<1x80x64xf32, #tpu.memory_space<vmem>> -> memref<80x64xf32, #tpu.memory_space<vmem>>
    %dma_start3A_246 = arith.constant 19360 : i32
    %dma_start3A_247 = tpu.memref_slice %arg8[%dma_start3A_246] : memref<20000xi32, #tpu.memory_space<vmem>> -> memref<80xi32, #tpu.memory_space<vmem>>
    %dma_start3A_248 = arith.constant 0 : i32
    %dma_start3A_249 = arith.constant 0 : i32
    %dma_start3A_250 = tpu.memref_slice %arg11[%dma_start3A_248, %dma_start3A_249] : memref<10016x64xf32, #tpu.memory_space<vmem_shared>> -> memref<10016x64xf32, #tpu.memory_space<vmem_shared>>
    tpu.enqueue_indirect_dma source(%dma_start3A_245 : memref<80x64xf32, #tpu.memory_space<vmem>>) target(%dma_start3A_250 : memref<10016x64xf32, #tpu.memory_space<vmem_shared>>) offsets(%dma_start3A_247 : memref<80xi32, #tpu.memory_space<vmem>>) semaphore(%arg21 : memref<!tpu.dma_semaphore, #tpu.memory_space<semaphore_mem>>) {add = true}
    %eq3A_251 = arith.constant 0 : i32
    %eq3A_252 = arith.cmpi eq, %arg0, %eq3A_251 : i32
    %convert_element_type3A_253 = arith.extui %eq3A_252 : i1 to i32
    %cond3A_254 = arith.constant 0 : i32
    %cond3A_255 = arith.cmpi ne, %convert_element_type3A_253, %cond3A_254 : i32
    scf.if %cond3A_255 {
      %dma_start3A_574 = arith.constant 19360 : i32
      %dma_start3A_575 = tpu.memref_slice %arg8[%dma_start3A_574] : memref<20000xi32, #tpu.memory_space<vmem>> -> memref<80xi32, #tpu.memory_space<vmem>>
      %dma_start3A_576 = arith.constant 0 : i32
      %dma_start3A_577 = arith.constant 0 : i32
      %dma_start3A_578 = tpu.memref_slice %arg12[%dma_start3A_576, %dma_start3A_577] : memref<10016x16xf32, #tpu.memory_space<vmem_shared>> -> memref<10016x16xf32, #tpu.memory_space<vmem_shared>>
      tpu.enqueue_indirect_dma source(%arg10 : memref<80x16xf32, #tpu.memory_space<vmem>>) target(%dma_start3A_578 : memref<10016x16xf32, #tpu.memory_space<vmem_shared>>) offsets(%dma_start3A_575 : memref<80xi32, #tpu.memory_space<vmem>>) semaphore(%arg25 : memref<!tpu.dma_semaphore, #tpu.memory_space<semaphore_mem>>) {add = true}
    } else {
    }
    %dma_wait3A_256 = arith.constant 2 : i32
    %dma_wait3A_257 = arith.constant 0 : i32
    %dma_wait3A_258 = arith.constant 0 : i32
    %dma_wait3A_259 = tpu.memref_slice %arg9[%dma_wait3A_256, %dma_wait3A_257, %dma_wait3A_258] : memref<6x80x64xf32, #tpu.memory_space<vmem>> -> memref<1x80x64xf32, #tpu.memory_space<vmem>>
    %dma_wait3A_260 = tpu.memref_squeeze %dma_wait3A_259 : memref<1x80x64xf32, #tpu.memory_space<vmem>> -> memref<80x64xf32, #tpu.memory_space<vmem>>
    %dma_wait3A_261 = arith.constant 19360 : i32
    %dma_wait3A_262 = tpu.memref_slice %arg8[%dma_wait3A_261] : memref<20000xi32, #tpu.memory_space<vmem>> -> memref<80xi32, #tpu.memory_space<vmem>>
    %dma_wait3A_263 = arith.constant 0 : i32
    %dma_wait3A_264 = arith.constant 0 : i32
    %dma_wait3A_265 = tpu.memref_slice %arg11[%dma_wait3A_263, %dma_wait3A_264] : memref<10016x64xf32, #tpu.memory_space<vmem_shared>> -> memref<10016x64xf32, #tpu.memory_space<vmem_shared>>
    tpu.wait_indirect_dma semaphore(%arg21 : memref<!tpu.dma_semaphore, #tpu.memory_space<semaphore_mem>>) src(%dma_wait3A_260 : memref<80x64xf32, #tpu.memory_space<vmem>>) dst(%dma_wait3A_265 : memref<10016x64xf32, #tpu.memory_space<vmem_shared>>)
    %eq3A_266 = arith.constant 0 : i32
    %eq3A_267 = arith.cmpi eq, %arg0, %eq3A_266 : i32
    %convert_element_type3A_268 = arith.extui %eq3A_267 : i1 to i32
    %cond3A_269 = arith.constant 0 : i32
    %cond3A_270 = arith.cmpi ne, %convert_element_type3A_268, %cond3A_269 : i32
    scf.if %cond3A_270 {
      %dma_wait3A_574 = arith.constant 19360 : i32
      %dma_wait3A_575 = tpu.memref_slice %arg8[%dma_wait3A_574] : memref<20000xi32, #tpu.memory_space<vmem>> -> memref<80xi32, #tpu.memory_space<vmem>>
      %dma_wait3A_576 = arith.constant 0 : i32
      %dma_wait3A_577 = arith.constant 0 : i32
      %dma_wait3A_578 = tpu.memref_slice %arg12[%dma_wait3A_576, %dma_wait3A_577] : memref<10016x16xf32, #tpu.memory_space<vmem_shared>> -> memref<10016x16xf32, #tpu.memory_space<vmem_shared>>
      tpu.wait_indirect_dma semaphore(%arg25 : memref<!tpu.dma_semaphore, #tpu.memory_space<semaphore_mem>>) src(%arg10 : memref<80x16xf32, #tpu.memory_space<vmem>>) dst(%dma_wait3A_578 : memref<10016x16xf32, #tpu.memory_space<vmem_shared>>)
    } else {
    }
    %dma_start3A_271 = arith.constant 2 : i32
    %dma_start3A_272 = arith.constant 0 : i32
    %dma_start3A_273 = arith.constant 0 : i32
    %dma_start3A_274 = tpu.memref_slice %arg9[%dma_start3A_271, %dma_start3A_272, %dma_start3A_273] : memref<6x80x64xf32, #tpu.memory_space<vmem>> -> memref<1x80x64xf32, #tpu.memory_space<vmem>>
    %dma_start3A_275 = tpu.memref_squeeze %dma_start3A_274 : memref<1x80x64xf32, #tpu.memory_space<vmem>> -> memref<80x64xf32, #tpu.memory_space<vmem>>
    %dma_start3A_276 = arith.constant 19840 : i32
    %dma_start3A_277 = tpu.memref_slice %arg7[%dma_start3A_276] : memref<20000xi32, #tpu.memory_space<vmem>> -> memref<80xi32, #tpu.memory_space<vmem>>
    %dma_start3A_278 = arith.constant 0 : i32
    %dma_start3A_279 = arith.constant 0 : i32
    %dma_start3A_280 = tpu.memref_slice %arg2[%dma_start3A_278, %dma_start3A_279] : memref<20000x64xf32, #tpu.memory_space<hbm>> -> memref<20000x64xf32, #tpu.memory_space<hbm>>
    tpu.enqueue_indirect_dma source(%dma_start3A_280 : memref<20000x64xf32, #tpu.memory_space<hbm>>) target(%dma_start3A_275 : memref<80x64xf32, #tpu.memory_space<vmem>>) offsets(%dma_start3A_277 : memref<80xi32, #tpu.memory_space<vmem>>) semaphore(%arg15 : memref<!tpu.dma_semaphore, #tpu.memory_space<semaphore_mem>>)
    %dma_wait3A_281 = arith.constant 3 : i32
    %dma_wait3A_282 = arith.constant 0 : i32
    %dma_wait3A_283 = arith.constant 0 : i32
    %dma_wait3A_284 = tpu.memref_slice %arg9[%dma_wait3A_281, %dma_wait3A_282, %dma_wait3A_283] : memref<6x80x64xf32, #tpu.memory_space<vmem>> -> memref<1x80x64xf32, #tpu.memory_space<vmem>>
    %dma_wait3A_285 = tpu.memref_squeeze %dma_wait3A_284 : memref<1x80x64xf32, #tpu.memory_space<vmem>> -> memref<80x64xf32, #tpu.memory_space<vmem>>
    %dma_wait3A_286 = arith.constant 19440 : i32
    %dma_wait3A_287 = tpu.memref_slice %arg7[%dma_wait3A_286] : memref<20000xi32, #tpu.memory_space<vmem>> -> memref<80xi32, #tpu.memory_space<vmem>>
    %dma_wait3A_288 = arith.constant 0 : i32
    %dma_wait3A_289 = arith.constant 0 : i32
    %dma_wait3A_290 = tpu.memref_slice %arg2[%dma_wait3A_288, %dma_wait3A_289] : memref<20000x64xf32, #tpu.memory_space<hbm>> -> memref<20000x64xf32, #tpu.memory_space<hbm>>
    tpu.wait_indirect_dma semaphore(%arg16 : memref<!tpu.dma_semaphore, #tpu.memory_space<semaphore_mem>>) src(%dma_wait3A_290 : memref<20000x64xf32, #tpu.memory_space<hbm>>) dst(%dma_wait3A_285 : memref<80x64xf32, #tpu.memory_space<vmem>>)
    %dma_start3A_291 = arith.constant 3 : i32
    %dma_start3A_292 = arith.constant 0 : i32
    %dma_start3A_293 = arith.constant 0 : i32
    %dma_start3A_294 = tpu.memref_slice %arg9[%dma_start3A_291, %dma_start3A_292, %dma_start3A_293] : memref<6x80x64xf32, #tpu.memory_space<vmem>> -> memref<1x80x64xf32, #tpu.memory_space<vmem>>
    %dma_start3A_295 = tpu.memref_squeeze %dma_start3A_294 : memref<1x80x64xf32, #tpu.memory_space<vmem>> -> memref<80x64xf32, #tpu.memory_space<vmem>>
    %dma_start3A_296 = arith.constant 19440 : i32
    %dma_start3A_297 = tpu.memref_slice %arg8[%dma_start3A_296] : memref<20000xi32, #tpu.memory_space<vmem>> -> memref<80xi32, #tpu.memory_space<vmem>>
    %dma_start3A_298 = arith.constant 0 : i32
    %dma_start3A_299 = arith.constant 0 : i32
    %dma_start3A_300 = tpu.memref_slice %arg11[%dma_start3A_298, %dma_start3A_299] : memref<10016x64xf32, #tpu.memory_space<vmem_shared>> -> memref<10016x64xf32, #tpu.memory_space<vmem_shared>>
    tpu.enqueue_indirect_dma source(%dma_start3A_295 : memref<80x64xf32, #tpu.memory_space<vmem>>) target(%dma_start3A_300 : memref<10016x64xf32, #tpu.memory_space<vmem_shared>>) offsets(%dma_start3A_297 : memref<80xi32, #tpu.memory_space<vmem>>) semaphore(%arg22 : memref<!tpu.dma_semaphore, #tpu.memory_space<semaphore_mem>>) {add = true}
    %eq3A_301 = arith.constant 1 : i32
    %eq3A_302 = arith.cmpi eq, %arg0, %eq3A_301 : i32
    %convert_element_type3A_303 = arith.extui %eq3A_302 : i1 to i32
    %cond3A_304 = arith.constant 0 : i32
    %cond3A_305 = arith.cmpi ne, %convert_element_type3A_303, %cond3A_304 : i32
    scf.if %cond3A_305 {
      %dma_start3A_574 = arith.constant 19440 : i32
      %dma_start3A_575 = tpu.memref_slice %arg8[%dma_start3A_574] : memref<20000xi32, #tpu.memory_space<vmem>> -> memref<80xi32, #tpu.memory_space<vmem>>
      %dma_start3A_576 = arith.constant 0 : i32
      %dma_start3A_577 = arith.constant 0 : i32
      %dma_start3A_578 = tpu.memref_slice %arg12[%dma_start3A_576, %dma_start3A_577] : memref<10016x16xf32, #tpu.memory_space<vmem_shared>> -> memref<10016x16xf32, #tpu.memory_space<vmem_shared>>
      tpu.enqueue_indirect_dma source(%arg10 : memref<80x16xf32, #tpu.memory_space<vmem>>) target(%dma_start3A_578 : memref<10016x16xf32, #tpu.memory_space<vmem_shared>>) offsets(%dma_start3A_575 : memref<80xi32, #tpu.memory_space<vmem>>) semaphore(%arg25 : memref<!tpu.dma_semaphore, #tpu.memory_space<semaphore_mem>>) {add = true}
    } else {
    }
    %dma_wait3A_306 = arith.constant 3 : i32
    %dma_wait3A_307 = arith.constant 0 : i32
    %dma_wait3A_308 = arith.constant 0 : i32
    %dma_wait3A_309 = tpu.memref_slice %arg9[%dma_wait3A_306, %dma_wait3A_307, %dma_wait3A_308] : memref<6x80x64xf32, #tpu.memory_space<vmem>> -> memref<1x80x64xf32, #tpu.memory_space<vmem>>
    %dma_wait3A_310 = tpu.memref_squeeze %dma_wait3A_309 : memref<1x80x64xf32, #tpu.memory_space<vmem>> -> memref<80x64xf32, #tpu.memory_space<vmem>>
    %dma_wait3A_311 = arith.constant 19440 : i32
    %dma_wait3A_312 = tpu.memref_slice %arg8[%dma_wait3A_311] : memref<20000xi32, #tpu.memory_space<vmem>> -> memref<80xi32, #tpu.memory_space<vmem>>
    %dma_wait3A_313 = arith.constant 0 : i32
    %dma_wait3A_314 = arith.constant 0 : i32
    %dma_wait3A_315 = tpu.memref_slice %arg11[%dma_wait3A_313, %dma_wait3A_314] : memref<10016x64xf32, #tpu.memory_space<vmem_shared>> -> memref<10016x64xf32, #tpu.memory_space<vmem_shared>>
    tpu.wait_indirect_dma semaphore(%arg22 : memref<!tpu.dma_semaphore, #tpu.memory_space<semaphore_mem>>) src(%dma_wait3A_310 : memref<80x64xf32, #tpu.memory_space<vmem>>) dst(%dma_wait3A_315 : memref<10016x64xf32, #tpu.memory_space<vmem_shared>>)
    %eq3A_316 = arith.constant 1 : i32
    %eq3A_317 = arith.cmpi eq, %arg0, %eq3A_316 : i32
    %convert_element_type3A_318 = arith.extui %eq3A_317 : i1 to i32
    %cond3A_319 = arith.constant 0 : i32
    %cond3A_320 = arith.cmpi ne, %convert_element_type3A_318, %cond3A_319 : i32
    scf.if %cond3A_320 {
      %dma_wait3A_574 = arith.constant 19440 : i32
      %dma_wait3A_575 = tpu.memref_slice %arg8[%dma_wait3A_574] : memref<20000xi32, #tpu.memory_space<vmem>> -> memref<80xi32, #tpu.memory_space<vmem>>
      %dma_wait3A_576 = arith.constant 0 : i32
      %dma_wait3A_577 = arith.constant 0 : i32
      %dma_wait3A_578 = tpu.memref_slice %arg12[%dma_wait3A_576, %dma_wait3A_577] : memref<10016x16xf32, #tpu.memory_space<vmem_shared>> -> memref<10016x16xf32, #tpu.memory_space<vmem_shared>>
      tpu.wait_indirect_dma semaphore(%arg25 : memref<!tpu.dma_semaphore, #tpu.memory_space<semaphore_mem>>) src(%arg10 : memref<80x16xf32, #tpu.memory_space<vmem>>) dst(%dma_wait3A_578 : memref<10016x16xf32, #tpu.memory_space<vmem_shared>>)
    } else {
    }
    %dma_start3A_321 = arith.constant 3 : i32
    %dma_start3A_322 = arith.constant 0 : i32
    %dma_start3A_323 = arith.constant 0 : i32
    %dma_start3A_324 = tpu.memref_slice %arg9[%dma_start3A_321, %dma_start3A_322, %dma_start3A_323] : memref<6x80x64xf32, #tpu.memory_space<vmem>> -> memref<1x80x64xf32, #tpu.memory_space<vmem>>
    %dma_start3A_325 = tpu.memref_squeeze %dma_start3A_324 : memref<1x80x64xf32, #tpu.memory_space<vmem>> -> memref<80x64xf32, #tpu.memory_space<vmem>>
    %dma_start3A_326 = arith.constant 19920 : i32
    %dma_start3A_327 = tpu.memref_slice %arg7[%dma_start3A_326] : memref<20000xi32, #tpu.memory_space<vmem>> -> memref<80xi32, #tpu.memory_space<vmem>>
    %dma_start3A_328 = arith.constant 0 : i32
    %dma_start3A_329 = arith.constant 0 : i32
    %dma_start3A_330 = tpu.memref_slice %arg2[%dma_start3A_328, %dma_start3A_329] : memref<20000x64xf32, #tpu.memory_space<hbm>> -> memref<20000x64xf32, #tpu.memory_space<hbm>>
    tpu.enqueue_indirect_dma source(%dma_start3A_330 : memref<20000x64xf32, #tpu.memory_space<hbm>>) target(%dma_start3A_325 : memref<80x64xf32, #tpu.memory_space<vmem>>) offsets(%dma_start3A_327 : memref<80xi32, #tpu.memory_space<vmem>>) semaphore(%arg16 : memref<!tpu.dma_semaphore, #tpu.memory_space<semaphore_mem>>)
    %dma_wait3A_331 = arith.constant 4 : i32
    %dma_wait3A_332 = arith.constant 0 : i32
    %dma_wait3A_333 = arith.constant 0 : i32
    %dma_wait3A_334 = tpu.memref_slice %arg9[%dma_wait3A_331, %dma_wait3A_332, %dma_wait3A_333] : memref<6x80x64xf32, #tpu.memory_space<vmem>> -> memref<1x80x64xf32, #tpu.memory_space<vmem>>
    %dma_wait3A_335 = tpu.memref_squeeze %dma_wait3A_334 : memref<1x80x64xf32, #tpu.memory_space<vmem>> -> memref<80x64xf32, #tpu.memory_space<vmem>>
    %dma_wait3A_336 = arith.constant 19520 : i32
    %dma_wait3A_337 = tpu.memref_slice %arg7[%dma_wait3A_336] : memref<20000xi32, #tpu.memory_space<vmem>> -> memref<80xi32, #tpu.memory_space<vmem>>
    %dma_wait3A_338 = arith.constant 0 : i32
    %dma_wait3A_339 = arith.constant 0 : i32
    %dma_wait3A_340 = tpu.memref_slice %arg2[%dma_wait3A_338, %dma_wait3A_339] : memref<20000x64xf32, #tpu.memory_space<hbm>> -> memref<20000x64xf32, #tpu.memory_space<hbm>>
    tpu.wait_indirect_dma semaphore(%arg17 : memref<!tpu.dma_semaphore, #tpu.memory_space<semaphore_mem>>) src(%dma_wait3A_340 : memref<20000x64xf32, #tpu.memory_space<hbm>>) dst(%dma_wait3A_335 : memref<80x64xf32, #tpu.memory_space<vmem>>)
    %dma_start3A_341 = arith.constant 4 : i32
    %dma_start3A_342 = arith.constant 0 : i32
    %dma_start3A_343 = arith.constant 0 : i32
    %dma_start3A_344 = tpu.memref_slice %arg9[%dma_start3A_341, %dma_start3A_342, %dma_start3A_343] : memref<6x80x64xf32, #tpu.memory_space<vmem>> -> memref<1x80x64xf32, #tpu.memory_space<vmem>>
    %dma_start3A_345 = tpu.memref_squeeze %dma_start3A_344 : memref<1x80x64xf32, #tpu.memory_space<vmem>> -> memref<80x64xf32, #tpu.memory_space<vmem>>
    %dma_start3A_346 = arith.constant 19520 : i32
    %dma_start3A_347 = tpu.memref_slice %arg8[%dma_start3A_346] : memref<20000xi32, #tpu.memory_space<vmem>> -> memref<80xi32, #tpu.memory_space<vmem>>
    %dma_start3A_348 = arith.constant 0 : i32
    %dma_start3A_349 = arith.constant 0 : i32
    %dma_start3A_350 = tpu.memref_slice %arg11[%dma_start3A_348, %dma_start3A_349] : memref<10016x64xf32, #tpu.memory_space<vmem_shared>> -> memref<10016x64xf32, #tpu.memory_space<vmem_shared>>
    tpu.enqueue_indirect_dma source(%dma_start3A_345 : memref<80x64xf32, #tpu.memory_space<vmem>>) target(%dma_start3A_350 : memref<10016x64xf32, #tpu.memory_space<vmem_shared>>) offsets(%dma_start3A_347 : memref<80xi32, #tpu.memory_space<vmem>>) semaphore(%arg23 : memref<!tpu.dma_semaphore, #tpu.memory_space<semaphore_mem>>) {add = true}
    %eq3A_351 = arith.constant 0 : i32
    %eq3A_352 = arith.cmpi eq, %arg0, %eq3A_351 : i32
    %convert_element_type3A_353 = arith.extui %eq3A_352 : i1 to i32
    %cond3A_354 = arith.constant 0 : i32
    %cond3A_355 = arith.cmpi ne, %convert_element_type3A_353, %cond3A_354 : i32
    scf.if %cond3A_355 {
      %dma_start3A_574 = arith.constant 19520 : i32
      %dma_start3A_575 = tpu.memref_slice %arg8[%dma_start3A_574] : memref<20000xi32, #tpu.memory_space<vmem>> -> memref<80xi32, #tpu.memory_space<vmem>>
      %dma_start3A_576 = arith.constant 0 : i32
      %dma_start3A_577 = arith.constant 0 : i32
      %dma_start3A_578 = tpu.memref_slice %arg12[%dma_start3A_576, %dma_start3A_577] : memref<10016x16xf32, #tpu.memory_space<vmem_shared>> -> memref<10016x16xf32, #tpu.memory_space<vmem_shared>>
      tpu.enqueue_indirect_dma source(%arg10 : memref<80x16xf32, #tpu.memory_space<vmem>>) target(%dma_start3A_578 : memref<10016x16xf32, #tpu.memory_space<vmem_shared>>) offsets(%dma_start3A_575 : memref<80xi32, #tpu.memory_space<vmem>>) semaphore(%arg25 : memref<!tpu.dma_semaphore, #tpu.memory_space<semaphore_mem>>) {add = true}
    } else {
    }
    %dma_wait3A_356 = arith.constant 4 : i32
    %dma_wait3A_357 = arith.constant 0 : i32
    %dma_wait3A_358 = arith.constant 0 : i32
    %dma_wait3A_359 = tpu.memref_slice %arg9[%dma_wait3A_356, %dma_wait3A_357, %dma_wait3A_358] : memref<6x80x64xf32, #tpu.memory_space<vmem>> -> memref<1x80x64xf32, #tpu.memory_space<vmem>>
    %dma_wait3A_360 = tpu.memref_squeeze %dma_wait3A_359 : memref<1x80x64xf32, #tpu.memory_space<vmem>> -> memref<80x64xf32, #tpu.memory_space<vmem>>
    %dma_wait3A_361 = arith.constant 19520 : i32
    %dma_wait3A_362 = tpu.memref_slice %arg8[%dma_wait3A_361] : memref<20000xi32, #tpu.memory_space<vmem>> -> memref<80xi32, #tpu.memory_space<vmem>>
    %dma_wait3A_363 = arith.constant 0 : i32
    %dma_wait3A_364 = arith.constant 0 : i32
    %dma_wait3A_365 = tpu.memref_slice %arg11[%dma_wait3A_363, %dma_wait3A_364] : memref<10016x64xf32, #tpu.memory_space<vmem_shared>> -> memref<10016x64xf32, #tpu.memory_space<vmem_shared>>
    tpu.wait_indirect_dma semaphore(%arg23 : memref<!tpu.dma_semaphore, #tpu.memory_space<semaphore_mem>>) src(%dma_wait3A_360 : memref<80x64xf32, #tpu.memory_space<vmem>>) dst(%dma_wait3A_365 : memref<10016x64xf32, #tpu.memory_space<vmem_shared>>)
    %eq3A_366 = arith.constant 0 : i32
    %eq3A_367 = arith.cmpi eq, %arg0, %eq3A_366 : i32
    %convert_element_type3A_368 = arith.extui %eq3A_367 : i1 to i32
    %cond3A_369 = arith.constant 0 : i32
    %cond3A_370 = arith.cmpi ne, %convert_element_type3A_368, %cond3A_369 : i32
    scf.if %cond3A_370 {
      %dma_wait3A_574 = arith.constant 19520 : i32
      %dma_wait3A_575 = tpu.memref_slice %arg8[%dma_wait3A_574] : memref<20000xi32, #tpu.memory_space<vmem>> -> memref<80xi32, #tpu.memory_space<vmem>>
      %dma_wait3A_576 = arith.constant 0 : i32
      %dma_wait3A_577 = arith.constant 0 : i32
      %dma_wait3A_578 = tpu.memref_slice %arg12[%dma_wait3A_576, %dma_wait3A_577] : memref<10016x16xf32, #tpu.memory_space<vmem_shared>> -> memref<10016x16xf32, #tpu.memory_space<vmem_shared>>
      tpu.wait_indirect_dma semaphore(%arg25 : memref<!tpu.dma_semaphore, #tpu.memory_space<semaphore_mem>>) src(%arg10 : memref<80x16xf32, #tpu.memory_space<vmem>>) dst(%dma_wait3A_578 : memref<10016x16xf32, #tpu.memory_space<vmem_shared>>)
    } else {
    }
    %dma_wait3A_371 = arith.constant 5 : i32
    %dma_wait3A_372 = arith.constant 0 : i32
    %dma_wait3A_373 = arith.constant 0 : i32
    %dma_wait3A_374 = tpu.memref_slice %arg9[%dma_wait3A_371, %dma_wait3A_372, %dma_wait3A_373] : memref<6x80x64xf32, #tpu.memory_space<vmem>> -> memref<1x80x64xf32, #tpu.memory_space<vmem>>
    %dma_wait3A_375 = tpu.memref_squeeze %dma_wait3A_374 : memref<1x80x64xf32, #tpu.memory_space<vmem>> -> memref<80x64xf32, #tpu.memory_space<vmem>>
    %dma_wait3A_376 = arith.constant 19600 : i32
    %dma_wait3A_377 = tpu.memref_slice %arg7[%dma_wait3A_376] : memref<20000xi32, #tpu.memory_space<vmem>> -> memref<80xi32, #tpu.memory_space<vmem>>
    %dma_wait3A_378 = arith.constant 0 : i32
    %dma_wait3A_379 = arith.constant 0 : i32
    %dma_wait3A_380 = tpu.memref_slice %arg2[%dma_wait3A_378, %dma_wait3A_379] : memref<20000x64xf32, #tpu.memory_space<hbm>> -> memref<20000x64xf32, #tpu.memory_space<hbm>>
    tpu.wait_indirect_dma semaphore(%arg18 : memref<!tpu.dma_semaphore, #tpu.memory_space<semaphore_mem>>) src(%dma_wait3A_380 : memref<20000x64xf32, #tpu.memory_space<hbm>>) dst(%dma_wait3A_375 : memref<80x64xf32, #tpu.memory_space<vmem>>)
    %dma_start3A_381 = arith.constant 5 : i32
    %dma_start3A_382 = arith.constant 0 : i32
    %dma_start3A_383 = arith.constant 0 : i32
    %dma_start3A_384 = tpu.memref_slice %arg9[%dma_start3A_381, %dma_start3A_382, %dma_start3A_383] : memref<6x80x64xf32, #tpu.memory_space<vmem>> -> memref<1x80x64xf32, #tpu.memory_space<vmem>>
    %dma_start3A_385 = tpu.memref_squeeze %dma_start3A_384 : memref<1x80x64xf32, #tpu.memory_space<vmem>> -> memref<80x64xf32, #tpu.memory_space<vmem>>
    %dma_start3A_386 = arith.constant 19600 : i32
    %dma_start3A_387 = tpu.memref_slice %arg8[%dma_start3A_386] : memref<20000xi32, #tpu.memory_space<vmem>> -> memref<80xi32, #tpu.memory_space<vmem>>
    %dma_start3A_388 = arith.constant 0 : i32
    %dma_start3A_389 = arith.constant 0 : i32
    %dma_start3A_390 = tpu.memref_slice %arg11[%dma_start3A_388, %dma_start3A_389] : memref<10016x64xf32, #tpu.memory_space<vmem_shared>> -> memref<10016x64xf32, #tpu.memory_space<vmem_shared>>
    tpu.enqueue_indirect_dma source(%dma_start3A_385 : memref<80x64xf32, #tpu.memory_space<vmem>>) target(%dma_start3A_390 : memref<10016x64xf32, #tpu.memory_space<vmem_shared>>) offsets(%dma_start3A_387 : memref<80xi32, #tpu.memory_space<vmem>>) semaphore(%arg24 : memref<!tpu.dma_semaphore, #tpu.memory_space<semaphore_mem>>) {add = true}
    %eq3A_391 = arith.constant 1 : i32
    %eq3A_392 = arith.cmpi eq, %arg0, %eq3A_391 : i32
    %convert_element_type3A_393 = arith.extui %eq3A_392 : i1 to i32
    %cond3A_394 = arith.constant 0 : i32
    %cond3A_395 = arith.cmpi ne, %convert_element_type3A_393, %cond3A_394 : i32
    scf.if %cond3A_395 {
      %dma_start3A_574 = arith.constant 19600 : i32
      %dma_start3A_575 = tpu.memref_slice %arg8[%dma_start3A_574] : memref<20000xi32, #tpu.memory_space<vmem>> -> memref<80xi32, #tpu.memory_space<vmem>>
      %dma_start3A_576 = arith.constant 0 : i32
      %dma_start3A_577 = arith.constant 0 : i32
      %dma_start3A_578 = tpu.memref_slice %arg12[%dma_start3A_576, %dma_start3A_577] : memref<10016x16xf32, #tpu.memory_space<vmem_shared>> -> memref<10016x16xf32, #tpu.memory_space<vmem_shared>>
      tpu.enqueue_indirect_dma source(%arg10 : memref<80x16xf32, #tpu.memory_space<vmem>>) target(%dma_start3A_578 : memref<10016x16xf32, #tpu.memory_space<vmem_shared>>) offsets(%dma_start3A_575 : memref<80xi32, #tpu.memory_space<vmem>>) semaphore(%arg25 : memref<!tpu.dma_semaphore, #tpu.memory_space<semaphore_mem>>) {add = true}
    } else {
    }
    %dma_wait3A_396 = arith.constant 5 : i32
    %dma_wait3A_397 = arith.constant 0 : i32
    %dma_wait3A_398 = arith.constant 0 : i32
    %dma_wait3A_399 = tpu.memref_slice %arg9[%dma_wait3A_396, %dma_wait3A_397, %dma_wait3A_398] : memref<6x80x64xf32, #tpu.memory_space<vmem>> -> memref<1x80x64xf32, #tpu.memory_space<vmem>>
    %dma_wait3A_400 = tpu.memref_squeeze %dma_wait3A_399 : memref<1x80x64xf32, #tpu.memory_space<vmem>> -> memref<80x64xf32, #tpu.memory_space<vmem>>
    %dma_wait3A_401 = arith.constant 19600 : i32
    %dma_wait3A_402 = tpu.memref_slice %arg8[%dma_wait3A_401] : memref<20000xi32, #tpu.memory_space<vmem>> -> memref<80xi32, #tpu.memory_space<vmem>>
    %dma_wait3A_403 = arith.constant 0 : i32
    %dma_wait3A_404 = arith.constant 0 : i32
    %dma_wait3A_405 = tpu.memref_slice %arg11[%dma_wait3A_403, %dma_wait3A_404] : memref<10016x64xf32, #tpu.memory_space<vmem_shared>> -> memref<10016x64xf32, #tpu.memory_space<vmem_shared>>
    tpu.wait_indirect_dma semaphore(%arg24 : memref<!tpu.dma_semaphore, #tpu.memory_space<semaphore_mem>>) src(%dma_wait3A_400 : memref<80x64xf32, #tpu.memory_space<vmem>>) dst(%dma_wait3A_405 : memref<10016x64xf32, #tpu.memory_space<vmem_shared>>)
    %eq3A_406 = arith.constant 1 : i32
    %eq3A_407 = arith.cmpi eq, %arg0, %eq3A_406 : i32
    %convert_element_type3A_408 = arith.extui %eq3A_407 : i1 to i32
    %cond3A_409 = arith.constant 0 : i32
    %cond3A_410 = arith.cmpi ne, %convert_element_type3A_408, %cond3A_409 : i32
    scf.if %cond3A_410 {
      %dma_wait3A_574 = arith.constant 19600 : i32
      %dma_wait3A_575 = tpu.memref_slice %arg8[%dma_wait3A_574] : memref<20000xi32, #tpu.memory_space<vmem>> -> memref<80xi32, #tpu.memory_space<vmem>>
      %dma_wait3A_576 = arith.constant 0 : i32
      %dma_wait3A_577 = arith.constant 0 : i32
      %dma_wait3A_578 = tpu.memref_slice %arg12[%dma_wait3A_576, %dma_wait3A_577] : memref<10016x16xf32, #tpu.memory_space<vmem_shared>> -> memref<10016x16xf32, #tpu.memory_space<vmem_shared>>
      tpu.wait_indirect_dma semaphore(%arg25 : memref<!tpu.dma_semaphore, #tpu.memory_space<semaphore_mem>>) src(%arg10 : memref<80x16xf32, #tpu.memory_space<vmem>>) dst(%dma_wait3A_578 : memref<10016x16xf32, #tpu.memory_space<vmem_shared>>)
    } else {
    }
    %dma_wait3A_411 = arith.constant 0 : i32
    %dma_wait3A_412 = arith.constant 0 : i32
    %dma_wait3A_413 = arith.constant 0 : i32
    %dma_wait3A_414 = tpu.memref_slice %arg9[%dma_wait3A_411, %dma_wait3A_412, %dma_wait3A_413] : memref<6x80x64xf32, #tpu.memory_space<vmem>> -> memref<1x80x64xf32, #tpu.memory_space<vmem>>
    %dma_wait3A_415 = tpu.memref_squeeze %dma_wait3A_414 : memref<1x80x64xf32, #tpu.memory_space<vmem>> -> memref<80x64xf32, #tpu.memory_space<vmem>>
    %dma_wait3A_416 = arith.constant 19680 : i32
    %dma_wait3A_417 = tpu.memref_slice %arg7[%dma_wait3A_416] : memref<20000xi32, #tpu.memory_space<vmem>> -> memref<80xi32, #tpu.memory_space<vmem>>
    %dma_wait3A_418 = arith.constant 0 : i32
    %dma_wait3A_419 = arith.constant 0 : i32
    %dma_wait3A_420 = tpu.memref_slice %arg2[%dma_wait3A_418, %dma_wait3A_419] : memref<20000x64xf32, #tpu.memory_space<hbm>> -> memref<20000x64xf32, #tpu.memory_space<hbm>>
    tpu.wait_indirect_dma semaphore(%arg13 : memref<!tpu.dma_semaphore, #tpu.memory_space<semaphore_mem>>) src(%dma_wait3A_420 : memref<20000x64xf32, #tpu.memory_space<hbm>>) dst(%dma_wait3A_415 : memref<80x64xf32, #tpu.memory_space<vmem>>)
    %dma_start3A_421 = arith.constant 0 : i32
    %dma_start3A_422 = arith.constant 0 : i32
    %dma_start3A_423 = arith.constant 0 : i32
    %dma_start3A_424 = tpu.memref_slice %arg9[%dma_start3A_421, %dma_start3A_422, %dma_start3A_423] : memref<6x80x64xf32, #tpu.memory_space<vmem>> -> memref<1x80x64xf32, #tpu.memory_space<vmem>>
    %dma_start3A_425 = tpu.memref_squeeze %dma_start3A_424 : memref<1x80x64xf32, #tpu.memory_space<vmem>> -> memref<80x64xf32, #tpu.memory_space<vmem>>
    %dma_start3A_426 = arith.constant 19680 : i32
    %dma_start3A_427 = tpu.memref_slice %arg8[%dma_start3A_426] : memref<20000xi32, #tpu.memory_space<vmem>> -> memref<80xi32, #tpu.memory_space<vmem>>
    %dma_start3A_428 = arith.constant 0 : i32
    %dma_start3A_429 = arith.constant 0 : i32
    %dma_start3A_430 = tpu.memref_slice %arg11[%dma_start3A_428, %dma_start3A_429] : memref<10016x64xf32, #tpu.memory_space<vmem_shared>> -> memref<10016x64xf32, #tpu.memory_space<vmem_shared>>
    tpu.enqueue_indirect_dma source(%dma_start3A_425 : memref<80x64xf32, #tpu.memory_space<vmem>>) target(%dma_start3A_430 : memref<10016x64xf32, #tpu.memory_space<vmem_shared>>) offsets(%dma_start3A_427 : memref<80xi32, #tpu.memory_space<vmem>>) semaphore(%arg19 : memref<!tpu.dma_semaphore, #tpu.memory_space<semaphore_mem>>) {add = true}
    %eq3A_431 = arith.constant 0 : i32
    %eq3A_432 = arith.cmpi eq, %arg0, %eq3A_431 : i32
    %convert_element_type3A_433 = arith.extui %eq3A_432 : i1 to i32
    %cond3A_434 = arith.constant 0 : i32
    %cond3A_435 = arith.cmpi ne, %convert_element_type3A_433, %cond3A_434 : i32
    scf.if %cond3A_435 {
      %dma_start3A_574 = arith.constant 19680 : i32
      %dma_start3A_575 = tpu.memref_slice %arg8[%dma_start3A_574] : memref<20000xi32, #tpu.memory_space<vmem>> -> memref<80xi32, #tpu.memory_space<vmem>>
      %dma_start3A_576 = arith.constant 0 : i32
      %dma_start3A_577 = arith.constant 0 : i32
      %dma_start3A_578 = tpu.memref_slice %arg12[%dma_start3A_576, %dma_start3A_577] : memref<10016x16xf32, #tpu.memory_space<vmem_shared>> -> memref<10016x16xf32, #tpu.memory_space<vmem_shared>>
      tpu.enqueue_indirect_dma source(%arg10 : memref<80x16xf32, #tpu.memory_space<vmem>>) target(%dma_start3A_578 : memref<10016x16xf32, #tpu.memory_space<vmem_shared>>) offsets(%dma_start3A_575 : memref<80xi32, #tpu.memory_space<vmem>>) semaphore(%arg25 : memref<!tpu.dma_semaphore, #tpu.memory_space<semaphore_mem>>) {add = true}
    } else {
    }
    %dma_wait3A_436 = arith.constant 0 : i32
    %dma_wait3A_437 = arith.constant 0 : i32
    %dma_wait3A_438 = arith.constant 0 : i32
    %dma_wait3A_439 = tpu.memref_slice %arg9[%dma_wait3A_436, %dma_wait3A_437, %dma_wait3A_438] : memref<6x80x64xf32, #tpu.memory_space<vmem>> -> memref<1x80x64xf32, #tpu.memory_space<vmem>>
    %dma_wait3A_440 = tpu.memref_squeeze %dma_wait3A_439 : memref<1x80x64xf32, #tpu.memory_space<vmem>> -> memref<80x64xf32, #tpu.memory_space<vmem>>
    %dma_wait3A_441 = arith.constant 19680 : i32
    %dma_wait3A_442 = tpu.memref_slice %arg8[%dma_wait3A_441] : memref<20000xi32, #tpu.memory_space<vmem>> -> memref<80xi32, #tpu.memory_space<vmem>>
    %dma_wait3A_443 = arith.constant 0 : i32
    %dma_wait3A_444 = arith.constant 0 : i32
    %dma_wait3A_445 = tpu.memref_slice %arg11[%dma_wait3A_443, %dma_wait3A_444] : memref<10016x64xf32, #tpu.memory_space<vmem_shared>> -> memref<10016x64xf32, #tpu.memory_space<vmem_shared>>
    tpu.wait_indirect_dma semaphore(%arg19 : memref<!tpu.dma_semaphore, #tpu.memory_space<semaphore_mem>>) src(%dma_wait3A_440 : memref<80x64xf32, #tpu.memory_space<vmem>>) dst(%dma_wait3A_445 : memref<10016x64xf32, #tpu.memory_space<vmem_shared>>)
    %eq3A_446 = arith.constant 0 : i32
    %eq3A_447 = arith.cmpi eq, %arg0, %eq3A_446 : i32
    %convert_element_type3A_448 = arith.extui %eq3A_447 : i1 to i32
    %cond3A_449 = arith.constant 0 : i32
    %cond3A_450 = arith.cmpi ne, %convert_element_type3A_448, %cond3A_449 : i32
    scf.if %cond3A_450 {
      %dma_wait3A_574 = arith.constant 19680 : i32
      %dma_wait3A_575 = tpu.memref_slice %arg8[%dma_wait3A_574] : memref<20000xi32, #tpu.memory_space<vmem>> -> memref<80xi32, #tpu.memory_space<vmem>>
      %dma_wait3A_576 = arith.constant 0 : i32
      %dma_wait3A_577 = arith.constant 0 : i32
      %dma_wait3A_578 = tpu.memref_slice %arg12[%dma_wait3A_576, %dma_wait3A_577] : memref<10016x16xf32, #tpu.memory_space<vmem_shared>> -> memref<10016x16xf32, #tpu.memory_space<vmem_shared>>
      tpu.wait_indirect_dma semaphore(%arg25 : memref<!tpu.dma_semaphore, #tpu.memory_space<semaphore_mem>>) src(%arg10 : memref<80x16xf32, #tpu.memory_space<vmem>>) dst(%dma_wait3A_578 : memref<10016x16xf32, #tpu.memory_space<vmem_shared>>)
    } else {
    }
    %dma_wait3A_451 = arith.constant 1 : i32
    %dma_wait3A_452 = arith.constant 0 : i32
    %dma_wait3A_453 = arith.constant 0 : i32
    %dma_wait3A_454 = tpu.memref_slice %arg9[%dma_wait3A_451, %dma_wait3A_452, %dma_wait3A_453] : memref<6x80x64xf32, #tpu.memory_space<vmem>> -> memref<1x80x64xf32, #tpu.memory_space<vmem>>
    %dma_wait3A_455 = tpu.memref_squeeze %dma_wait3A_454 : memref<1x80x64xf32, #tpu.memory_space<vmem>> -> memref<80x64xf32, #tpu.memory_space<vmem>>
    %dma_wait3A_456 = arith.constant 19760 : i32
    %dma_wait3A_457 = tpu.memref_slice %arg7[%dma_wait3A_456] : memref<20000xi32, #tpu.memory_space<vmem>> -> memref<80xi32, #tpu.memory_space<vmem>>
    %dma_wait3A_458 = arith.constant 0 : i32
    %dma_wait3A_459 = arith.constant 0 : i32
    %dma_wait3A_460 = tpu.memref_slice %arg2[%dma_wait3A_458, %dma_wait3A_459] : memref<20000x64xf32, #tpu.memory_space<hbm>> -> memref<20000x64xf32, #tpu.memory_space<hbm>>
    tpu.wait_indirect_dma semaphore(%arg14 : memref<!tpu.dma_semaphore, #tpu.memory_space<semaphore_mem>>) src(%dma_wait3A_460 : memref<20000x64xf32, #tpu.memory_space<hbm>>) dst(%dma_wait3A_455 : memref<80x64xf32, #tpu.memory_space<vmem>>)
    %dma_start3A_461 = arith.constant 1 : i32
    %dma_start3A_462 = arith.constant 0 : i32
    %dma_start3A_463 = arith.constant 0 : i32
    %dma_start3A_464 = tpu.memref_slice %arg9[%dma_start3A_461, %dma_start3A_462, %dma_start3A_463] : memref<6x80x64xf32, #tpu.memory_space<vmem>> -> memref<1x80x64xf32, #tpu.memory_space<vmem>>
    %dma_start3A_465 = tpu.memref_squeeze %dma_start3A_464 : memref<1x80x64xf32, #tpu.memory_space<vmem>> -> memref<80x64xf32, #tpu.memory_space<vmem>>
    %dma_start3A_466 = arith.constant 19760 : i32
    %dma_start3A_467 = tpu.memref_slice %arg8[%dma_start3A_466] : memref<20000xi32, #tpu.memory_space<vmem>> -> memref<80xi32, #tpu.memory_space<vmem>>
    %dma_start3A_468 = arith.constant 0 : i32
    %dma_start3A_469 = arith.constant 0 : i32
    %dma_start3A_470 = tpu.memref_slice %arg11[%dma_start3A_468, %dma_start3A_469] : memref<10016x64xf32, #tpu.memory_space<vmem_shared>> -> memref<10016x64xf32, #tpu.memory_space<vmem_shared>>
    tpu.enqueue_indirect_dma source(%dma_start3A_465 : memref<80x64xf32, #tpu.memory_space<vmem>>) target(%dma_start3A_470 : memref<10016x64xf32, #tpu.memory_space<vmem_shared>>) offsets(%dma_start3A_467 : memref<80xi32, #tpu.memory_space<vmem>>) semaphore(%arg20 : memref<!tpu.dma_semaphore, #tpu.memory_space<semaphore_mem>>) {add = true}
    %eq3A_471 = arith.constant 1 : i32
    %eq3A_472 = arith.cmpi eq, %arg0, %eq3A_471 : i32
    %convert_element_type3A_473 = arith.extui %eq3A_472 : i1 to i32
    %cond3A_474 = arith.constant 0 : i32
    %cond3A_475 = arith.cmpi ne, %convert_element_type3A_473, %cond3A_474 : i32
    scf.if %cond3A_475 {
      %dma_start3A_574 = arith.constant 19760 : i32
      %dma_start3A_575 = tpu.memref_slice %arg8[%dma_start3A_574] : memref<20000xi32, #tpu.memory_space<vmem>> -> memref<80xi32, #tpu.memory_space<vmem>>
      %dma_start3A_576 = arith.constant 0 : i32
      %dma_start3A_577 = arith.constant 0 : i32
      %dma_start3A_578 = tpu.memref_slice %arg12[%dma_start3A_576, %dma_start3A_577] : memref<10016x16xf32, #tpu.memory_space<vmem_shared>> -> memref<10016x16xf32, #tpu.memory_space<vmem_shared>>
      tpu.enqueue_indirect_dma source(%arg10 : memref<80x16xf32, #tpu.memory_space<vmem>>) target(%dma_start3A_578 : memref<10016x16xf32, #tpu.memory_space<vmem_shared>>) offsets(%dma_start3A_575 : memref<80xi32, #tpu.memory_space<vmem>>) semaphore(%arg25 : memref<!tpu.dma_semaphore, #tpu.memory_space<semaphore_mem>>) {add = true}
    } else {
    }
    %dma_wait3A_476 = arith.constant 1 : i32
    %dma_wait3A_477 = arith.constant 0 : i32
    %dma_wait3A_478 = arith.constant 0 : i32
    %dma_wait3A_479 = tpu.memref_slice %arg9[%dma_wait3A_476, %dma_wait3A_477, %dma_wait3A_478] : memref<6x80x64xf32, #tpu.memory_space<vmem>> -> memref<1x80x64xf32, #tpu.memory_space<vmem>>
    %dma_wait3A_480 = tpu.memref_squeeze %dma_wait3A_479 : memref<1x80x64xf32, #tpu.memory_space<vmem>> -> memref<80x64xf32, #tpu.memory_space<vmem>>
    %dma_wait3A_481 = arith.constant 19760 : i32
    %dma_wait3A_482 = tpu.memref_slice %arg8[%dma_wait3A_481] : memref<20000xi32, #tpu.memory_space<vmem>> -> memref<80xi32, #tpu.memory_space<vmem>>
    %dma_wait3A_483 = arith.constant 0 : i32
    %dma_wait3A_484 = arith.constant 0 : i32
    %dma_wait3A_485 = tpu.memref_slice %arg11[%dma_wait3A_483, %dma_wait3A_484] : memref<10016x64xf32, #tpu.memory_space<vmem_shared>> -> memref<10016x64xf32, #tpu.memory_space<vmem_shared>>
    tpu.wait_indirect_dma semaphore(%arg20 : memref<!tpu.dma_semaphore, #tpu.memory_space<semaphore_mem>>) src(%dma_wait3A_480 : memref<80x64xf32, #tpu.memory_space<vmem>>) dst(%dma_wait3A_485 : memref<10016x64xf32, #tpu.memory_space<vmem_shared>>)
    %eq3A_486 = arith.constant 1 : i32
    %eq3A_487 = arith.cmpi eq, %arg0, %eq3A_486 : i32
    %convert_element_type3A_488 = arith.extui %eq3A_487 : i1 to i32
    %cond3A_489 = arith.constant 0 : i32
    %cond3A_490 = arith.cmpi ne, %convert_element_type3A_488, %cond3A_489 : i32
    scf.if %cond3A_490 {
      %dma_wait3A_574 = arith.constant 19760 : i32
      %dma_wait3A_575 = tpu.memref_slice %arg8[%dma_wait3A_574] : memref<20000xi32, #tpu.memory_space<vmem>> -> memref<80xi32, #tpu.memory_space<vmem>>
      %dma_wait3A_576 = arith.constant 0 : i32
      %dma_wait3A_577 = arith.constant 0 : i32
      %dma_wait3A_578 = tpu.memref_slice %arg12[%dma_wait3A_576, %dma_wait3A_577] : memref<10016x16xf32, #tpu.memory_space<vmem_shared>> -> memref<10016x16xf32, #tpu.memory_space<vmem_shared>>
      tpu.wait_indirect_dma semaphore(%arg25 : memref<!tpu.dma_semaphore, #tpu.memory_space<semaphore_mem>>) src(%arg10 : memref<80x16xf32, #tpu.memory_space<vmem>>) dst(%dma_wait3A_578 : memref<10016x16xf32, #tpu.memory_space<vmem_shared>>)
    } else {
    }
    %dma_wait3A_491 = arith.constant 2 : i32
    %dma_wait3A_492 = arith.constant 0 : i32
    %dma_wait3A_493 = arith.constant 0 : i32
    %dma_wait3A_494 = tpu.memref_slice %arg9[%dma_wait3A_491, %dma_wait3A_492, %dma_wait3A_493] : memref<6x80x64xf32, #tpu.memory_space<vmem>> -> memref<1x80x64xf32, #tpu.memory_space<vmem>>
    %dma_wait3A_495 = tpu.memref_squeeze %dma_wait3A_494 : memref<1x80x64xf32, #tpu.memory_space<vmem>> -> memref<80x64xf32, #tpu.memory_space<vmem>>
    %dma_wait3A_496 = arith.constant 19840 : i32
    %dma_wait3A_497 = tpu.memref_slice %arg7[%dma_wait3A_496] : memref<20000xi32, #tpu.memory_space<vmem>> -> memref<80xi32, #tpu.memory_space<vmem>>
    %dma_wait3A_498 = arith.constant 0 : i32
    %dma_wait3A_499 = arith.constant 0 : i32
    %dma_wait3A_500 = tpu.memref_slice %arg2[%dma_wait3A_498, %dma_wait3A_499] : memref<20000x64xf32, #tpu.memory_space<hbm>> -> memref<20000x64xf32, #tpu.memory_space<hbm>>
    tpu.wait_indirect_dma semaphore(%arg15 : memref<!tpu.dma_semaphore, #tpu.memory_space<semaphore_mem>>) src(%dma_wait3A_500 : memref<20000x64xf32, #tpu.memory_space<hbm>>) dst(%dma_wait3A_495 : memref<80x64xf32, #tpu.memory_space<vmem>>)
    %dma_start3A_501 = arith.constant 2 : i32
    %dma_start3A_502 = arith.constant 0 : i32
    %dma_start3A_503 = arith.constant 0 : i32
    %dma_start3A_504 = tpu.memref_slice %arg9[%dma_start3A_501, %dma_start3A_502, %dma_start3A_503] : memref<6x80x64xf32, #tpu.memory_space<vmem>> -> memref<1x80x64xf32, #tpu.memory_space<vmem>>
    %dma_start3A_505 = tpu.memref_squeeze %dma_start3A_504 : memref<1x80x64xf32, #tpu.memory_space<vmem>> -> memref<80x64xf32, #tpu.memory_space<vmem>>
    %dma_start3A_506 = arith.constant 19840 : i32
    %dma_start3A_507 = tpu.memref_slice %arg8[%dma_start3A_506] : memref<20000xi32, #tpu.memory_space<vmem>> -> memref<80xi32, #tpu.memory_space<vmem>>
    %dma_start3A_508 = arith.constant 0 : i32
    %dma_start3A_509 = arith.constant 0 : i32
    %dma_start3A_510 = tpu.memref_slice %arg11[%dma_start3A_508, %dma_start3A_509] : memref<10016x64xf32, #tpu.memory_space<vmem_shared>> -> memref<10016x64xf32, #tpu.memory_space<vmem_shared>>
    tpu.enqueue_indirect_dma source(%dma_start3A_505 : memref<80x64xf32, #tpu.memory_space<vmem>>) target(%dma_start3A_510 : memref<10016x64xf32, #tpu.memory_space<vmem_shared>>) offsets(%dma_start3A_507 : memref<80xi32, #tpu.memory_space<vmem>>) semaphore(%arg21 : memref<!tpu.dma_semaphore, #tpu.memory_space<semaphore_mem>>) {add = true}
    %eq3A_511 = arith.constant 0 : i32
    %eq3A_512 = arith.cmpi eq, %arg0, %eq3A_511 : i32
    %convert_element_type3A_513 = arith.extui %eq3A_512 : i1 to i32
    %cond3A_514 = arith.constant 0 : i32
    %cond3A_515 = arith.cmpi ne, %convert_element_type3A_513, %cond3A_514 : i32
    scf.if %cond3A_515 {
      %dma_start3A_574 = arith.constant 19840 : i32
      %dma_start3A_575 = tpu.memref_slice %arg8[%dma_start3A_574] : memref<20000xi32, #tpu.memory_space<vmem>> -> memref<80xi32, #tpu.memory_space<vmem>>
      %dma_start3A_576 = arith.constant 0 : i32
      %dma_start3A_577 = arith.constant 0 : i32
      %dma_start3A_578 = tpu.memref_slice %arg12[%dma_start3A_576, %dma_start3A_577] : memref<10016x16xf32, #tpu.memory_space<vmem_shared>> -> memref<10016x16xf32, #tpu.memory_space<vmem_shared>>
      tpu.enqueue_indirect_dma source(%arg10 : memref<80x16xf32, #tpu.memory_space<vmem>>) target(%dma_start3A_578 : memref<10016x16xf32, #tpu.memory_space<vmem_shared>>) offsets(%dma_start3A_575 : memref<80xi32, #tpu.memory_space<vmem>>) semaphore(%arg25 : memref<!tpu.dma_semaphore, #tpu.memory_space<semaphore_mem>>) {add = true}
    } else {
    }
    %dma_wait3A_516 = arith.constant 2 : i32
    %dma_wait3A_517 = arith.constant 0 : i32
    %dma_wait3A_518 = arith.constant 0 : i32
    %dma_wait3A_519 = tpu.memref_slice %arg9[%dma_wait3A_516, %dma_wait3A_517, %dma_wait3A_518] : memref<6x80x64xf32, #tpu.memory_space<vmem>> -> memref<1x80x64xf32, #tpu.memory_space<vmem>>
    %dma_wait3A_520 = tpu.memref_squeeze %dma_wait3A_519 : memref<1x80x64xf32, #tpu.memory_space<vmem>> -> memref<80x64xf32, #tpu.memory_space<vmem>>
    %dma_wait3A_521 = arith.constant 19840 : i32
    %dma_wait3A_522 = tpu.memref_slice %arg8[%dma_wait3A_521] : memref<20000xi32, #tpu.memory_space<vmem>> -> memref<80xi32, #tpu.memory_space<vmem>>
    %dma_wait3A_523 = arith.constant 0 : i32
    %dma_wait3A_524 = arith.constant 0 : i32
    %dma_wait3A_525 = tpu.memref_slice %arg11[%dma_wait3A_523, %dma_wait3A_524] : memref<10016x64xf32, #tpu.memory_space<vmem_shared>> -> memref<10016x64xf32, #tpu.memory_space<vmem_shared>>
    tpu.wait_indirect_dma semaphore(%arg21 : memref<!tpu.dma_semaphore, #tpu.memory_space<semaphore_mem>>) src(%dma_wait3A_520 : memref<80x64xf32, #tpu.memory_space<vmem>>) dst(%dma_wait3A_525 : memref<10016x64xf32, #tpu.memory_space<vmem_shared>>)
    %eq3A_526 = arith.constant 0 : i32
    %eq3A_527 = arith.cmpi eq, %arg0, %eq3A_526 : i32
    %convert_element_type3A_528 = arith.extui %eq3A_527 : i1 to i32
    %cond3A_529 = arith.constant 0 : i32
    %cond3A_530 = arith.cmpi ne, %convert_element_type3A_528, %cond3A_529 : i32
    scf.if %cond3A_530 {
      %dma_wait3A_574 = arith.constant 19840 : i32
      %dma_wait3A_575 = tpu.memref_slice %arg8[%dma_wait3A_574] : memref<20000xi32, #tpu.memory_space<vmem>> -> memref<80xi32, #tpu.memory_space<vmem>>
      %dma_wait3A_576 = arith.constant 0 : i32
      %dma_wait3A_577 = arith.constant 0 : i32
      %dma_wait3A_578 = tpu.memref_slice %arg12[%dma_wait3A_576, %dma_wait3A_577] : memref<10016x16xf32, #tpu.memory_space<vmem_shared>> -> memref<10016x16xf32, #tpu.memory_space<vmem_shared>>
      tpu.wait_indirect_dma semaphore(%arg25 : memref<!tpu.dma_semaphore, #tpu.memory_space<semaphore_mem>>) src(%arg10 : memref<80x16xf32, #tpu.memory_space<vmem>>) dst(%dma_wait3A_578 : memref<10016x16xf32, #tpu.memory_space<vmem_shared>>)
    } else {
    }
    %dma_wait3A_531 = arith.constant 3 : i32
    %dma_wait3A_532 = arith.constant 0 : i32
    %dma_wait3A_533 = arith.constant 0 : i32
    %dma_wait3A_534 = tpu.memref_slice %arg9[%dma_wait3A_531, %dma_wait3A_532, %dma_wait3A_533] : memref<6x80x64xf32, #tpu.memory_space<vmem>> -> memref<1x80x64xf32, #tpu.memory_space<vmem>>
    %dma_wait3A_535 = tpu.memref_squeeze %dma_wait3A_534 : memref<1x80x64xf32, #tpu.memory_space<vmem>> -> memref<80x64xf32, #tpu.memory_space<vmem>>
    %dma_wait3A_536 = arith.constant 19920 : i32
    %dma_wait3A_537 = tpu.memref_slice %arg7[%dma_wait3A_536] : memref<20000xi32, #tpu.memory_space<vmem>> -> memref<80xi32, #tpu.memory_space<vmem>>
    %dma_wait3A_538 = arith.constant 0 : i32
    %dma_wait3A_539 = arith.constant 0 : i32
    %dma_wait3A_540 = tpu.memref_slice %arg2[%dma_wait3A_538, %dma_wait3A_539] : memref<20000x64xf32, #tpu.memory_space<hbm>> -> memref<20000x64xf32, #tpu.memory_space<hbm>>
    tpu.wait_indirect_dma semaphore(%arg16 : memref<!tpu.dma_semaphore, #tpu.memory_space<semaphore_mem>>) src(%dma_wait3A_540 : memref<20000x64xf32, #tpu.memory_space<hbm>>) dst(%dma_wait3A_535 : memref<80x64xf32, #tpu.memory_space<vmem>>)
    %dma_start3A_541 = arith.constant 3 : i32
    %dma_start3A_542 = arith.constant 0 : i32
    %dma_start3A_543 = arith.constant 0 : i32
    %dma_start3A_544 = tpu.memref_slice %arg9[%dma_start3A_541, %dma_start3A_542, %dma_start3A_543] : memref<6x80x64xf32, #tpu.memory_space<vmem>> -> memref<1x80x64xf32, #tpu.memory_space<vmem>>
    %dma_start3A_545 = tpu.memref_squeeze %dma_start3A_544 : memref<1x80x64xf32, #tpu.memory_space<vmem>> -> memref<80x64xf32, #tpu.memory_space<vmem>>
    %dma_start3A_546 = arith.constant 19920 : i32
    %dma_start3A_547 = tpu.memref_slice %arg8[%dma_start3A_546] : memref<20000xi32, #tpu.memory_space<vmem>> -> memref<80xi32, #tpu.memory_space<vmem>>
    %dma_start3A_548 = arith.constant 0 : i32
    %dma_start3A_549 = arith.constant 0 : i32
    %dma_start3A_550 = tpu.memref_slice %arg11[%dma_start3A_548, %dma_start3A_549] : memref<10016x64xf32, #tpu.memory_space<vmem_shared>> -> memref<10016x64xf32, #tpu.memory_space<vmem_shared>>
    tpu.enqueue_indirect_dma source(%dma_start3A_545 : memref<80x64xf32, #tpu.memory_space<vmem>>) target(%dma_start3A_550 : memref<10016x64xf32, #tpu.memory_space<vmem_shared>>) offsets(%dma_start3A_547 : memref<80xi32, #tpu.memory_space<vmem>>) semaphore(%arg22 : memref<!tpu.dma_semaphore, #tpu.memory_space<semaphore_mem>>) {add = true}
    %eq3A_551 = arith.constant 1 : i32
    %eq3A_552 = arith.cmpi eq, %arg0, %eq3A_551 : i32
    %convert_element_type3A_553 = arith.extui %eq3A_552 : i1 to i32
    %cond3A_554 = arith.constant 0 : i32
    %cond3A_555 = arith.cmpi ne, %convert_element_type3A_553, %cond3A_554 : i32
    scf.if %cond3A_555 {
      %dma_start3A_574 = arith.constant 19920 : i32
      %dma_start3A_575 = tpu.memref_slice %arg8[%dma_start3A_574] : memref<20000xi32, #tpu.memory_space<vmem>> -> memref<80xi32, #tpu.memory_space<vmem>>
      %dma_start3A_576 = arith.constant 0 : i32
      %dma_start3A_577 = arith.constant 0 : i32
      %dma_start3A_578 = tpu.memref_slice %arg12[%dma_start3A_576, %dma_start3A_577] : memref<10016x16xf32, #tpu.memory_space<vmem_shared>> -> memref<10016x16xf32, #tpu.memory_space<vmem_shared>>
      tpu.enqueue_indirect_dma source(%arg10 : memref<80x16xf32, #tpu.memory_space<vmem>>) target(%dma_start3A_578 : memref<10016x16xf32, #tpu.memory_space<vmem_shared>>) offsets(%dma_start3A_575 : memref<80xi32, #tpu.memory_space<vmem>>) semaphore(%arg25 : memref<!tpu.dma_semaphore, #tpu.memory_space<semaphore_mem>>) {add = true}
    } else {
    }
    %dma_wait3A_556 = arith.constant 3 : i32
    %dma_wait3A_557 = arith.constant 0 : i32
    %dma_wait3A_558 = arith.constant 0 : i32
    %dma_wait3A_559 = tpu.memref_slice %arg9[%dma_wait3A_556, %dma_wait3A_557, %dma_wait3A_558] : memref<6x80x64xf32, #tpu.memory_space<vmem>> -> memref<1x80x64xf32, #tpu.memory_space<vmem>>
    %dma_wait3A_560 = tpu.memref_squeeze %dma_wait3A_559 : memref<1x80x64xf32, #tpu.memory_space<vmem>> -> memref<80x64xf32, #tpu.memory_space<vmem>>
    %dma_wait3A_561 = arith.constant 19920 : i32
    %dma_wait3A_562 = tpu.memref_slice %arg8[%dma_wait3A_561] : memref<20000xi32, #tpu.memory_space<vmem>> -> memref<80xi32, #tpu.memory_space<vmem>>
    %dma_wait3A_563 = arith.constant 0 : i32
    %dma_wait3A_564 = arith.constant 0 : i32
    %dma_wait3A_565 = tpu.memref_slice %arg11[%dma_wait3A_563, %dma_wait3A_564] : memref<10016x64xf32, #tpu.memory_space<vmem_shared>> -> memref<10016x64xf32, #tpu.memory_space<vmem_shared>>
    tpu.wait_indirect_dma semaphore(%arg22 : memref<!tpu.dma_semaphore, #tpu.memory_space<semaphore_mem>>) src(%dma_wait3A_560 : memref<80x64xf32, #tpu.memory_space<vmem>>) dst(%dma_wait3A_565 : memref<10016x64xf32, #tpu.memory_space<vmem_shared>>)
    %eq3A_566 = arith.constant 1 : i32
    %eq3A_567 = arith.cmpi eq, %arg0, %eq3A_566 : i32
    %convert_element_type3A_568 = arith.extui %eq3A_567 : i1 to i32
    %cond3A_569 = arith.constant 0 : i32
    %cond3A_570 = arith.cmpi ne, %convert_element_type3A_568, %cond3A_569 : i32
    scf.if %cond3A_570 {
      %dma_wait3A_574 = arith.constant 19920 : i32
      %dma_wait3A_575 = tpu.memref_slice %arg8[%dma_wait3A_574] : memref<20000xi32, #tpu.memory_space<vmem>> -> memref<80xi32, #tpu.memory_space<vmem>>
      %dma_wait3A_576 = arith.constant 0 : i32
      %dma_wait3A_577 = arith.constant 0 : i32
      %dma_wait3A_578 = tpu.memref_slice %arg12[%dma_wait3A_576, %dma_wait3A_577] : memref<10016x16xf32, #tpu.memory_space<vmem_shared>> -> memref<10016x16xf32, #tpu.memory_space<vmem_shared>>
      tpu.wait_indirect_dma semaphore(%arg25 : memref<!tpu.dma_semaphore, #tpu.memory_space<semaphore_mem>>) src(%arg10 : memref<80x16xf32, #tpu.memory_space<vmem>>) dst(%dma_wait3A_578 : memref<10016x16xf32, #tpu.memory_space<vmem_shared>>)
    } else {
    }
    %barrier3A_571 = arith.constant 0 : index
    tpu.barrier barrier_id(%barrier3A_571)
    %mul3A_572 = arith.constant 64 : i32
    %mul3A_573 = arith.muli %arg0, %mul3A_572 : i32
    "tpu.region"() ({
      %run_scoped3A_574 = tpu.sem_alloc : memref<!tpu.dma_semaphore, #tpu.memory_space<semaphore_mem>>
      %dma_start3A_575 = tpu.memref_slice %arg5[%mul3A_16, %mul3A_573] : memref<10016x128xf32, #tpu.memory_space<hbm>> -> memref<626x64xf32, #tpu.memory_space<hbm>>
      %dma_start3A_576 = arith.constant 0 : i32
      %dma_start3A_577 = tpu.memref_slice %arg11[%mul3A_16, %dma_start3A_576] : memref<10016x64xf32, #tpu.memory_space<vmem_shared>> -> memref<626x64xf32, #tpu.memory_space<vmem_shared>>
      tpu.enqueue_dma source(%dma_start3A_577 : memref<626x64xf32, #tpu.memory_space<vmem_shared>>) target(%dma_start3A_575 : memref<626x64xf32, #tpu.memory_space<hbm>>) target_semaphore(%run_scoped3A_574 : memref<!tpu.dma_semaphore, #tpu.memory_space<semaphore_mem>>)
      %dma_wait3A_578 = tpu.memref_slice %arg5[%mul3A_16, %mul3A_573] : memref<10016x128xf32, #tpu.memory_space<hbm>> -> memref<626x64xf32, #tpu.memory_space<hbm>>
      %dma_wait3A_579 = arith.constant 0 : i32
      %dma_wait3A_580 = tpu.memref_slice %arg11[%mul3A_16, %dma_wait3A_579] : memref<10016x64xf32, #tpu.memory_space<vmem_shared>> -> memref<626x64xf32, #tpu.memory_space<vmem_shared>>
      tpu.wait_dma2 semaphore(%run_scoped3A_574 : memref<!tpu.dma_semaphore, #tpu.memory_space<semaphore_mem>>) src(%dma_wait3A_580 : memref<626x64xf32, #tpu.memory_space<vmem_shared>>) dst(%dma_wait3A_578 : memref<626x64xf32, #tpu.memory_space<hbm>>)
      tpu.yield
    }) : () -> ()
    "tpu.region"() ({
      %run_scoped3A_574 = tpu.sem_alloc : memref<!tpu.dma_semaphore, #tpu.memory_space<semaphore_mem>>
      %dma_start3A_575 = arith.constant 0 : i32
      %dma_start3A_576 = tpu.memref_slice %arg6[%arg0, %mul3A_16, %dma_start3A_575] : memref<2x10016x16xf32, #tpu.memory_space<hbm>> -> memref<1x626x16xf32, #tpu.memory_space<hbm>>
      %dma_start3A_577 = tpu.memref_squeeze %dma_start3A_576 : memref<1x626x16xf32, #tpu.memory_space<hbm>> -> memref<626x16xf32, #tpu.memory_space<hbm>>
      %dma_start3A_578 = arith.constant 0 : i32
      %dma_start3A_579 = tpu.memref_slice %arg12[%mul3A_16, %dma_start3A_578] : memref<10016x16xf32, #tpu.memory_space<vmem_shared>> -> memref<626x16xf32, #tpu.memory_space<vmem_shared>>
      tpu.enqueue_dma source(%dma_start3A_579 : memref<626x16xf32, #tpu.memory_space<vmem_shared>>) target(%dma_start3A_577 : memref<626x16xf32, #tpu.memory_space<hbm>>) target_semaphore(%run_scoped3A_574 : memref<!tpu.dma_semaphore, #tpu.memory_space<semaphore_mem>>)
      %dma_wait3A_580 = arith.constant 0 : i32
      %dma_wait3A_581 = tpu.memref_slice %arg6[%arg0, %mul3A_16, %dma_wait3A_580] : memref<2x10016x16xf32, #tpu.memory_space<hbm>> -> memref<1x626x16xf32, #tpu.memory_space<hbm>>
      %dma_wait3A_582 = tpu.memref_squeeze %dma_wait3A_581 : memref<1x626x16xf32, #tpu.memory_space<hbm>> -> memref<626x16xf32, #tpu.memory_space<hbm>>
      %dma_wait3A_583 = arith.constant 0 : i32
      %dma_wait3A_584 = tpu.memref_slice %arg12[%mul3A_16, %dma_wait3A_583] : memref<10016x16xf32, #tpu.memory_space<vmem_shared>> -> memref<626x16xf32, #tpu.memory_space<vmem_shared>>
      tpu.wait_dma2 semaphore(%run_scoped3A_574 : memref<!tpu.dma_semaphore, #tpu.memory_space<semaphore_mem>>) src(%dma_wait3A_584 : memref<626x16xf32, #tpu.memory_space<vmem_shared>>) dst(%dma_wait3A_582 : memref<626x16xf32, #tpu.memory_space<hbm>>)
      tpu.yield
    }) : () -> ()
    return
  }
}

module attributes {stable_mosaic.version = 14 : i64} {
  func.func @_tc_body(%arg0: i32, %arg1: memref<1000x128xf32, #tpu.memory_space<vmem>>, %arg2: memref<1000x128xf32, #tpu.memory_space<vmem>>, %arg3: memref<2x1000x16xf32, #tpu.memory_space<vmem>>, %arg4: memref<128x128xf32, #tpu.memory_space<vmem>>, %arg5: memref<128x128xf32, #tpu.memory_space<vmem>>, %arg6: memref<128x128xf32, #tpu.memory_space<vmem>>, %arg7: memref<128x128xf32, #tpu.memory_space<vmem>>, %arg8: memref<1000x128xf32, #tpu.memory_space<vmem>>) attributes {dimension_semantics = [#tpu.dimension_semantics<arbitrary>], iteration_bounds = array<i64: 10>, scalar_prefetch = 0 : i64, scratch_operands = 0 : i64, tpu.core_type = #tpu.core_type<tc>, window_params = [{transform_indices = @transform_0, window_bounds = array<i64: 1000, 128>}, {transform_indices = @transform_1, window_bounds = array<i64: 1000, 128>}, {transform_indices = @transform_2, window_bounds = array<i64: 2, 1000, 16>}, {pipeline_mode = #tpu.pipeline_mode<synchronous>, transform_indices = @transform_3, window_bounds = array<i64: 128, 128>}, {pipeline_mode = #tpu.pipeline_mode<synchronous>, transform_indices = @transform_4, window_bounds = array<i64: 128, 128>}, {pipeline_mode = #tpu.pipeline_mode<synchronous>, transform_indices = @transform_5, window_bounds = array<i64: 128, 128>}, {pipeline_mode = #tpu.pipeline_mode<synchronous>, transform_indices = @transform_6, window_bounds = array<i64: 128, 128>}, {transform_indices = @transform_7, window_bounds = array<i64: 1000, 128>}]} {
    %get3A = arith.constant 0 : index
    %get3A_0 = arith.constant 0 : index
    %get3A_1 = vector.load %arg1[%get3A, %get3A_0] : memref<1000x128xf32, #tpu.memory_space<vmem>>, vector<1000x128xf32>
    %get3A_2 = arith.constant 0 : index
    %get3A_3 = arith.constant 0 : index
    %get3A_4 = arith.constant 0 : index
    %get3A_5 = vector.load %arg3[%get3A_2, %get3A_3, %get3A_4] : memref<2x1000x16xf32, #tpu.memory_space<vmem>>, vector<1x1000x1xf32>
    %get3A_6 = vector.shape_cast %get3A_5 : vector<1x1000x1xf32> to vector<1000x1xf32>
    %get3A_7 = arith.constant 1 : index
    %get3A_8 = arith.constant 0 : index
    %get3A_9 = arith.constant 0 : index
    %get3A_10 = vector.load %arg3[%get3A_7, %get3A_8, %get3A_9] : memref<2x1000x16xf32, #tpu.memory_space<vmem>>, vector<1x1000x1xf32>
    %get3A_11 = vector.shape_cast %get3A_10 : vector<1x1000x1xf32> to vector<1000x1xf32>
    %add3A = arith.addf %get3A_6, %get3A_11 : vector<1000x1xf32>
    %get3A_12 = arith.constant 0 : index
    %get3A_13 = arith.constant 0 : index
    %get3A_14 = vector.load %arg2[%get3A_12, %get3A_13] : memref<1000x128xf32, #tpu.memory_space<vmem>>, vector<1000x128xf32>
    %get3A_15 = arith.constant 0 : index
    %get3A_16 = arith.constant 0 : index
    %get3A_17 = vector.load %arg4[%get3A_15, %get3A_16] : memref<128x128xf32, #tpu.memory_space<vmem>>, vector<128x128xf32>
    %dot_general3A = arith.constant dense<0.000000e+00> : vector<1000x128xf32>
    %dot_general3A_18 = tpu.matmul %get3A_14, %get3A_17, %dot_general3A {dimension_numbers = #tpu.dot_dimension_numbers<[1], [0], [0], [1], [0, 0, 1, 1], [], []>, transpose_lhs_hint = false} : vector<1000x128xf32>, vector<128x128xf32>, vector<1000x128xf32> -> vector<1000x128xf32>
    %mul3A = vector.broadcast %add3A : vector<1000x1xf32> to vector<1000x128xf32>
    %mul3A_19 = arith.mulf %get3A_1, %mul3A : vector<1000x128xf32>
    %get3A_20 = arith.constant 0 : index
    %get3A_21 = arith.constant 0 : index
    %get3A_22 = vector.load %arg5[%get3A_20, %get3A_21] : memref<128x128xf32, #tpu.memory_space<vmem>>, vector<128x128xf32>
    %dot_general3A_23 = arith.constant dense<0.000000e+00> : vector<1000x128xf32>
    %dot_general3A_24 = tpu.matmul %mul3A_19, %get3A_22, %dot_general3A_23 {dimension_numbers = #tpu.dot_dimension_numbers<[1], [0], [0], [1], [0, 0, 1, 1], [], []>, transpose_lhs_hint = false} : vector<1000x128xf32>, vector<128x128xf32>, vector<1000x128xf32> -> vector<1000x128xf32>
    %add3A_25 = arith.addf %dot_general3A_18, %dot_general3A_24 : vector<1000x128xf32>
    %mul3A_26 = arith.constant 0.111111112 : f32
    %mul3A_27 = vector.broadcast %mul3A_26 : f32 to vector<1000x128xf32>
    %mul3A_28 = arith.mulf %add3A_25, %mul3A_27 : vector<1000x128xf32>
    %max3A = arith.constant 0.000000e+00 : f32
    %max3A_29 = vector.broadcast %max3A : f32 to vector<1000x128xf32>
    %max3A_30 = arith.maximumf %get3A_1, %max3A_29 : vector<1000x128xf32>
    %get3A_31 = arith.constant 0 : index
    %get3A_32 = arith.constant 0 : index
    %get3A_33 = vector.load %arg6[%get3A_31, %get3A_32] : memref<128x128xf32, #tpu.memory_space<vmem>>, vector<128x128xf32>
    %dot_general3A_34 = arith.constant dense<0.000000e+00> : vector<1000x128xf32>
    %dot_general3A_35 = tpu.matmul %max3A_30, %get3A_33, %dot_general3A_34 {dimension_numbers = #tpu.dot_dimension_numbers<[1], [0], [0], [1], [0, 0, 1, 1], [], []>, transpose_lhs_hint = false} : vector<1000x128xf32>, vector<128x128xf32>, vector<1000x128xf32> -> vector<1000x128xf32>
    %max3A_36 = arith.constant 0.000000e+00 : f32
    %max3A_37 = vector.broadcast %max3A_36 : f32 to vector<1000x128xf32>
    %max3A_38 = arith.maximumf %mul3A_28, %max3A_37 : vector<1000x128xf32>
    %get3A_39 = arith.constant 0 : index
    %get3A_40 = arith.constant 0 : index
    %get3A_41 = vector.load %arg7[%get3A_39, %get3A_40] : memref<128x128xf32, #tpu.memory_space<vmem>>, vector<128x128xf32>
    %dot_general3A_42 = arith.constant dense<0.000000e+00> : vector<1000x128xf32>
    %dot_general3A_43 = tpu.matmul %max3A_38, %get3A_41, %dot_general3A_42 {dimension_numbers = #tpu.dot_dimension_numbers<[1], [0], [0], [1], [0, 0, 1, 1], [], []>, transpose_lhs_hint = false} : vector<1000x128xf32>, vector<128x128xf32>, vector<1000x128xf32> -> vector<1000x128xf32>
    %add3A_44 = arith.addf %dot_general3A_35, %dot_general3A_43 : vector<1000x128xf32>
    %swap3A = arith.constant 0 : index
    %swap3A_45 = arith.constant 0 : index
    %swap3A_46 = vector.load %arg8[%swap3A, %swap3A_45] : memref<1000x128xf32, #tpu.memory_space<vmem>>, vector<1000x128xf32>
    tpu.vector_store %arg8[%swap3A, %swap3A_45], %add3A_44 {strides = array<i32>} : memref<1000x128xf32, #tpu.memory_space<vmem>>, vector<1000x128xf32>,
    return
  }
  func.func @transform_0(%arg0: i32) -> (i32, i32) {
    %c0_i32 = arith.constant 0 : i32
    %c0_i32_0 = arith.constant 0 : i32
    return %arg0, %c0_i32 : i32, i32
  }
  func.func @transform_1(%arg0: i32) -> (i32, i32) {
    %c0_i32 = arith.constant 0 : i32
    %c0_i32_0 = arith.constant 0 : i32
    return %arg0, %c0_i32 : i32, i32
  }
  func.func @transform_2(%arg0: i32) -> (i32, i32, i32) {
    %c0_i32 = arith.constant 0 : i32
    %c0_i32_0 = arith.constant 0 : i32
    %c0_i32_1 = arith.constant 0 : i32
    return %c0_i32, %arg0, %c0_i32_0 : i32, i32, i32
  }
  func.func @transform_3(%arg0: i32) -> (i32, i32) {
    %c0_i32 = arith.constant 0 : i32
    %c0_i32_0 = arith.constant 0 : i32
    %c0_i32_1 = arith.constant 0 : i32
    return %c0_i32, %c0_i32_0 : i32, i32
  }
  func.func @transform_4(%arg0: i32) -> (i32, i32) {
    %c0_i32 = arith.constant 0 : i32
    %c0_i32_0 = arith.constant 0 : i32
    %c0_i32_1 = arith.constant 0 : i32
    return %c0_i32, %c0_i32_0 : i32, i32
  }
  func.func @transform_5(%arg0: i32) -> (i32, i32) {
    %c0_i32 = arith.constant 0 : i32
    %c0_i32_0 = arith.constant 0 : i32
    %c0_i32_1 = arith.constant 0 : i32
    return %c0_i32, %c0_i32_0 : i32, i32
  }
  func.func @transform_6(%arg0: i32) -> (i32, i32) {
    %c0_i32 = arith.constant 0 : i32
    %c0_i32_0 = arith.constant 0 : i32
    %c0_i32_1 = arith.constant 0 : i32
    return %c0_i32, %c0_i32_0 : i32, i32
  }
  func.func @transform_7(%arg0: i32) -> (i32, i32) {
    %c0_i32 = arith.constant 0 : i32
    %c0_i32_0 = arith.constant 0 : i32
    return %arg0, %c0_i32 : i32, i32
  }
}

</mosaic_0001>

<sc_bundles>
// kernel: kernel.4.cloned.1.call-start
scs
__scs_entry_jumppad:
0x0: {  	(pc) =	sbr.rel $0x88, $3  }
0x1: {  	(tag) =	ssettag $0x0;
	lr =	simm.s32 $0x1  }
0x2: {  	[smem:$0x3F9D] =	sst lr;
	_ =	strace $0xD0000000  }
0x3: {  	_ = 	snop  }
0x4: {  	_ = 	snop  }
0x5: {  	_ = 	snop  }
0x6: {  	_ = 	snop  }
0x7: {  	_ = 	snop  }
__scs_overlays_trampoline_lowered:
0x8: {  	[smem:$0x3FAC] =	sst s0  }
0x9: {  	[smem:$0x3FAD] =	sst s1  }
0xa: {  	[smem:$0x3FAE] =	sst s2  }
0xb: {  	[smem:$0x3FAF] =	sst s3  }
0xc: {  	[smem:$0x3FB0] =	sst s4  }
0xd: {  	[smem:$0x3FB1] =	sst s5  }
0xe: {  	[smem:$0x3FB2] =	sst s6  }
0xf: {  	[smem:$0x3FB3] =	sst s7  }
0x10: {  	[smem:$0x3FB4] =	sst s8  }
0x11: {  	[smem:$0x3FB5] =	sst s9;
	s0 =	simm.s32 @!p0 $0x0  }
0x12: {  	s1 =	sld [smem:$0x3F9B];
	s0 =	simm.s32 @p0 $0x1  }
0x13: {  	[smem:$0x3FB6] =	sst s0;
	s0 =	simm.s32 @!p1 $0x0  }
0x14: {  	s2 =	sld [smem:$0x3F9A];
	s0 =	simm.s32 @p1 $0x1  }
0x15: {  	[smem:$0x3FB7] =	sst s0;
	s0 =	simm.s32 @!p2 $0x0  }
0x16: {  	s3 =	sld [smem:$0x3FDB];
	s0 =	simm.s32 @p2 $0x1  }
0x17: {  	s4 =	simm.s32 $0x1BF5;
	[smem:$0x3FB9] =	sst s0  }
0x18: {  	s0 =	sld [smem:$0x3F9C];
	_ =	swait.ge [sflag:s4], $0x0  }
0x19: {  	s7 =	sld [smem:$0x3F9D]  }
0x1a: {  	s8 =	sadd.s32 $0xFFFFE003, lr  }
0x1b: {  	s9 =	sadd.s32 $0xFFFFFEF7, lr;
	s5 =	simm.s32 $0xFFFFFFFF;
	p2 =	slt.u32 s8, $0xFFFFF086  }
0x1c: {  	p1 =	slt.u32 s9, $0xF7A;
	s5 =	simm.s32 @!p2 $0x0  }
0x1d: {  	s5 =	simm.s32 @p1 $0x1;
	p0 =	seq.s32 s7, s2  }
0x1e: {  	s7 =	smul.u32 @!p0 $0xF7A, s2;
	p2 =	seq.s32 @!p0 s5, $0x0  }
0x1f: {  	s9 =	smul.u32 $0xF7A, s1;
	s8 =	simm.s32 @!p0 $0x1BF5;
	p2 =	por !p2, p0  }
0x20: {  	[sflag:s8] =	ssyncset.s32 @!p0 $0xFFFFF086;
	s6 =	sadd.s32 @!p0 s3, s7;
	s7 =	simm.s32 @!p0 $0x108  }
0x21: {  	s3 =	sadd.s32 s3, s9;
	s6 =	sadd.s32 @!p0 $0x88, s6;
	s7 =	simm.s32 @p2 $0x1082  }
0x22: {  	[simem:s7], [sflag:s8] =	dma.local @!p0 [hbm:s6], $0xF7A  }
0x23: {  	s9 =	sor.u32 $0xD0000000, s2;
	s6 =	simm.s32 $0x108;
	_ =	swait.ge @!p0 [sflag:s8], $0x0  }
0x24: {  	s3 =	sadd.s32 $0x88, s3;
	s6 =	simm.s32 @!p1 $0x1082;
	[sflag:s4] =	ssyncset.s32 $0xFFFFF086  }
0x25: {  	[simem:s6], [sflag:s4] =	dma.local [hbm:s3], $0xF7A  }
0x26: {  	[smem:$0x3F9D] =	sst s1;
	(tag) =	ssettag s2;
	_ =	strace s9  }
0x27: {  	s1 =	sld [smem:$0x3FAD]  }
0x28: {  	s2 =	sld [smem:$0x3FAE]  }
0x29: {  	s4 =	sld [smem:$0x3FB0]  }
0x2a: {  	p0 =	seq.s32 s5, $0x0;
	s5 =	sld [smem:$0x3FB1]  }
0x2b: {  	s6 =	sld [smem:$0x3FB2]  }
0x2c: {  	s7 =	sld [smem:$0x3FB3]  }
0x2d: {  	s3 =	simm.s32 $0x108;
	s8 =	sld [smem:$0x3FB4]  }
0x2e: {  	s3 =	simm.s32 @!p0 $0x1082;
	s9 =	sld [smem:$0x3FB5]  }
0x2f: {  	lr =	sadd.s32 s0, s3;
	s0 =	sld [smem:$0x3FAC]  }
0x30: {  	s3 =	sld [smem:$0x3FAF]  }
0x31: {  	[smem:$0x3FB8] =	sst s10  }
0x32: {  	s10 =	sld [smem:$0x3FB6];
	_ =	sdelay $0x3  }
0x33: {  	p0 =	seq.s32 s10, $0x1;
	s10 =	sld [smem:$0x3FB8];
	_ =	sdelay $0x3  }
0x34: {  	[smem:$0x3FB8] =	sst s10  }
0x35: {  	s10 =	sld [smem:$0x3FB7];
	_ =	sdelay $0x3  }
0x36: {  	p1 =	seq.s32 s10, $0x1;
	s10 =	sld [smem:$0x3FB8];
	_ =	sdelay $0x3  }
0x37: {  	[smem:$0x3FB8] =	sst s10  }
0x38: {  	s10 =	sld [smem:$0x3FB9]  }
0x39: {  	_ = 	snop;
	(pc) =	sbr.ind lr, $3  }
0x3a: {  	_ = 	snop  }
0x3b: {  	_ = 	snop  }
0x3c: {  	p2 =	seq.s32 s10, $0x1;
	s10 =	sld [smem:$0x3FB8]  }
0x3d: {  	_ =	shalt  }
0x3e: {  	_ =	shalt  }
0x3f: {  	_ =	shalt  }
0x40: {  	_ =	shalt  }
0x41: {  	_ =	shalt  }
0x42: {  	_ =	shalt  }
0x43: {  	_ =	shalt  }
0x44: {  	_ =	shalt  }
0x45: {  	_ =	shalt  }
0x46: {  	_ =	shalt  }
0x47: {  	_ =	shalt  }
0x48: {  	_ =	shalt  }
0x49: {  	_ =	shalt  }
0x4a: {  	_ =	shalt  }
0x4b: {  	_ =	shalt  }
0x4c: {  	_ =	shalt  }
0x4d: {  	_ =	shalt  }
0x4e: {  	_ =	shalt  }
0x4f: {  	_ =	shalt  }
0x50: {  	_ =	shalt  }
0x51: {  	_ =	shalt  }
0x52: {  	_ =	shalt  }
0x53: {  	_ =	shalt  }
0x54: {  	_ =	shalt  }
0x55: {  	_ =	shalt  }
0x56: {  	_ =	shalt  }
0x57: {  	_ =	shalt  }
0x58: {  	_ =	shalt  }
0x59: {  	_ =	shalt  }
0x5a: {  	_ =	shalt  }
0x5b: {  	_ =	shalt  }
0x5c: {  	_ =	shalt  }
0x5d: {  	_ =	shalt  }
0x5e: {  	_ =	shalt  }
0x5f: {  	_ =	shalt  }
0x60: {  	_ =	shalt  }
0x61: {  	_ =	shalt  }
0x62: {  	_ =	shalt  }
0x63: {  	_ =	shalt  }
0x64: {  	_ =	shalt  }
0x65: {  	_ =	shalt  }
0x66: {  	_ =	shalt  }
0x67: {  	_ =	shalt  }
0x68: {  	_ =	shalt  }
0x69: {  	_ =	shalt  }
0x6a: {  	_ =	shalt  }
0x6b: {  	_ =	shalt  }
0x6c: {  	_ =	shalt  }
0x6d: {  	_ =	shalt  }
0x6e: {  	_ =	shalt  }
0x6f: {  	_ =	shalt  }
0x70: {  	_ =	shalt  }
0x71: {  	_ =	shalt  }
0x72: {  	_ =	shalt  }
0x73: {  	_ =	shalt  }
0x74: {  	_ =	shalt  }
0x75: {  	_ =	shalt  }
0x76: {  	_ =	shalt  }
0x77: {  	_ =	shalt  }
0x78: {  	_ =	shalt  }
0x79: {  	_ =	shalt  }
0x7a: {  	_ =	shalt  }
0x7b: {  	_ =	shalt  }
0x7c: {  	_ =	shalt  }
0x7d: {  	_ =	shalt  }
0x7e: {  	_ =	shalt  }
0x7f: {  	_ =	shalt  }
0x80: {  	_ =	shalt  }
0x81: {  	_ =	shalt  }
0x82: {  	_ =	shalt  }
0x83: {  	_ =	shalt  }
0x84: {  	_ =	shalt  }
0x85: {  	_ =	shalt  }
0x86: {  	_ =	shalt  }
0x87: {  	_ =	shalt  }
.Lfunc_end0:
.L_simem_size_0:
called_computation_lowered:
.L_overlay_start_0:
0x88: {  	s2 =	sld [smem:$0x3FD9]  }
0x89: {  	s3 =	sld [smem:$0x3FFE];
	_ =	sdelay $0x1  }
0x8a: {  	s1 =	srdreg.scid  }
0x8b: {  	s0 =	sand.u32 $0x1, s1  }
0x8c: {  	s17 =	sshll.u32 s0, $0xA;
	s2 =	sadd.s32 s3, s2  }
0x8d: {  	s2 =	sadd.s32 s2, s17  }
0x8e: {  	[smem:$0x3FC4] =	sst s2  }
0x8f: {  	_ = 	snop  }
0x90: {  	s2 =	sld [smem:$0x3FC9]  }
0x91: {  	s18 =	sld [smem:$0x3FD0];
	(tm) =	ssettm $0x1  }
0x92: {  	s4 =	sld [smem:$0x3FFB];
	_ =	sdelay $0x3  }
0x93: {  	_ =	strace s4  }
0x94: {  	s4 =	sld [smem:$0x3FFC];
	_ =	sdelay $0x3  }
0x95: {  	_ =	strace s4  }
0x96: {  	s4 =	sld [smem:$0x3FFD];
	_ =	sdelay $0x3  }
0x97: {  	_ =	strace s4  }
0x98: {  	_ =	strace $0x8FFFFFFF  }
0x99: {  	s19 =	sld [smem:$0x3FDB];
	_ =	sdelay $0x1  }
0x9a: {  	s5 =	simm.s32 $_scs_section_size  }
0x9b: {  	s6 =	simm.s32 $_size__tile_overlayer_lowered;
	s7 =	simm.s32 $_tile_overlayer_lowered  }
0x9c: {  	s22 =	simm.s32 $0x1BFF;
	s21 =	sshll.u32 s7, $0x1;
	s4 =	sadd.s32 s5, s19  }
0x9d: {  	s8 =	simm.s32 $0x0;
	s20 =	sshll.u32 s6, $0x1;
	s6 =	sadd.s32 s21, s4  }
0x9e: {  	[timem:s8], [sflag:s22] =	dma.local [hbm:s6], s20  }
0x9f: {  	_ =	swait.ge [sflag:s22], s20  }
0xa0: {  	s5 =	ssub.s32 $0x0, s20;
	[sflag:s22] =	ssyncset.done $0x0  }
0xa1: {  	[sflag:s22] =	ssyncadd.s32 s5;
	_ =	sdelay $0x1  }
0xa2: {  	s23 =	simm.s32 $0x1B8B  }
0xa3: {  	_ =	swait.ge [sflag:s23], $0x1  }
0xa4: {  	[sflag:s23] =	ssyncset.done $0x0  }
0xa5: {  	s25 =	simm.s32 $0x1B8E;
	s24 =	sld [smem:$0x3FFE];
	[sflag:s23] =	ssyncadd.s32 $0xFFFFFFFF  }
0xa6: {  	s26 =	simm.s32 $execute0_lowered;
	[smem:$0x3FD2] =	sst s25  }
0xa7: {  	s6 =	sshll.u32 s26, $0x1;
	_ =	strace $0x80000046;
	[dreg:$0x1] =	wrdreg $0xFFFFFFFF  }
0xa8: {  	s28 =	simm.s32 $_size_execute0_lowered;
	s4 =	sadd.s32 s4, s6;
	[dreg:$0x0] =	wrdreg $0x0  }
0xa9: {  	s6 =	sshll.u32 s28, $0x1;
	[dreg:$0x2] =	wrdreg s4  }
0xaa: {  	[dreg:$0x3] =	wrdreg s6  }
0xab: {  	[dreg:$0x4] =	wrdreg $0xC0  }
0xac: {  	_ =	task [dreg:s8], $0x5FFFF  }
0xad: {  	[dreg:$0x1] =	wrdreg $0xFFFFFFFF  }
0xae: {  	[dreg:$0x0] =	wrdreg $0x60  }
0xaf: {  	[dreg:$0x2] =	wrdreg s2  }
0xb0: {  	[dreg:$0x3] =	wrdreg s24  }
0xb1: {  	[dreg:$0x4] =	wrdreg s18  }
0xb2: {  	[dreg:$0x5] =	wrdreg $0x119400  }
0xb3: {  	[dreg:$0x6] =	wrdreg $0x1B5C00  }
0xb4: {  	[dreg:$0x7] =	wrdreg $0x9  }
0xb5: {  	_ =	task.clear_ibuf [dreg:s8], $0x8FFFF;
	_ =	strace $0x90000046  }
0xb6: {  	s29 =	simm.s32 $0x9;
	_ =	strace $0x80000048  }
0xb7: {  	_ =	swait.ge [sflag:s29], $0x1  }
0xb8: {  	[sflag:s29] =	ssyncadd.s32 $0xFFFFFFFF  }
0xb9: {  	_ =	strace $0x90000048  }
0xba: {  	_ =	sfence  }
0xbb: {  	s30 =	sld [smem:$0x0];
	_ =	sdelay $0x2  }
0xbc: {  	s31 =	sshll.u32 s1, $0xD;
	s1 =	sshrl.u32 s1, $0x2  }
0xbd: {  	s3 =	sand.u32 $0x4000, s31;
	s1 =	sadd.s32 s1, s30  }
0xbe: {  	s0 =	sor.u32 s3, s0;
	s1 =	sshll.u32 s1, $0x11  }
0xbf: {  	s0 =	sor.u32 s1, s0  }
0xc0: {  	s0 =	sadd.s32 $0x8F2B, s0  }
0xc1: {  	[sflag:s0] =	ssyncadd.remote.s32 $0x1  }
0xc2: {  	_ =	sfence.sel $0xFFFF  }
0xc3: {  	[dreg:$0x0] =	wrdreg $0xFFFFFFFF;
	(pc) =	sbr.abs _section_cstart, $3  }
0xc4: {  	[dreg:$0x1] =	wrdreg $0xFFFFFFFF  }
0xc5: {  	_ =	task.clear_ibuf [dreg:s8], $0x2FFFF;
	_ =	strace $0x9FFFFFFF  }
0xc6: {  	(tm) =	ssettm $0x7FFFFFFF  }
0xc7: {  	_ =	shalt  }
tec
execute0_lowered:
.L_overlay_start_1:
0x0: {  	(tag) =	ssettag $0x1  }
0x1: {  	s2 =	rddreg [dreg:$0x1]  }
0x2: {  	s5 =	rddreg [dreg:$0x2]  }
0x3: {  	s3 =	rddreg [dreg:$0x3]  }
0x4: {  	s1 =	rddreg [dreg:$0x4];
	s13 =	stileid.u32  }
0x5: {  	s0 =	srdreg.scid;
	s15 =	simm.s32 $0x0;
	s6 =	smul.u32 $0x9C4, s13  }
0x6: {  	s30 =	simm.s32 $0x50;
	s29 =	simm.s32 $0x4;
	s7 =	smul.u32 $0x13900, s13  }
0x7: {  	s0 =	sand.u32 $0x1, s0;
	s8 =	smul.u32 $0x2720, s13;
	[smem:$0x7FF] =	sst s15  }
0x8: {  	s28 =	smov.u32 s1;
	s9 =	sshll.u32 s0, $0x6;
	s10 =	smul.u32 $0x27200, s0  }
0x9: {  	_ =	strace $0x80000047;
	s12 =	ssub.s32 $0x2, s0;
	p0 =	sne.s32 s0, $0x0  }
0xa: {  	p1 =	seq.s32 s0, $0x0;
	s11 =	sadd.s32 s6, s2;
	s7 =	sor.u32 s9, s7  }
0xb: {  	s21 =	sshrl.u32 s12, $0x1;
	s20 =	sadd.s32 s8, s10;
	s10 =	smul.u32 $0x272, s13  }
0xc: {  	s5 =	sadd.s32 s5, s6;
	s7 =	sshrl.u32 s7, $0x3;
	s13 =	smul.u32 $0x27200, s13  }
0xd: {  	[dreg:$0x12] =	wrdreg s5;
	s9 =	sshrl.u32 s20, $0x3;
	s7 =	sadd.s32 s7, s2  }
0xe: {  	s20 =	sadd.s32 s8, s1;
	s2 =	sadd.s32 s9, s2;
	s9 =	ssub.s32 s12, s21  }
0xf: {  	s22 =	sshrl.u32 s13, $0x2;
	s23 =	sadd.s32 $0x50, s10;
	s26 =	sadd.s32 $0xA0, s10  }
0x10: {  	s4 =	sadd.s32 $0xF0, s10;
	s21 =	sadd.s32 $0x140, s10;
	s6 =	sadd.s32 $0x1E0, s10  }
0x11: {  	s12 =	sadd.s32 $0x230, s10;
	[dreg:$0x8] =	wrdreg s20;
	s18 =	sadd.s32 s22, s3  }
0x12: {  	s24 =	sshll.u32 s23, $0x6;
	s25 =	sshll.u32 s23, $0x4;
	s2 =	sadd.s32 $0xAE00, s2  }
0x13: {  	s31 =	sshll.u32 s26, $0x6;
	s14 =	sshll.u32 s26, $0x4;
	[dreg:$0x1a] =	wrdreg s2  }
0x14: {  	s16 =	sshll.u32 s4, $0x6;
	s8 =	sadd.s32 s24, s3;
	[dreg:$0x7] =	wrdreg s18  }
0x15: {  	s26 =	sshll.u32 s21, $0x6;
	s17 =	sadd.s32 s16, s3;
	[dreg:$0x9] =	wrdreg s8  }
0x16: {  	s19 =	sshll.u32 s4, $0x4;
	s13 =	sadd.s32 s26, s3;
	[dreg:$0xd] =	wrdreg s17  }
0x17: {  	s5 =	sshll.u32 s6, $0x4;
	s26 =	sadd.s32 $0x14C00, s7;
	[dreg:$0xf] =	wrdreg s13  }
0x18: {  	s22 =	sadd.s32 s25, s1;
	s23 =	sadd.s32 s14, s1;
	[dreg:$0x19] =	wrdreg s26  }
0x19: {  	s24 =	sadd.s32 s19, s1;
	s25 =	sadd.s32 $0x190, s10;
	[dreg:$0xa] =	wrdreg s22  }
0x1a: {  	s16 =	sshll.u32 s12, $0x6;
	s10 =	sadd.s32 s5, s1;
	[dreg:$0xc] =	wrdreg s23  }
0x1b: {  	s19 =	sshll.u32 s12, $0x4;
	s7 =	simm.s32 $0xE;
	[dreg:$0xe] =	wrdreg s24  }
0x1c: {  	s12 =	simm.s32 $0xB040;
	s8 =	sadd.s32 s31, s3;
	[dreg:$0x15] =	wrdreg s10  }
0x1d: {  	s14 =	sshll.u32 s25, $0x6;
	s17 =	sadd.s32 s16, s3;
	[dreg:$0xb] =	wrdreg s8  }
0x1e: {  	s4 =	sshll.u32 s25, $0x4;
	s31 =	sadd.s32 s14, s3;
	[dreg:$0x16] =	wrdreg s17  }
0x1f: {  	s8 =	sshll.u32 s21, $0x4;
	s21 =	sadd.s32 $0x1000, s11;
	[dreg:$0x11] =	wrdreg s31  }
0x20: {  	s25 =	sadd.s32 s4, s1;
	s14 =	sshll.u32 s6, $0x6;
	[dreg:$0x18] =	wrdreg s21  }
0x21: {  	s13 =	sadd.s32 s8, s1;
	s8 =	sadd.s32 s14, s3;
	[dreg:$0x13] =	wrdreg s25  }
0x22: {  	s16 =	simm.s32 $0xD840;
	s31 =	smax.u32 s9, $0x1;
	[dreg:$0x14] =	wrdreg s8  }
0x23: {  	s11 =	simm.s32 $0x2;
	s9 =	simm.s32 $0x9C40;
	[dreg:$0x1b] =	wrdreg s31  }
0x24: {  	v0 =	vimm.f32 $0.0e+00;
	vm0 =	vcmask $0x300;
	s14 =	simm.s32 $0xC440;
	s8 =	sadd.s32 s19, s1;
	[dreg:$0x10] =	wrdreg s13  }
0x25: {  	v2 =	vsel vm0, $0x3F800000, v0;
	v1 =	vmov s0;
	s21 =	simm.s32 $0x3;
	s19 =	simm.s32 $0x10040;
	[dreg:$0x17] =	wrdreg s8  }
.LBB2_1:
0x26: {  	s0 =	simm.s32 $0x0  }
.LBB2_2:
0x27: {  	p2 =	sne.s32 s0, $0x13C0  }
.Ltmp0:
0x28: {  	_ = 	snop;
	(pc) =	sbr.rel @p2 .LBB2_2-.Ltmp0, $3  }
0x29: {  	_ =	sdelay $0x1  }
0x2a: {  	s2 =	sshra.s32 s0, $0x2  }
0x2b: {  	s0 =	sadd.s32 $0x40, s0;
	[tilespmem:s2+$0x11440] =	vst v2  }
0x2c: {  	s0 =	simm.s32 $0x0  }
0x2d: {  	s2 =	sand.u32 $0x7F00, s0  }
0x2e: {  	s17 =	simm.s32 $0xEC40;
	s5 =	sand.u32 $0x30, s0;
	s6 =	sshrl.u32 s2, $0x2  }
0x2f: {  	s31 =	simm.s32 $0x5;
	s2 =	simm.s32 $0x40;
	s5 =	sor.u32 s5, s6  }
.LBB2_4:
0x30: {  	p2 =	sne.s32 s2, $0x4FC0  }
0x31: {  	[tilespmem:s5+$0x9C40] =	vst v0;
	s0 =	sadd.s32 $0x10, s0;
	s5 =	smov.u32 s2;
	s2 =	sadd.s32 $0x40, s2  }
.Ltmp1:
0x32: {  	(pc) =	sbr.rel @p2 .LBB2_4-.Ltmp1, $4  }
0x33: {  	_ = 	snop  }
0x34: {  	s5 =	sand.u32 $0x7F00, s5  }
0x35: {  	s6 =	sand.u32 $0x30, s0;
	s5 =	sshrl.u32 s5, $0x2  }
0x36: {  	s5 =	sor.u32 s6, s5  }
0x37: {  	[tilespmem:s5+$0x9C40] =	vst v0;
	s0 =	simm.s32 $0x9C40  }
0x38: {  	[spmem:s18] =	stream.linear.scatter [tilespmem:s0], [sflag:$0xE], $0x1400, $0x38;
	[tilespmem:$0x1DCE0] =	vst v63  }
0x39: {  	_ =	swait.ge [sflag:s7], $0x1400  }
0x3a: {  	[sflag:s7] =	ssyncset.done $0x0  }
0x3b: {  	s2 =	sadd.s32 $0x0, s20;
	[sflag:s7] =	ssyncadd.s32 $0xFFFFEC00  }
0x3c: {  	[spmem:s2] =	stream.linear.scatter [tilespmem:s0], [sflag:$0xE], $0x10, $0x38;
	[tilespmem:$0x1DCE0] =	vst v63  }
0x3d: {  	s2 =	simm.s32 $0x40  }
.LBB2_6:
0x3e: {  	p2 =	sne.s32 s2, $0x13C0  }
.Ltmp2:
0x3f: {  	_ = 	snop;
	(pc) =	sbr.rel @p2 .LBB2_6-.Ltmp2, $4  }
0x40: {  	_ = 	snop  }
0x41: {  	s5 =	sshra.s32 s2, $0x2;
	s2 =	sadd.s32 $0x40, s2  }
0x42: {  	s0 =	sadd.s32 $0x40, s0;
	s5 =	sadd.s32 s5, s20  }
0x43: {  	[spmem:s5] =	stream.linear.scatter [tilespmem:s0], [sflag:$0xE], $0x10, $0x38;
	[tilespmem:$0x1DCE0] =	vst v63  }
0x44: {  	_ =	swait.ge [sflag:s7], $0x500  }
0x45: {  	[sflag:s7] =	ssyncset.done $0x0  }
0x46: {  	s0 =	simm.s32 $0x9C40;
	s2 =	rddreg [dreg:$0x9];
	[sflag:s7] =	ssyncadd.s32 $0xFFFFFB00  }
0x47: {  	[spmem:s2] =	stream.linear.scatter [tilespmem:s0], [sflag:$0xE], $0x1400, $0x38;
	[tilespmem:$0x1DCE0] =	vst v63  }
0x48: {  	_ =	swait.ge [sflag:s7], $0x1400  }
0x49: {  	[sflag:s7] =	ssyncset.done $0x0  }
0x4a: {  	s26 =	sadd.s32 $0x0, s22;
	s2 =	simm.s32 $0x40;
	[sflag:s7] =	ssyncadd.s32 $0xFFFFEC00  }
0x4b: {  	[spmem:s26] =	stream.linear.scatter [tilespmem:s0], [sflag:$0xE], $0x10, $0x38;
	[tilespmem:$0x1DCE0] =	vst v63  }
.LBB2_8:
0x4c: {  	p2 =	sne.s32 s2, $0x13C0  }
.Ltmp3:
0x4d: {  	_ = 	snop;
	(pc) =	sbr.rel @p2 .LBB2_8-.Ltmp3, $4  }
0x4e: {  	_ = 	snop  }
0x4f: {  	s5 =	sshra.s32 s2, $0x2;
	s2 =	sadd.s32 $0x40, s2  }
0x50: {  	s0 =	sadd.s32 $0x40, s0;
	s5 =	sadd.s32 s5, s22  }
0x51: {  	[spmem:s5] =	stream.linear.scatter [tilespmem:s0], [sflag:$0xE], $0x10, $0x38;
	[tilespmem:$0x1DCE0] =	vst v63  }
0x52: {  	_ =	swait.ge [sflag:s7], $0x500  }
0x53: {  	[sflag:s7] =	ssyncset.done $0x0  }
0x54: {  	s0 =	simm.s32 $0x9C40;
	s2 =	rddreg [dreg:$0xb];
	[sflag:s7] =	ssyncadd.s32 $0xFFFFFB00  }
0x55: {  	[spmem:s2] =	stream.linear.scatter [tilespmem:s0], [sflag:$0xE], $0x1400, $0x38;
	[tilespmem:$0x1DCE0] =	vst v63  }
0x56: {  	_ =	swait.ge [sflag:s7], $0x1400  }
0x57: {  	[sflag:s7] =	ssyncset.done $0x0  }
0x58: {  	s26 =	sadd.s32 $0x0, s23;
	s2 =	simm.s32 $0x40;
	[sflag:s7] =	ssyncadd.s32 $0xFFFFEC00  }
0x59: {  	[spmem:s26] =	stream.linear.scatter [tilespmem:s0], [sflag:$0xE], $0x10, $0x38;
	[tilespmem:$0x1DCE0] =	vst v63  }
.LBB2_10:
0x5a: {  	p2 =	sne.s32 s2, $0x13C0  }
.Ltmp4:
0x5b: {  	_ = 	snop;
	(pc) =	sbr.rel @p2 .LBB2_10-.Ltmp4, $4  }
0x5c: {  	_ = 	snop  }
0x5d: {  	s5 =	sshra.s32 s2, $0x2;
	s2 =	sadd.s32 $0x40, s2  }
0x5e: {  	s0 =	sadd.s32 $0x40, s0;
	s5 =	sadd.s32 s5, s23  }
0x5f: {  	[spmem:s5] =	stream.linear.scatter [tilespmem:s0], [sflag:$0xE], $0x10, $0x38;
	[tilespmem:$0x1DCE0] =	vst v63  }
0x60: {  	_ =	swait.ge [sflag:s7], $0x500  }
0x61: {  	[sflag:s7] =	ssyncset.done $0x0  }
0x62: {  	s0 =	simm.s32 $0x9C40;
	s2 =	rddreg [dreg:$0xd];
	[sflag:s7] =	ssyncadd.s32 $0xFFFFFB00  }
0x63: {  	[spmem:s2] =	stream.linear.scatter [tilespmem:s0], [sflag:$0xE], $0x1400, $0x38;
	[tilespmem:$0x1DCE0] =	vst v63  }
0x64: {  	_ =	swait.ge [sflag:s7], $0x1400  }
0x65: {  	[sflag:s7] =	ssyncset.done $0x0  }
0x66: {  	s26 =	sadd.s32 $0x0, s24;
	s2 =	simm.s32 $0x40;
	[sflag:s7] =	ssyncadd.s32 $0xFFFFEC00  }
0x67: {  	[spmem:s26] =	stream.linear.scatter [tilespmem:s0], [sflag:$0xE], $0x10, $0x38;
	[tilespmem:$0x1DCE0] =	vst v63  }
.LBB2_12:
0x68: {  	p2 =	sne.s32 s2, $0x13C0  }
.Ltmp5:
0x69: {  	_ = 	snop;
	(pc) =	sbr.rel @p2 .LBB2_12-.Ltmp5, $4  }
0x6a: {  	_ = 	snop  }
0x6b: {  	s5 =	sshra.s32 s2, $0x2;
	s2 =	sadd.s32 $0x40, s2  }
0x6c: {  	s0 =	sadd.s32 $0x40, s0;
	s5 =	sadd.s32 s5, s24  }
0x6d: {  	[spmem:s5] =	stream.linear.scatter [tilespmem:s0], [sflag:$0xE], $0x10, $0x38;
	[tilespmem:$0x1DCE0] =	vst v63  }
0x6e: {  	_ =	swait.ge [sflag:s7], $0x500  }
0x6f: {  	[sflag:s7] =	ssyncset.done $0x0  }
0x70: {  	s0 =	simm.s32 $0x9C40;
	s2 =	rddreg [dreg:$0xf];
	[sflag:s7] =	ssyncadd.s32 $0xFFFFFB00  }
0x71: {  	[spmem:s2] =	stream.linear.scatter [tilespmem:s0], [sflag:$0xE], $0x1400, $0x38;
	[tilespmem:$0x1DCE0] =	vst v63  }
0x72: {  	_ =	swait.ge [sflag:s7], $0x1400  }
0x73: {  	[sflag:s7] =	ssyncset.done $0x0  }
0x74: {  	s26 =	sadd.s32 $0x0, s13;
	s2 =	simm.s32 $0x40;
	[sflag:s7] =	ssyncadd.s32 $0xFFFFEC00  }
0x75: {  	[spmem:s26] =	stream.linear.scatter [tilespmem:s0], [sflag:$0xE], $0x10, $0x38;
	[tilespmem:$0x1DCE0] =	vst v63  }
.LBB2_14:
0x76: {  	p2 =	sne.s32 s2, $0x13C0  }
.Ltmp6:
0x77: {  	_ = 	snop;
	(pc) =	sbr.rel @p2 .LBB2_14-.Ltmp6, $4  }
0x78: {  	_ = 	snop  }
0x79: {  	s5 =	sshra.s32 s2, $0x2;
	s2 =	sadd.s32 $0x40, s2  }
0x7a: {  	s0 =	sadd.s32 $0x40, s0;
	s5 =	sadd.s32 s5, s13  }
0x7b: {  	[spmem:s5] =	stream.linear.scatter [tilespmem:s0], [sflag:$0xE], $0x10, $0x38;
	[tilespmem:$0x1DCE0] =	vst v63  }
0x7c: {  	_ =	swait.ge [sflag:s7], $0x500  }
0x7d: {  	[sflag:s7] =	ssyncset.done $0x0  }
0x7e: {  	s0 =	simm.s32 $0x9C40;
	s2 =	rddreg [dreg:$0x11];
	[sflag:s7] =	ssyncadd.s32 $0xFFFFFB00  }
0x7f: {  	[spmem:s2] =	stream.linear.scatter [tilespmem:s0], [sflag:$0xE], $0x1400, $0x38;
	[tilespmem:$0x1DCE0] =	vst v63  }
0x80: {  	_ =	swait.ge [sflag:s7], $0x1400  }
0x81: {  	[sflag:s7] =	ssyncset.done $0x0  }
0x82: {  	s26 =	sadd.s32 $0x0, s25;
	s2 =	simm.s32 $0x40;
	[sflag:s7] =	ssyncadd.s32 $0xFFFFEC00  }
0x83: {  	[spmem:s26] =	stream.linear.scatter [tilespmem:s0], [sflag:$0xE], $0x10, $0x38;
	[tilespmem:$0x1DCE0] =	vst v63  }
.LBB2_16:
0x84: {  	p2 =	sne.s32 s2, $0x13C0  }
.Ltmp7:
0x85: {  	_ = 	snop;
	(pc) =	sbr.rel @p2 .LBB2_16-.Ltmp7, $4  }
0x86: {  	_ = 	snop  }
0x87: {  	s5 =	sshra.s32 s2, $0x2;
	s2 =	sadd.s32 $0x40, s2  }
0x88: {  	s0 =	sadd.s32 $0x40, s0;
	s5 =	sadd.s32 s5, s25  }
0x89: {  	[spmem:s5] =	stream.linear.scatter [tilespmem:s0], [sflag:$0xE], $0x10, $0x38;
	[tilespmem:$0x1DCE0] =	vst v63  }
0x8a: {  	_ =	swait.ge [sflag:s7], $0x500  }
0x8b: {  	[sflag:s7] =	ssyncset.done $0x0  }
0x8c: {  	s0 =	simm.s32 $0x9C40;
	s2 =	rddreg [dreg:$0x14];
	[sflag:s7] =	ssyncadd.s32 $0xFFFFFB00  }
0x8d: {  	[spmem:s2] =	stream.linear.scatter [tilespmem:s0], [sflag:$0xE], $0x1400, $0x38;
	[tilespmem:$0x1DCE0] =	vst v63  }
0x8e: {  	_ =	swait.ge [sflag:s7], $0x1400  }
0x8f: {  	[sflag:s7] =	ssyncset.done $0x0  }
0x90: {  	s26 =	sadd.s32 $0x0, s10;
	s2 =	simm.s32 $0x40;
	[sflag:s7] =	ssyncadd.s32 $0xFFFFEC00  }
0x91: {  	[spmem:s26] =	stream.linear.scatter [tilespmem:s0], [sflag:$0xE], $0x10, $0x38;
	[tilespmem:$0x1DCE0] =	vst v63  }
.LBB2_18:
0x92: {  	p2 =	sne.s32 s2, $0x13C0  }
.Ltmp8:
0x93: {  	_ = 	snop;
	(pc) =	sbr.rel @p2 .LBB2_18-.Ltmp8, $4  }
0x94: {  	_ = 	snop  }
0x95: {  	s5 =	sshra.s32 s2, $0x2;
	s2 =	sadd.s32 $0x40, s2  }
0x96: {  	s0 =	sadd.s32 $0x40, s0;
	s5 =	sadd.s32 s5, s10  }
0x97: {  	[spmem:s5] =	stream.linear.scatter [tilespmem:s0], [sflag:$0xE], $0x10, $0x38;
	[tilespmem:$0x1DCE0] =	vst v63  }
0x98: {  	_ =	swait.ge [sflag:s7], $0x500  }
0x99: {  	[sflag:s7] =	ssyncset.done $0x0  }
0x9a: {  	s0 =	simm.s32 $0x9C40;
	s2 =	rddreg [dreg:$0x16];
	[sflag:s7] =	ssyncadd.s32 $0xFFFFFB00  }
0x9b: {  	[spmem:s2] =	stream.linear.scatter [tilespmem:s0], [sflag:$0xE], $0x1080, $0x38;
	[tilespmem:$0x1DCE0] =	vst v63  }
0x9c: {  	_ =	swait.ge [sflag:s7], $0x1080  }
0x9d: {  	[sflag:s7] =	ssyncset.done $0x0  }
0x9e: {  	s26 =	sadd.s32 $0x0, s8;
	s2 =	simm.s32 $0x40;
	[sflag:s7] =	ssyncadd.s32 $0xFFFFEF80  }
0x9f: {  	[spmem:s26] =	stream.linear.scatter [tilespmem:s0], [sflag:$0xE], $0x10, $0x38;
	[tilespmem:$0x1DCE0] =	vst v63  }
.LBB2_20:
0xa0: {  	p2 =	sne.s32 s2, $0x1040  }
.Ltmp9:
0xa1: {  	_ = 	snop;
	(pc) =	sbr.rel @p2 .LBB2_20-.Ltmp9, $4  }
0xa2: {  	_ = 	snop  }
0xa3: {  	s5 =	sshra.s32 s2, $0x2;
	s2 =	sadd.s32 $0x40, s2  }
0xa4: {  	s0 =	sadd.s32 $0x40, s0;
	s5 =	sadd.s32 s5, s8  }
0xa5: {  	[spmem:s5] =	stream.linear.scatter [tilespmem:s0], [sflag:$0xE], $0x10, $0x38;
	[tilespmem:$0x1DCE0] =	vst v63  }
0xa6: {  	[dreg:$0x6] =	wrdreg s15  }
0xa7: {  	_ =	swait.ge [sflag:s7], $0x420  }
0xa8: {  	[sflag:s7] =	ssyncset.done $0x0  }
0xa9: {  	[sflag:s7] =	ssyncadd.s32 $0xFFFFFBE0  }
0xaa: {  	[bflag:$0x0] =	sbarrier.arrive $0xFFFF  }
0xab: {  	s0 =	simm.s32 $0x0;
	s2 =	rddreg [dreg:$0x18]  }
0xac: {  	[tilespmem:s0], [sflag:$0xE] =	stream.linear.gather [hbm4b:s2+s0], $0x4E20, $0x38;
	[tilespmem:$0x1DCE0] =	vst v63  }
0xad: {  	_ =	swait.ge [sflag:s7], $0x4E20  }
0xae: {  	[sflag:s7] =	ssyncset.done $0x0  }
0xaf: {  	s5 =	simm.s32 $0x4E20;
	s26 =	rddreg [dreg:$0x12];
	[sflag:s7] =	ssyncadd.s32 $0xFFFFB1E0  }
0xb0: {  	[tilespmem:s5], [sflag:$0xE] =	stream.linear.gather [hbm4b:s26+s0], $0x4E20, $0x38;
	[tilespmem:$0x1DCE0] =	vst v63  }
0xb1: {  	_ =	swait.ge [sflag:s7], $0x4E20  }
0xb2: {  	[sflag:s7] =	ssyncset.done $0x0  }
0xb3: {  	s2 =	simm.s32 $0x40;
	s0 =	simm.s32 $0x0;
	[sflag:s7] =	ssyncadd.s32 $0xFFFFB1E0  }
.LBB2_22:
0xb4: {  	p2 =	sne.s32 s2, $0x13840;
	v3 =	vld [tilespmem:s0+$0x0];
	_ =	sdelay $0x2  }
.Ltmp10:
0xb5: {  	(pc) =	sbr.rel @p2 .LBB2_22-.Ltmp10, $4  }
0xb6: {  	_ = 	snop  }
0xb7: {  	v3 =	vshll.u32 v3, $0x1  }
0xb8: {  	v3 =	vor.u32 v1, v3  }
0xb9: {  	[tilespmem:s0+$0x0] =	vst v3;
	s0 =	sshra.s32 s2, $0x2;
	s2 =	sadd.s32 $0x40, s2  }
0xba: {  	v3 =	vld [tilespmem:s0+$0x0];
	_ =	sdelay $0x4  }
0xbb: {  	v3 =	vshll.u32 v3, $0x1  }
0xbc: {  	v3 =	vor.u32 v1, v3  }
0xbd: {  	s7 =	simm.s32 $0x0;
	s25 =	rddreg [dreg:$0x0];
	[tilespmem:s0+$0x0] =	vst v3  }
0xbe: {  	[tilespmem:s9], [sflag:$0x1] =	stream.indirect.gather [hbm4b:s25+s30], $0x40, s7, s30, $0xb8;
	[tilespmem:$0x1DCE0] =	vst v63  }
0xbf: {  	_ = 	snop  }
0xc0: {  	[tilespmem:s12], [sflag:$0x2] =	stream.indirect.gather [hbm4b:s25+s30], $0x40, s30, s30, $0xb8;
	[tilespmem:$0x1DCE0] =	vst v63  }
0xc1: {  	s8 =	simm.s32 $0xA0  }
0xc2: {  	[tilespmem:s14], [sflag:$0x3] =	stream.indirect.gather [hbm4b:s25+s30], $0x40, s8, s30, $0xb8;
	[tilespmem:$0x1DCE0] =	vst v63  }
0xc3: {  	s10 =	simm.s32 $0xF0  }
0xc4: {  	[tilespmem:s16], [sflag:$0x4] =	stream.indirect.gather [hbm4b:s25+s30], $0x40, s10, s30, $0xb8;
	[tilespmem:$0x1DCE0] =	vst v63  }
0xc5: {  	s13 =	simm.s32 $0x140  }
0xc6: {  	[tilespmem:s17], [sflag:$0x5] =	stream.indirect.gather [hbm4b:s25+s30], $0x40, s13, s30, $0xb8;
	[tilespmem:$0x1DCE0] =	vst v63  }
0xc7: {  	s15 =	simm.s32 $0x190;
	s10 =	simm.s32 $0x1  }
0xc8: {  	[tilespmem:s19], [sflag:$0x6] =	stream.indirect.gather [hbm4b:s25+s30], $0x40, s15, s30, $0xb8;
	[tilespmem:$0x1DCE0] =	vst v63  }
0xc9: {  	_ =	swait.ge [sflag:s10], $0x1400  }
0xca: {  	[sflag:s10] =	ssyncset.done $0x0  }
0xcb: {  	s0 =	simm.s32 $0x4E20;
	s7 =	simm.s32 @p0 $0x7;
	[sflag:s10] =	ssyncadd.s32 $0xFFFFEC00  }
0xcc: {  	[spmem:s3] =	stream.indirect.scatter.add.f32 [tilespmem:s9], [sflag:$0x7], $0x40, s0, s30, $0xb8;
	[tilespmem:$0x1DCE0] =	vst v63  }
0xcd: {  	_ =	swait.ge @p0 [sflag:s7], $0x1400  }
0xce: {  	s4 =	simm.s32 @!p0 $0x7;
	[sflag:s7] =	ssyncset.done @p0 $0x0  }
0xcf: {  	s2 =	simm.s32 @!p0 $0x50;
	s8 =	simm.s32 @!p0 $0x11440;
	[sflag:s7] =	ssyncadd.s32 @p0 $0xFFFFEC00  }
0xd0: {  	[spmem:s28] =	stream.indirect.scatter.add.f32 @!p0 [tilespmem:s8], [sflag:$0xD], $0x10, s0, s2, $0xb8;
	[tilespmem:$0x1DCE0] =	vst v63  }
0xd1: {  	_ =	swait.ge @!p0 [sflag:s4], $0x1400  }
0xd2: {  	[sflag:s4] =	ssyncset.done @!p0 $0x0  }
0xd3: {  	s24 =	simm.s32 @!p0 $0xD;
	[sflag:s4] =	ssyncadd.s32 @!p0 $0xFFFFEC00  }
0xd4: {  	_ =	swait.ge @!p0 [sflag:s24], $0x500  }
0xd5: {  	[sflag:s24] =	ssyncset.done @!p0 $0x0  }
0xd6: {  	s18 =	simm.s32 $0x1E0;
	[sflag:s24] =	ssyncadd.s32 @!p0 $0xFFFFFB00  }
0xd7: {  	[tilespmem:s9], [sflag:$0x1] =	stream.indirect.gather [hbm4b:s25+s30], $0x40, s18, s30, $0xb8;
	[tilespmem:$0x1DCE0] =	vst v63  }
0xd8: {  	_ =	swait.ge [sflag:s11], $0x1400  }
0xd9: {  	[sflag:s11] =	ssyncset.done $0x0  }
0xda: {  	s0 =	simm.s32 $0x4E70;
	[sflag:s11] =	ssyncadd.s32 $0xFFFFEC00;
	s11 =	simm.s32 @p1 $0x8  }
0xdb: {  	[spmem:s3] =	stream.indirect.scatter.add.f32 [tilespmem:s12], [sflag:$0x8], $0x40, s0, s30, $0xb8;
	[tilespmem:$0x1DCE0] =	vst v63  }
0xdc: {  	_ =	swait.ge @p1 [sflag:s11], $0x1400  }
0xdd: {  	s5 =	simm.s32 @!p1 $0x50;
	[sflag:s11] =	ssyncset.done @p1 $0x0  }
0xde: {  	s23 =	simm.s32 @!p1 $0x11440;
	s9 =	simm.s32 @!p1 $0x8;
	[sflag:s11] =	ssyncadd.s32 @p1 $0xFFFFEC00  }
0xdf: {  	[spmem:s28] =	stream.indirect.scatter.add.f32 @!p1 [tilespmem:s23], [sflag:$0xD], $0x10, s0, s5, $0xb8;
	[tilespmem:$0x1DCE0] =	vst v63  }
0xe0: {  	_ =	swait.ge @!p1 [sflag:s9], $0x1400  }
0xe1: {  	[sflag:s9] =	ssyncset.done @!p1 $0x0  }
0xe2: {  	s6 =	simm.s32 @!p1 $0xD;
	[sflag:s9] =	ssyncadd.s32 @!p1 $0xFFFFEC00  }
0xe3: {  	_ =	swait.ge @!p1 [sflag:s6], $0x500  }
0xe4: {  	[sflag:s6] =	ssyncset.done @!p1 $0x0  }
0xe5: {  	s20 =	simm.s32 $0x230;
	[sflag:s6] =	ssyncadd.s32 @!p1 $0xFFFFFB00  }
0xe6: {  	[tilespmem:s12], [sflag:$0x2] =	stream.indirect.gather [hbm4b:s25+s30], $0x40, s20, s30, $0xb8;
	[tilespmem:$0x1DCE0] =	vst v63  }
0xe7: {  	_ =	swait.ge [sflag:s21], $0x1400  }
0xe8: {  	[sflag:s21] =	ssyncset.done $0x0  }
0xe9: {  	s13 =	simm.s32 @p0 $0x9;
	s0 =	simm.s32 $0x4EC0;
	[sflag:s21] =	ssyncadd.s32 $0xFFFFEC00  }
0xea: {  	[spmem:s3] =	stream.indirect.scatter.add.f32 [tilespmem:s14], [sflag:$0x9], $0x40, s0, s30, $0xb8;
	[tilespmem:$0x1DCE0] =	vst v63  }
0xeb: {  	_ =	swait.ge @p0 [sflag:s13], $0x1400  }
0xec: {  	[sflag:s13] =	ssyncset.done @p0 $0x0  }
0xed: {  	s15 =	simm.s32 @!p0 $0x9;
	[sflag:s13] =	ssyncadd.s32 @p0 $0xFFFFEC00  }
0xee: {  	[spmem:s28] =	stream.indirect.scatter.add.f32 @!p0 [tilespmem:s8], [sflag:$0xD], $0x10, s0, s2, $0xb8;
	[tilespmem:$0x1DCE0] =	vst v63  }
0xef: {  	_ =	swait.ge @!p0 [sflag:s15], $0x1400  }
0xf0: {  	[sflag:s15] =	ssyncset.done @!p0 $0x0  }
0xf1: {  	[sflag:s15] =	ssyncadd.s32 @!p0 $0xFFFFEC00  }
0xf2: {  	_ =	swait.ge @!p0 [sflag:s24], $0x500  }
0xf3: {  	[sflag:s24] =	ssyncset.done @!p0 $0x0  }
0xf4: {  	s21 =	simm.s32 $0x280;
	[sflag:s24] =	ssyncadd.s32 @!p0 $0xFFFFFB00  }
0xf5: {  	[tilespmem:s14], [sflag:$0x3] =	stream.indirect.gather [hbm4b:s25+s30], $0x40, s21, s30, $0xb8;
	[tilespmem:$0x1DCE0] =	vst v63  }
0xf6: {  	_ =	swait.ge [sflag:s29], $0x1400  }
0xf7: {  	[sflag:s29] =	ssyncset.done $0x0  }
0xf8: {  	s18 =	simm.s32 @p1 $0xA;
	s0 =	simm.s32 $0x4F10;
	[sflag:s29] =	ssyncadd.s32 $0xFFFFEC00  }
0xf9: {  	[spmem:s3] =	stream.indirect.scatter.add.f32 [tilespmem:s16], [sflag:$0xA], $0x40, s0, s30, $0xb8;
	[tilespmem:$0x1DCE0] =	vst v63  }
0xfa: {  	_ =	swait.ge @p1 [sflag:s18], $0x1400  }
0xfb: {  	[sflag:s18] =	ssyncset.done @p1 $0x0  }
0xfc: {  	s20 =	simm.s32 @!p1 $0xA;
	[sflag:s18] =	ssyncadd.s32 @p1 $0xFFFFEC00  }
0xfd: {  	[spmem:s28] =	stream.indirect.scatter.add.f32 @!p1 [tilespmem:s23], [sflag:$0xD], $0x10, s0, s5, $0xb8;
	[tilespmem:$0x1DCE0] =	vst v63  }
0xfe: {  	_ =	swait.ge @!p1 [sflag:s20], $0x1400  }
0xff: {  	[sflag:s20] =	ssyncset.done @!p1 $0x0  }
0x100: {  	[sflag:s20] =	ssyncadd.s32 @!p1 $0xFFFFEC00  }
0x101: {  	_ =	swait.ge @!p1 [sflag:s6], $0x500  }
0x102: {  	[sflag:s6] =	ssyncset.done @!p1 $0x0  }
0x103: {  	s22 =	simm.s32 $0x2D0;
	[sflag:s6] =	ssyncadd.s32 @!p1 $0xFFFFFB00  }
0x104: {  	[tilespmem:s16], [sflag:$0x4] =	stream.indirect.gather [hbm4b:s25+s30], $0x40, s22, s30, $0xb8;
	[tilespmem:$0x1DCE0] =	vst v63  }
0x105: {  	_ =	swait.ge [sflag:s31], $0x1400  }
0x106: {  	[sflag:s31] =	ssyncset.done $0x0  }
0x107: {  	s0 =	simm.s32 $0x4F60;
	s22 =	simm.s32 @p0 $0xB;
	[sflag:s31] =	ssyncadd.s32 $0xFFFFEC00  }
0x108: {  	[spmem:s3] =	stream.indirect.scatter.add.f32 [tilespmem:s17], [sflag:$0xB], $0x40, s0, s30, $0xb8;
	[tilespmem:$0x1DCE0] =	vst v63  }
0x109: {  	_ =	swait.ge @p0 [sflag:s22], $0x1400  }
0x10a: {  	[sflag:s22] =	ssyncset.done @p0 $0x0  }
0x10b: {  	s31 =	simm.s32 @!p0 $0xB;
	[sflag:s22] =	ssyncadd.s32 @p0 $0xFFFFEC00  }
0x10c: {  	[spmem:s28] =	stream.indirect.scatter.add.f32 @!p0 [tilespmem:s8], [sflag:$0xD], $0x10, s0, s2, $0xb8;
	[tilespmem:$0x1DCE0] =	vst v63  }
0x10d: {  	_ =	swait.ge @!p0 [sflag:s31], $0x1400  }
0x10e: {  	[sflag:s31] =	ssyncset.done @!p0 $0x0  }
0x10f: {  	[sflag:s31] =	ssyncadd.s32 @!p0 $0xFFFFEC00  }
0x110: {  	_ =	swait.ge @!p0 [sflag:s24], $0x500  }
0x111: {  	[sflag:s24] =	ssyncset.done @!p0 $0x0  }
0x112: {  	s26 =	simm.s32 $0x320;
	s21 =	simm.s32 $0x6;
	[sflag:s24] =	ssyncadd.s32 @!p0 $0xFFFFFB00  }
0x113: {  	[tilespmem:s17], [sflag:$0x5] =	stream.indirect.gather [hbm4b:s25+s30], $0x40, s26, s30, $0xb8;
	[tilespmem:$0x1DCE0] =	vst v63  }
0x114: {  	_ =	swait.ge [sflag:s21], $0x1400  }
0x115: {  	[sflag:s21] =	ssyncset.done $0x0  }
0x116: {  	s2 =	simm.s32 $0x4FB0;
	s0 =	simm.s32 @p1 $0xC;
	[sflag:s21] =	ssyncadd.s32 $0xFFFFEC00  }
0x117: {  	[spmem:s3] =	stream.indirect.scatter.add.f32 [tilespmem:s19], [sflag:$0xC], $0x40, s2, s30, $0xb8;
	[tilespmem:$0x1DCE0] =	vst v63  }
0x118: {  	_ =	swait.ge @p1 [sflag:s0], $0x1400  }
0x119: {  	[sflag:s0] =	ssyncset.done @p1 $0x0  }
0x11a: {  	s29 =	simm.s32 @!p1 $0xC;
	[sflag:s0] =	ssyncadd.s32 @p1 $0xFFFFEC00  }
0x11b: {  	[spmem:s28] =	stream.indirect.scatter.add.f32 @!p1 [tilespmem:s23], [sflag:$0xD], $0x10, s2, s5, $0xb8;
	[tilespmem:$0x1DCE0] =	vst v63  }
0x11c: {  	_ =	swait.ge @!p1 [sflag:s29], $0x1400  }
0x11d: {  	[sflag:s29] =	ssyncset.done @!p1 $0x0  }
0x11e: {  	s12 =	simm.s32 $0x5;
	[sflag:s29] =	ssyncadd.s32 @!p1 $0xFFFFEC00  }
0x11f: {  	s14 =	simm.s32 $0x4;
	s16 =	simm.s32 $0x3;
	_ =	swait.ge @!p1 [sflag:s6], $0x500  }
0x120: {  	s8 =	simm.s32 $0x370;
	s17 =	simm.s32 $0x2;
	[sflag:s6] =	ssyncset.done @!p1 $0x0  }
0x121: {  	s19 =	smov.u32 s28;
	s2 =	simm.s32 $0x780;
	[sflag:s6] =	ssyncadd.s32 @!p1 $0xFFFFFB00  }
.LBB2_24:
0x122: {  	s1 =	simm.s32 $0x10040  }
0x123: {  	[tilespmem:s1], [sflag:$0x6] =	stream.indirect.gather [hbm4b:s25+s30], $0x40, s8, s30, $0xb8;
	[tilespmem:$0x1DCE0] =	vst v63  }
0x124: {  	s5 =	smov.u32 s2;
	_ =	swait.ge [sflag:s10], $0x1400  }
0x125: {  	s8 =	sshra.s32 s5, $0x2;
	[sflag:s10] =	ssyncset.done $0x0  }
0x126: {  	s5 =	simm.s32 $0x9C40;
	[sflag:s10] =	ssyncadd.s32 $0xFFFFEC00;
	s10 =	sadd.s32 $0x4E20, s8  }
0x127: {  	[spmem:s3] =	stream.indirect.scatter.add.f32 [tilespmem:s5], [sflag:$0x7], $0x40, s10, s30, $0xb8;
	[tilespmem:$0x1DCE0] =	vst v63  }
0x128: {  	_ =	swait.ge @p0 [sflag:s7], $0x1400  }
0x129: {  	s26 =	simm.s32 @!p0 $0x11440;
	[sflag:s7] =	ssyncset.done @p0 $0x0  }
0x12a: {  	s4 =	simm.s32 @!p0 $0x7;
	s25 =	simm.s32 @!p0 $0x50;
	[sflag:s7] =	ssyncadd.s32 @p0 $0xFFFFEC00  }
0x12b: {  	[spmem:s19] =	stream.indirect.scatter.add.f32 @!p0 [tilespmem:s26], [sflag:$0xD], $0x10, s10, s25, $0xb8;
	[tilespmem:$0x1DCE0] =	vst v63  }
0x12c: {  	_ =	swait.ge @!p0 [sflag:s4], $0x1400  }
0x12d: {  	[sflag:s4] =	ssyncset.done @!p0 $0x0  }
0x12e: {  	[sflag:s4] =	ssyncadd.s32 @!p0 $0xFFFFEC00  }
0x12f: {  	_ =	swait.ge @!p0 [sflag:s24], $0x500  }
0x130: {  	[sflag:s24] =	ssyncset.done @!p0 $0x0  }
0x131: {  	[sflag:s24] =	ssyncadd.s32 @!p0 $0xFFFFFB00  }
0x132: {  	s19 =	sadd.s32 $0x1E0, s8;
	s23 =	rddreg [dreg:$0x0]  }
0x133: {  	[tilespmem:s5], [sflag:$0x1] =	stream.indirect.gather [hbm4b:s23+s30], $0x40, s19, s30, $0xb8;
	[tilespmem:$0x1DCE0] =	vst v63  }
0x134: {  	_ =	swait.ge [sflag:s17], $0x1400  }
0x135: {  	[sflag:s17] =	ssyncset.done $0x0  }
0x136: {  	s10 =	sadd.s32 $0x4E70, s8;
	s23 =	simm.s32 $0xB040;
	[sflag:s17] =	ssyncadd.s32 $0xFFFFEC00  }
0x137: {  	[spmem:s3] =	stream.indirect.scatter.add.f32 [tilespmem:s23], [sflag:$0x8], $0x40, s10, s30, $0xb8;
	[tilespmem:$0x1DCE0] =	vst v63  }
0x138: {  	_ =	swait.ge @p1 [sflag:s11], $0x1400  }
0x139: {  	[sflag:s11] =	ssyncset.done @p1 $0x0  }
0x13a: {  	s5 =	simm.s32 @!p1 $0x50;
	s19 =	simm.s32 @!p1 $0x11440;
	[sflag:s11] =	ssyncadd.s32 @p1 $0xFFFFEC00  }
0x13b: {  	[spmem:s28] =	stream.indirect.scatter.add.f32 @!p1 [tilespmem:s19], [sflag:$0xD], $0x10, s10, s5, $0xb8;
	[tilespmem:$0x1DCE0] =	vst v63  }
0x13c: {  	_ =	swait.ge @!p1 [sflag:s9], $0x1400  }
0x13d: {  	[sflag:s9] =	ssyncset.done @!p1 $0x0  }
0x13e: {  	[sflag:s9] =	ssyncadd.s32 @!p1 $0xFFFFEC00  }
0x13f: {  	_ =	swait.ge @!p1 [sflag:s6], $0x500  }
0x140: {  	[sflag:s6] =	ssyncset.done @!p1 $0x0  }
0x141: {  	[sflag:s6] =	ssyncadd.s32 @!p1 $0xFFFFFB00  }
0x142: {  	s4 =	smov.u32 s3;
	s10 =	sadd.s32 $0x230, s8;
	s3 =	rddreg [dreg:$0x0]  }
0x143: {  	[tilespmem:s23], [sflag:$0x2] =	stream.indirect.gather [hbm4b:s3+s30], $0x40, s10, s30, $0xb8;
	[tilespmem:$0x1DCE0] =	vst v63  }
0x144: {  	_ =	swait.ge [sflag:s16], $0x1400  }
0x145: {  	[sflag:s16] =	ssyncset.done $0x0  }
0x146: {  	s10 =	sadd.s32 $0x4EC0, s8;
	s23 =	simm.s32 $0xC440;
	[sflag:s16] =	ssyncadd.s32 $0xFFFFEC00  }
0x147: {  	[spmem:s4] =	stream.indirect.scatter.add.f32 [tilespmem:s23], [sflag:$0x9], $0x40, s10, s30, $0xb8;
	[tilespmem:$0x1DCE0] =	vst v63  }
0x148: {  	_ =	swait.ge @p0 [sflag:s13], $0x1400  }
0x149: {  	[sflag:s13] =	ssyncset.done @p0 $0x0  }
0x14a: {  	[sflag:s13] =	ssyncadd.s32 @p0 $0xFFFFEC00  }
0x14b: {  	[spmem:s28] =	stream.indirect.scatter.add.f32 @!p0 [tilespmem:s26], [sflag:$0xD], $0x10, s10, s25, $0xb8;
	[tilespmem:$0x1DCE0] =	vst v63  }
0x14c: {  	_ =	swait.ge @!p0 [sflag:s15], $0x1400  }
0x14d: {  	[sflag:s15] =	ssyncset.done @!p0 $0x0  }
0x14e: {  	[sflag:s15] =	ssyncadd.s32 @!p0 $0xFFFFEC00  }
0x14f: {  	_ =	swait.ge @!p0 [sflag:s24], $0x500  }
0x150: {  	[sflag:s24] =	ssyncset.done @!p0 $0x0  }
0x151: {  	[sflag:s24] =	ssyncadd.s32 @!p0 $0xFFFFFB00  }
0x152: {  	s10 =	sadd.s32 $0x280, s8;
	s3 =	rddreg [dreg:$0x0]  }
0x153: {  	[tilespmem:s23], [sflag:$0x3] =	stream.indirect.gather [hbm4b:s3+s30], $0x40, s10, s30, $0xb8;
	[tilespmem:$0x1DCE0] =	vst v63  }
0x154: {  	_ =	swait.ge [sflag:s14], $0x1400  }
0x155: {  	[sflag:s14] =	ssyncset.done $0x0  }
0x156: {  	s10 =	sadd.s32 $0x4F10, s8;
	s23 =	simm.s32 $0xD840;
	[sflag:s14] =	ssyncadd.s32 $0xFFFFEC00  }
0x157: {  	[spmem:s4] =	stream.indirect.scatter.add.f32 [tilespmem:s23], [sflag:$0xA], $0x40, s10, s30, $0xb8;
	[tilespmem:$0x1DCE0] =	vst v63  }
0x158: {  	_ =	swait.ge @p1 [sflag:s18], $0x1400  }
0x159: {  	[sflag:s18] =	ssyncset.done @p1 $0x0  }
0x15a: {  	[sflag:s18] =	ssyncadd.s32 @p1 $0xFFFFEC00  }
0x15b: {  	[spmem:s28] =	stream.indirect.scatter.add.f32 @!p1 [tilespmem:s19], [sflag:$0xD], $0x10, s10, s5, $0xb8;
	[tilespmem:$0x1DCE0] =	vst v63  }
0x15c: {  	_ =	swait.ge @!p1 [sflag:s20], $0x1400  }
0x15d: {  	[sflag:s20] =	ssyncset.done @!p1 $0x0  }
0x15e: {  	[sflag:s20] =	ssyncadd.s32 @!p1 $0xFFFFEC00  }
0x15f: {  	_ =	swait.ge @!p1 [sflag:s6], $0x500  }
0x160: {  	[sflag:s6] =	ssyncset.done @!p1 $0x0  }
0x161: {  	[sflag:s6] =	ssyncadd.s32 @!p1 $0xFFFFFB00  }
0x162: {  	s10 =	sadd.s32 $0x2D0, s8;
	s3 =	rddreg [dreg:$0x0]  }
0x163: {  	[tilespmem:s23], [sflag:$0x4] =	stream.indirect.gather [hbm4b:s3+s30], $0x40, s10, s30, $0xb8;
	[tilespmem:$0x1DCE0] =	vst v63  }
0x164: {  	_ =	swait.ge [sflag:s12], $0x1400  }
0x165: {  	[sflag:s12] =	ssyncset.done $0x0  }
0x166: {  	s10 =	sadd.s32 $0x4F60, s8;
	s23 =	simm.s32 $0xEC40;
	[sflag:s12] =	ssyncadd.s32 $0xFFFFEC00  }
0x167: {  	[spmem:s4] =	stream.indirect.scatter.add.f32 [tilespmem:s23], [sflag:$0xB], $0x40, s10, s30, $0xb8;
	[tilespmem:$0x1DCE0] =	vst v63  }
0x168: {  	_ =	swait.ge @p0 [sflag:s22], $0x1400  }
0x169: {  	[sflag:s22] =	ssyncset.done @p0 $0x0  }
0x16a: {  	[sflag:s22] =	ssyncadd.s32 @p0 $0xFFFFEC00  }
0x16b: {  	[spmem:s28] =	stream.indirect.scatter.add.f32 @!p0 [tilespmem:s26], [sflag:$0xD], $0x10, s10, s25, $0xb8;
	[tilespmem:$0x1DCE0] =	vst v63  }
0x16c: {  	s25 =	rddreg [dreg:$0x0];
	_ =	swait.ge @!p0 [sflag:s31], $0x1400  }
0x16d: {  	[sflag:s31] =	ssyncset.done @!p0 $0x0  }
0x16e: {  	[sflag:s31] =	ssyncadd.s32 @!p0 $0xFFFFEC00  }
0x16f: {  	_ =	swait.ge @!p0 [sflag:s24], $0x500  }
0x170: {  	[sflag:s24] =	ssyncset.done @!p0 $0x0  }
0x171: {  	s10 =	sadd.s32 $0x320, s8;
	[sflag:s24] =	ssyncadd.s32 @!p0 $0xFFFFFB00  }
0x172: {  	[tilespmem:s23], [sflag:$0x5] =	stream.indirect.gather [hbm4b:s25+s30], $0x40, s10, s30, $0xb8;
	[tilespmem:$0x1DCE0] =	vst v63  }
0x173: {  	_ =	swait.ge [sflag:s21], $0x1400  }
0x174: {  	[sflag:s21] =	ssyncset.done $0x0  }
0x175: {  	s10 =	sadd.s32 $0x4FB0, s8;
	[sflag:s21] =	ssyncadd.s32 $0xFFFFEC00  }
0x176: {  	[spmem:s4] =	stream.indirect.scatter.add.f32 [tilespmem:s1], [sflag:$0xC], $0x40, s10, s30, $0xb8;
	[tilespmem:$0x1DCE0] =	vst v63  }
0x177: {  	_ =	swait.ge @p1 [sflag:s0], $0x1400  }
0x178: {  	[sflag:s0] =	ssyncset.done @p1 $0x0  }
0x179: {  	s2 =	sadd.s32 $0x780, s2;
	[sflag:s0] =	ssyncadd.s32 @p1 $0xFFFFEC00  }
0x17a: {  	[spmem:s28] =	stream.indirect.scatter.add.f32 @!p1 [tilespmem:s19], [sflag:$0xD], $0x10, s10, s5, $0xb8;
	[tilespmem:$0x1DCE0] =	vst v63  }
0x17b: {  	p2 =	sne.s32 s2, $0x12C00;
	_ =	swait.ge @!p1 [sflag:s29], $0x1400  }
.Ltmp11:
0x17c: {  	[sflag:s29] =	ssyncset.done @!p1 $0x0;
	(pc) =	sbr.rel @p2 .LBB2_24-.Ltmp11, $4  }
0x17d: {  	[sflag:s29] =	ssyncadd.s32 @!p1 $0xFFFFEC00  }
0x17e: {  	s3 =	smov.u32 s4;
	_ =	swait.ge @!p1 [sflag:s6], $0x500  }
0x17f: {  	s26 =	simm.s32 $0xEC40;
	s8 =	sadd.s32 $0x370, s8;
	[sflag:s6] =	ssyncset.done @!p1 $0x0  }
0x180: {  	s19 =	smov.u32 s28;
	s10 =	simm.s32 $0x1;
	[sflag:s6] =	ssyncadd.s32 @!p1 $0xFFFFFB00  }
0x181: {  	s1 =	simm.s32 $0x10040  }
0x182: {  	[tilespmem:s1], [sflag:$0x6] =	stream.indirect.gather [hbm4b:s25+s30], $0x40, s8, s30, $0xb8;
	[tilespmem:$0x1DCE0] =	vst v63  }
0x183: {  	_ =	swait.ge [sflag:s10], $0x1400  }
0x184: {  	[sflag:s10] =	ssyncset.done $0x0  }
0x185: {  	s2 =	simm.s32 $0x9920;
	s8 =	simm.s32 $0x9C40;
	[sflag:s10] =	ssyncadd.s32 $0xFFFFEC00  }
0x186: {  	[spmem:s3] =	stream.indirect.scatter.add.f32 [tilespmem:s8], [sflag:$0x7], $0x40, s2, s30, $0xb8;
	[tilespmem:$0x1DCE0] =	vst v63  }
0x187: {  	_ =	swait.ge @p0 [sflag:s7], $0x1400  }
0x188: {  	s5 =	simm.s32 @!p0 $0x50;
	[sflag:s7] =	ssyncset.done @p0 $0x0  }
0x189: {  	s2 =	simm.s32 @!p0 $0x9920;
	s8 =	simm.s32 @!p0 $0x11440;
	[sflag:s7] =	ssyncadd.s32 @p0 $0xFFFFEC00  }
0x18a: {  	[spmem:s19] =	stream.indirect.scatter.add.f32 @!p0 [tilespmem:s8], [sflag:$0xD], $0x10, s2, s5, $0xb8;
	[tilespmem:$0x1DCE0] =	vst v63  }
0x18b: {  	s5 =	simm.s32 @!p0 $0x7  }
0x18c: {  	_ =	swait.ge @!p0 [sflag:s5], $0x1400  }
0x18d: {  	[sflag:s5] =	ssyncset.done @!p0 $0x0  }
0x18e: {  	[sflag:s5] =	ssyncadd.s32 @!p0 $0xFFFFEC00  }
0x18f: {  	_ =	swait.ge @!p0 [sflag:s24], $0x500  }
0x190: {  	[sflag:s24] =	ssyncset.done @!p0 $0x0  }
0x191: {  	s23 =	simm.s32 $0x4CE0;
	s1 =	simm.s32 $0x9C40;
	[sflag:s24] =	ssyncadd.s32 @!p0 $0xFFFFFB00  }
0x192: {  	[tilespmem:s1], [sflag:$0x1] =	stream.indirect.gather [hbm4b:s25+s30], $0x40, s23, s30, $0xb8;
	[tilespmem:$0x1DCE0] =	vst v63  }
0x193: {  	_ =	swait.ge [sflag:s17], $0x1400  }
0x194: {  	[sflag:s17] =	ssyncset.done $0x0  }
0x195: {  	s8 =	simm.s32 $0xB040;
	s1 =	simm.s32 $0x9970;
	[sflag:s17] =	ssyncadd.s32 $0xFFFFEC00  }
0x196: {  	[spmem:s4] =	stream.indirect.scatter.add.f32 [tilespmem:s8], [sflag:$0x8], $0x40, s1, s30, $0xb8;
	[tilespmem:$0x1DCE0] =	vst v63  }
0x197: {  	_ =	swait.ge @p1 [sflag:s11], $0x1400  }
0x198: {  	s2 =	simm.s32 @!p1 $0x9970;
	s23 =	simm.s32 @!p1 $0x50;
	[sflag:s11] =	ssyncset.done @p1 $0x0  }
0x199: {  	s1 =	smov.u32 s19;
	s19 =	simm.s32 @!p1 $0x11440;
	[sflag:s11] =	ssyncadd.s32 @p1 $0xFFFFEC00  }
0x19a: {  	[spmem:s1] =	stream.indirect.scatter.add.f32 @!p1 [tilespmem:s19], [sflag:$0xD], $0x10, s2, s23, $0xb8;
	[tilespmem:$0x1DCE0] =	vst v63  }
0x19b: {  	_ =	swait.ge @!p1 [sflag:s9], $0x1400  }
0x19c: {  	[sflag:s9] =	ssyncset.done @!p1 $0x0  }
0x19d: {  	[sflag:s9] =	ssyncadd.s32 @!p1 $0xFFFFEC00  }
0x19e: {  	_ =	swait.ge @!p1 [sflag:s6], $0x500  }
0x19f: {  	[sflag:s6] =	ssyncset.done @!p1 $0x0  }
0x1a0: {  	s8 =	simm.s32 $0xB040;
	s23 =	simm.s32 $0x4D30;
	[sflag:s6] =	ssyncadd.s32 @!p1 $0xFFFFFB00  }
0x1a1: {  	[tilespmem:s8], [sflag:$0x2] =	stream.indirect.gather [hbm4b:s25+s30], $0x40, s23, s30, $0xb8;
	[tilespmem:$0x1DCE0] =	vst v63  }
0x1a2: {  	_ =	swait.ge [sflag:s16], $0x1400  }
0x1a3: {  	[sflag:s16] =	ssyncset.done $0x0  }
0x1a4: {  	s8 =	simm.s32 $0x99C0;
	s23 =	simm.s32 $0xC440;
	[sflag:s16] =	ssyncadd.s32 $0xFFFFEC00  }
0x1a5: {  	[spmem:s4] =	stream.indirect.scatter.add.f32 [tilespmem:s23], [sflag:$0x9], $0x40, s8, s30, $0xb8;
	[tilespmem:$0x1DCE0] =	vst v63  }
0x1a6: {  	_ =	swait.ge @p0 [sflag:s13], $0x1400  }
0x1a7: {  	s3 =	smov.u32 s25;
	s2 =	simm.s32 @!p0 $0x99C0;
	[sflag:s13] =	ssyncset.done @p0 $0x0  }
0x1a8: {  	s25 =	simm.s32 @!p0 $0x50;
	s23 =	simm.s32 @!p0 $0x11440;
	[sflag:s13] =	ssyncadd.s32 @p0 $0xFFFFEC00  }
0x1a9: {  	[spmem:s1] =	stream.indirect.scatter.add.f32 @!p0 [tilespmem:s23], [sflag:$0xD], $0x10, s2, s25, $0xb8;
	[tilespmem:$0x1DCE0] =	vst v63  }
0x1aa: {  	_ =	swait.ge @!p0 [sflag:s15], $0x1400  }
0x1ab: {  	[sflag:s15] =	ssyncset.done @!p0 $0x0  }
0x1ac: {  	[sflag:s15] =	ssyncadd.s32 @!p0 $0xFFFFEC00  }
0x1ad: {  	_ =	swait.ge @!p0 [sflag:s24], $0x500  }
0x1ae: {  	[sflag:s24] =	ssyncset.done @!p0 $0x0  }
0x1af: {  	s8 =	simm.s32 $0xC440;
	s25 =	simm.s32 $0x4D80;
	[sflag:s24] =	ssyncadd.s32 @!p0 $0xFFFFFB00  }
0x1b0: {  	[tilespmem:s8], [sflag:$0x3] =	stream.indirect.gather [hbm4b:s3+s30], $0x40, s25, s30, $0xb8;
	[tilespmem:$0x1DCE0] =	vst v63  }
0x1b1: {  	_ =	swait.ge [sflag:s14], $0x1400  }
0x1b2: {  	[sflag:s14] =	ssyncset.done $0x0  }
0x1b3: {  	s23 =	simm.s32 $0xD840;
	s8 =	simm.s32 $0x9A10;
	[sflag:s14] =	ssyncadd.s32 $0xFFFFEC00  }
0x1b4: {  	[spmem:s4] =	stream.indirect.scatter.add.f32 [tilespmem:s23], [sflag:$0xA], $0x40, s8, s30, $0xb8;
	[tilespmem:$0x1DCE0] =	vst v63  }
0x1b5: {  	_ =	swait.ge @p1 [sflag:s18], $0x1400  }
0x1b6: {  	[sflag:s18] =	ssyncset.done @p1 $0x0  }
0x1b7: {  	s2 =	simm.s32 @!p1 $0x9A10;
	s23 =	simm.s32 @!p1 $0x50;
	[sflag:s18] =	ssyncadd.s32 @p1 $0xFFFFEC00  }
0x1b8: {  	[spmem:s1] =	stream.indirect.scatter.add.f32 @!p1 [tilespmem:s19], [sflag:$0xD], $0x10, s2, s23, $0xb8;
	[tilespmem:$0x1DCE0] =	vst v63  }
0x1b9: {  	_ =	swait.ge @!p1 [sflag:s20], $0x1400  }
0x1ba: {  	[sflag:s20] =	ssyncset.done @!p1 $0x0  }
0x1bb: {  	[sflag:s20] =	ssyncadd.s32 @!p1 $0xFFFFEC00  }
0x1bc: {  	_ =	swait.ge @!p1 [sflag:s6], $0x500  }
0x1bd: {  	[sflag:s6] =	ssyncset.done @!p1 $0x0  }
0x1be: {  	s25 =	simm.s32 $0x4DD0;
	s8 =	simm.s32 $0xD840;
	[sflag:s6] =	ssyncadd.s32 @!p1 $0xFFFFFB00  }
0x1bf: {  	[tilespmem:s8], [sflag:$0x4] =	stream.indirect.gather [hbm4b:s3+s30], $0x40, s25, s30, $0xb8;
	[tilespmem:$0x1DCE0] =	vst v63  }
0x1c0: {  	_ =	swait.ge [sflag:s12], $0x1400  }
0x1c1: {  	[sflag:s12] =	ssyncset.done $0x0  }
0x1c2: {  	[sflag:s12] =	ssyncadd.s32 $0xFFFFEC00;
	s12 =	simm.s32 $0x9A60  }
0x1c3: {  	[spmem:s4] =	stream.indirect.scatter.add.f32 [tilespmem:s26], [sflag:$0xB], $0x40, s12, s30, $0xb8;
	[tilespmem:$0x1DCE0] =	vst v63  }
0x1c4: {  	_ =	swait.ge @p0 [sflag:s22], $0x1400  }
0x1c5: {  	s2 =	simm.s32 @!p0 $0x9A60;
	s3 =	smov.u32 s4;
	[sflag:s22] =	ssyncset.done @p0 $0x0  }
0x1c6: {  	s4 =	simm.s32 @!p0 $0x50;
	[sflag:s22] =	ssyncadd.s32 @p0 $0xFFFFEC00;
	s22 =	simm.s32 @!p0 $0x11440  }
0x1c7: {  	[spmem:s1] =	stream.indirect.scatter.add.f32 @!p0 [tilespmem:s22], [sflag:$0xD], $0x10, s2, s4, $0xb8;
	[tilespmem:$0x1DCE0] =	vst v63  }
0x1c8: {  	_ =	swait.ge @!p0 [sflag:s31], $0x1400  }
0x1c9: {  	[sflag:s31] =	ssyncset.done @!p0 $0x0  }
0x1ca: {  	[sflag:s31] =	ssyncadd.s32 @!p0 $0xFFFFEC00  }
0x1cb: {  	_ =	swait.ge @!p0 [sflag:s24], $0x500  }
0x1cc: {  	[sflag:s24] =	ssyncset.done @!p0 $0x0  }
0x1cd: {  	[sflag:s24] =	ssyncadd.s32 @!p0 $0xFFFFFB00  }
0x1ce: {  	_ =	swait.ge [sflag:s21], $0x1400  }
0x1cf: {  	[sflag:s21] =	ssyncset.done $0x0  }
0x1d0: {  	s23 =	simm.s32 $0x9AB0;
	s25 =	simm.s32 $0x10040;
	[sflag:s21] =	ssyncadd.s32 $0xFFFFEC00  }
0x1d1: {  	[spmem:s3] =	stream.indirect.scatter.add.f32 [tilespmem:s25], [sflag:$0xC], $0x40, s23, s30, $0xb8;
	[tilespmem:$0x1DCE0] =	vst v63  }
0x1d2: {  	_ =	swait.ge @p1 [sflag:s0], $0x1400  }
0x1d3: {  	[sflag:s0] =	ssyncset.done @p1 $0x0  }
0x1d4: {  	s12 =	simm.s32 @!p1 $0x50;
	[sflag:s0] =	ssyncadd.s32 @p1 $0xFFFFEC00;
	s0 =	simm.s32 @!p1 $0x9AB0  }
0x1d5: {  	[spmem:s1] =	stream.indirect.scatter.add.f32 @!p1 [tilespmem:s19], [sflag:$0xD], $0x10, s0, s12, $0xb8;
	[tilespmem:$0x1DCE0] =	vst v63  }
0x1d6: {  	_ =	swait.ge @!p1 [sflag:s29], $0x1400  }
0x1d7: {  	[sflag:s29] =	ssyncset.done @!p1 $0x0  }
0x1d8: {  	[sflag:s29] =	ssyncadd.s32 @!p1 $0xFFFFEC00  }
0x1d9: {  	_ =	swait.ge @!p1 [sflag:s6], $0x500  }
0x1da: {  	[sflag:s6] =	ssyncset.done @!p1 $0x0  }
0x1db: {  	[sflag:s6] =	ssyncadd.s32 @!p1 $0xFFFFFB00  }
0x1dc: {  	_ =	swait.ge [sflag:s10], $0x1400  }
0x1dd: {  	[sflag:s10] =	ssyncset.done $0x0  }
0x1de: {  	s26 =	simm.s32 $0x9B00;
	s31 =	simm.s32 $0x9C40;
	[sflag:s10] =	ssyncadd.s32 $0xFFFFEC00  }
0x1df: {  	[spmem:s3] =	stream.indirect.scatter.add.f32 [tilespmem:s31], [sflag:$0x7], $0x40, s26, s30, $0xb8;
	[tilespmem:$0x1DCE0] =	vst v63  }
0x1e0: {  	_ =	swait.ge @p0 [sflag:s7], $0x1400  }
0x1e1: {  	[sflag:s7] =	ssyncset.done @p0 $0x0  }
0x1e2: {  	s0 =	simm.s32 @!p0 $0x9B00;
	[sflag:s7] =	ssyncadd.s32 @p0 $0xFFFFEC00  }
0x1e3: {  	[spmem:s1] =	stream.indirect.scatter.add.f32 @!p0 [tilespmem:s22], [sflag:$0xD], $0x10, s0, s4, $0xb8;
	[tilespmem:$0x1DCE0] =	vst v63  }
0x1e4: {  	_ =	swait.ge @!p0 [sflag:s5], $0x1400  }
0x1e5: {  	[sflag:s5] =	ssyncset.done @!p0 $0x0  }
0x1e6: {  	[sflag:s5] =	ssyncadd.s32 @!p0 $0xFFFFEC00  }
0x1e7: {  	_ =	swait.ge @!p0 [sflag:s24], $0x500  }
0x1e8: {  	[sflag:s24] =	ssyncset.done @!p0 $0x0  }
0x1e9: {  	[sflag:s24] =	ssyncadd.s32 @!p0 $0xFFFFFB00  }
0x1ea: {  	_ =	swait.ge [sflag:s17], $0x1400  }
0x1eb: {  	[sflag:s17] =	ssyncset.done $0x0  }
0x1ec: {  	s4 =	simm.s32 $0x9B50;
	s5 =	simm.s32 $0xB040;
	[sflag:s17] =	ssyncadd.s32 $0xFFFFEC00  }
0x1ed: {  	[spmem:s3] =	stream.indirect.scatter.add.f32 [tilespmem:s5], [sflag:$0x8], $0x40, s4, s30, $0xb8;
	[tilespmem:$0x1DCE0] =	vst v63  }
0x1ee: {  	_ =	swait.ge @p1 [sflag:s11], $0x1400  }
0x1ef: {  	[sflag:s11] =	ssyncset.done @p1 $0x0  }
0x1f0: {  	s0 =	simm.s32 @!p1 $0x9B50;
	[sflag:s11] =	ssyncadd.s32 @p1 $0xFFFFEC00  }
0x1f1: {  	[spmem:s1] =	stream.indirect.scatter.add.f32 @!p1 [tilespmem:s19], [sflag:$0xD], $0x10, s0, s12, $0xb8;
	[tilespmem:$0x1DCE0] =	vst v63  }
0x1f2: {  	_ =	swait.ge @!p1 [sflag:s9], $0x1400  }
0x1f3: {  	[sflag:s9] =	ssyncset.done @!p1 $0x0  }
0x1f4: {  	[sflag:s9] =	ssyncadd.s32 @!p1 $0xFFFFEC00  }
0x1f5: {  	_ =	swait.ge @!p1 [sflag:s6], $0x500  }
0x1f6: {  	[sflag:s6] =	ssyncset.done @!p1 $0x0  }
0x1f7: {  	[sflag:s6] =	ssyncadd.s32 @!p1 $0xFFFFFB00  }
0x1f8: {  	_ =	swait.ge [sflag:s16], $0x1400  }
0x1f9: {  	[sflag:s16] =	ssyncset.done $0x0  }
0x1fa: {  	s12 =	simm.s32 $0x9BA0;
	[sflag:s16] =	ssyncadd.s32 $0xFFFFEC00;
	s16 =	simm.s32 $0xC440  }
0x1fb: {  	[spmem:s3] =	stream.indirect.scatter.add.f32 [tilespmem:s16], [sflag:$0x9], $0x40, s12, s30, $0xb8;
	[tilespmem:$0x1DCE0] =	vst v63  }
0x1fc: {  	_ =	swait.ge @p0 [sflag:s13], $0x1400  }
0x1fd: {  	s2 =	simm.s32 @!p0 $0x50;
	[sflag:s13] =	ssyncset.done @p0 $0x0  }
0x1fe: {  	s7 =	simm.s32 @!p0 $0x11440;
	s0 =	simm.s32 @!p0 $0x9BA0;
	[sflag:s13] =	ssyncadd.s32 @p0 $0xFFFFEC00  }
0x1ff: {  	[spmem:s1] =	stream.indirect.scatter.add.f32 @!p0 [tilespmem:s7], [sflag:$0xD], $0x10, s0, s2, $0xb8;
	[tilespmem:$0x1DCE0] =	vst v63  }
0x200: {  	_ =	swait.ge @!p0 [sflag:s15], $0x1400  }
0x201: {  	[sflag:s15] =	ssyncset.done @!p0 $0x0  }
0x202: {  	[sflag:s15] =	ssyncadd.s32 @!p0 $0xFFFFEC00  }
0x203: {  	_ =	swait.ge @!p0 [sflag:s24], $0x500  }
0x204: {  	[sflag:s24] =	ssyncset.done @!p0 $0x0  }
0x205: {  	[sflag:s24] =	ssyncadd.s32 @!p0 $0xFFFFFB00  }
0x206: {  	_ =	swait.ge [sflag:s14], $0x1400  }
0x207: {  	[sflag:s14] =	ssyncset.done $0x0  }
0x208: {  	s17 =	simm.s32 $0x9BF0;
	[sflag:s14] =	ssyncadd.s32 $0xFFFFEC00  }
0x209: {  	[spmem:s3] =	stream.indirect.scatter.add.f32 [tilespmem:s8], [sflag:$0xA], $0x40, s17, s30, $0xb8;
	[tilespmem:$0x1DCE0] =	vst v63  }
0x20a: {  	_ =	swait.ge @p1 [sflag:s18], $0x1400  }
0x20b: {  	[sflag:s18] =	ssyncset.done @p1 $0x0  }
0x20c: {  	s5 =	simm.s32 @!p1 $0x50;
	s0 =	simm.s32 @!p1 $0x9BF0;
	[sflag:s18] =	ssyncadd.s32 @p1 $0xFFFFEC00  }
0x20d: {  	[spmem:s1] =	stream.indirect.scatter.add.f32 @!p1 [tilespmem:s19], [sflag:$0xD], $0x10, s0, s5, $0xb8;
	[tilespmem:$0x1DCE0] =	vst v63  }
0x20e: {  	_ =	swait.ge @!p1 [sflag:s20], $0x1400  }
0x20f: {  	[sflag:s20] =	ssyncset.done @!p1 $0x0  }
0x210: {  	[sflag:s20] =	ssyncadd.s32 @!p1 $0xFFFFEC00  }
0x211: {  	_ =	swait.ge @!p1 [sflag:s6], $0x500  }
0x212: {  	[sflag:s6] =	ssyncset.done @!p1 $0x0  }
0x213: {  	s23 =	simm.s32 $0x8;
	[sflag:s6] =	ssyncadd.s32 @!p1 $0xFFFFFB00  }
0x214: {  	s22 =	simm.s32 $0x10;
	s19 =	stileid.u32;
	[bflag:$0x0] =	sbarrier.arrive $0xFFFF  }
0x215: {  	s7 =	simm.s32 $0xE;
	s0 =	sshll.u32 s19, $0x6;
	s18 =	rddreg [dreg:$0x7]  }
0x216: {  	s0 =	sor.u32 $0x1C0E, s0;
	s21 =	rddreg [dreg:$0x19];
	s20 =	sshrl.u32 s18, $0x3  }
0x217: {  	[hbm:s21@s22], [sflag:s0] =	dma.strided [spmem:s20@s23], $0x1390, s10, $0x8   }
0x218: {  	_ =	swait.ge [sflag:s7], $0x1390  }
0x219: {  	[sflag:s7] =	ssyncset.done $0x0;
	s20 =	rddreg [dreg:$0x8]  }
0x21a: {  	s25 =	rddreg [dreg:$0x1a];
	[sflag:s7] =	ssyncadd.s32 $0xFFFFEC70;
	s24 =	sshrl.u32 s20, $0x3  }
0x21b: {  	[hbm:s25], [sflag:s0] =	dma.local [spmem:s24], $0x4E4  }
0x21c: {  	_ =	swait.ge [sflag:s7], $0x4E4  }
0x21d: {  	s26 =	rddreg [dreg:$0x6]  }
0x21e: {  	s31 =	rddreg [dreg:$0x1b]  }
0x21f: {  	s22 =	rddreg [dreg:$0xa];
	s15 =	sadd.s32 $0x1, s26  }
0x220: {  	s29 =	simm.s32 $0x4;
	s23 =	rddreg [dreg:$0xc];
	p2 =	sne.s32 s15, s31  }
.Ltmp12:
0x221: {  	s11 =	simm.s32 $0x2;
	s24 =	rddreg [dreg:$0xe];
	(pc) =	sbr.rel @p2 .LBB2_1-.Ltmp12, $4  }
0x222: {  	s9 =	simm.s32 $0x9C40;
	s12 =	simm.s32 $0xB040;
	s13 =	rddreg [dreg:$0x10]  }
0x223: {  	s16 =	simm.s32 $0xD840;
	s14 =	simm.s32 $0xC440;
	s25 =	rddreg [dreg:$0x13]  }
0x224: {  	s19 =	simm.s32 $0x10040;
	[sflag:s7] =	ssyncset.done $0x0;
	s10 =	rddreg [dreg:$0x15]  }
0x225: {  	s21 =	simm.s32 $0x3;
	s8 =	rddreg [dreg:$0x17];
	[sflag:s7] =	ssyncadd.s32 $0xFFFFFB1C  }
0x226: {  	_ =	sfence.sel $0x180000  }
0x227: {  	[bflag:$0x0] =	sbarrier.arrive $0xFFFF  }
0x228: {  	_ =	strace $0x90000047  }
0x229: {  	s0 =	stileid.u32;
	[bflag:$0x2] =	sbarrier.arrive $0xFFFF  }
0x22a: {  	p0 =	sne.s32 s0, $0x0;
	s0 =	rddreg [dreg:$0x5]  }
0x22b: {  	s0 =	sadd.s32 @!p0 $0x100000, s0  }
0x22c: {  	[sflag:s0] =	ssyncadd.tile.s32 @!p0 $0x1;
	_ =	shalt  }
.Lfunc_end2:
_tile_overlayer_lowered:
.L_overlay_start_2:
0x22d: {  	(tag) =	ssettag $0x2  }
0x22e: {  	s0 =	rddreg [dreg:$0x0];
	s2 =	stileid.u32  }
0x22f: {  	s1 =	rddreg [dreg:$0x1];
	p0 =	sne.s32 s2, $0x0  }
0x230: {  	s3 =	rddreg [dreg:$0x2];
	[bflag:$0x3] =	sbarrier.arrive $0xFFFF;
	s2 =	simm.s32 @!p0 $0x1C0E  }
0x231: {  	[timem:s3], [sflag:s2] =	dma.local @!p0 [hbm:s0], s1  }
0x232: {  	s0 =	simm.s32 @!p0 $0xE  }
0x233: {  	_ =	swait.ge @!p0 [sflag:s0], s1  }
0x234: {  	s1 =	ssub.s32 @!p0 $0x0, s1;
	[sflag:s0] =	ssyncset.done @!p0 $0x0  }
0x235: {  	[sflag:s0] =	ssyncadd.s32 @!p0 s1  }
0x236: {  	[bflag:$0x3] =	sbarrier.arrive $0xFFFF  }
0x237: {  	_ =	shalt  }

</sc_bundles>
